<compile_context>
chip_gen: v7x
topology: tpu7x:2x2x1
jax: 0.10.2.dev20260603
libtpu: 0.0.44.dev20260713+nightly
codegen_flags: <defaults>
</compile_context>

<pallas_src>
import functools

import jax
import jax.numpy as jnp
from jax import lax
from jax.experimental import pallas as pl
from jax.experimental.pallas import tpu as pltpu
from jax.experimental.pallas import tpu_sc as plsc

N = 10000
E = 320000
IN_F = 128
HID = 64
OUT_F = 40
OUT_P = 48

NC, NS = 2, 16
NW = NC * NS
ROWS_PER_S = 640
NP = NS * ROWS_PER_S
CHUNK = 128
CH_PER_W = 80
NCHUNK = NW * CH_PER_W
EPAD = NCHUNK * CHUNK
NBUF = 8

_MESH = dict(core_axis_name="c", subcore_axis_name="s")
_SC_PARAMS = pltpu.CompilerParams(use_tc_tiling_on_sc=False)


def _worker_ids():
    cid = lax.axis_index("c")
    sid = lax.axis_index("s")
    return cid, sid, sid * NC + cid


NCHUNK_RAW = E // CHUNK
CH_LO = NCHUNK_RAW // NW
CH_EXTRA = NCHUNK_RAW - CH_LO * NW


@functools.partial(
    pl.kernel,
    out_type=jax.ShapeDtypeStruct((2, NC, NP), jnp.float32),
    mesh=plsc.VectorSubcoreMesh(**_MESH),
    compiler_params=pltpu.CompilerParams(use_tc_tiling_on_sc=True),
    scratch_types=[
        pltpu.VMEM((CH_LO + 1, CHUNK), jnp.int32),
        pltpu.VMEM((CH_LO + 1, CHUNK), jnp.int32),
        pltpu.VMEM((CHUNK,), jnp.float32),
        pltpu.VMEM((ROWS_PER_S,), jnp.float32),
        pltpu.SemaphoreType.DMA,
        pltpu.SemaphoreType.DMA,
        pltpu.VMEM_SHARED((NP,), jnp.float32),
        pltpu.VMEM_SHARED((NP,), jnp.float32),
    ],
)
def _deg_kernel(ei_hbm, degs_hbm, isrc_v, idst_v, ones_v, zeros_v,
                sem_s, sem_d, dout_sh, din_sh):
    cid, sid, wid = _worker_ids()
    start = wid * CH_LO + jnp.minimum(wid, CH_EXTRA)
    nch = CH_LO + jnp.where(wid < CH_EXTRA, 1, 0)

    def fetch_body(k, _):
        @pl.when(k < nch)
        def _():
            pltpu.async_copy(ei_hbm.at[0, pl.ds((start + k) * CHUNK, CHUNK)],
                             isrc_v.at[k], sem_s)
            pltpu.async_copy(ei_hbm.at[1, pl.ds((start + k) * CHUNK, CHUNK)],
                             idst_v.at[k], sem_d)
        return 0

    lax.fori_loop(0, CH_LO + 1, fetch_body, 0)

    def fill_ones(i, _):
        ones_v[pl.ds(i * 16, 16)] = jnp.ones((16,), jnp.float32)
        return 0

    lax.fori_loop(0, CHUNK // 16, fill_ones, 0)

    def fill_zeros(i, _):
        zeros_v[pl.ds(i * 16, 16)] = jnp.zeros((16,), jnp.float32)
        return 0

    lax.fori_loop(0, ROWS_PER_S // 16, fill_zeros, 0)

    base = sid * ROWS_PER_S
    pltpu.sync_copy(zeros_v, dout_sh.at[pl.ds(base, ROWS_PER_S)])
    pltpu.sync_copy(zeros_v, din_sh.at[pl.ds(base, ROWS_PER_S)])

    def drain_body(k, _):
        @pl.when(k < nch)
        def _():
            pltpu.make_async_copy(ei_hbm.at[0, pl.ds(0, CHUNK)],
                                  isrc_v.at[k], sem_s).wait()
            pltpu.make_async_copy(ei_hbm.at[1, pl.ds(0, CHUNK)],
                                  idst_v.at[k], sem_d).wait()
        return 0

    lax.fori_loop(0, CH_LO + 1, drain_body, 0)
    plsc.subcore_barrier()

    pltpu.async_copy(ones_v, dout_sh.at[isrc_v.at[0]], sem_s, add=True)
    pltpu.async_copy(ones_v, din_sh.at[idst_v.at[0]], sem_d, add=True)

    def chunk_body(k, _):
        @pl.when(k < nch)
        def _():
            pltpu.async_copy(ones_v, dout_sh.at[isrc_v.at[k]], sem_s,
                             add=True)
            pltpu.async_copy(ones_v, din_sh.at[idst_v.at[k]], sem_d,
                             add=True)

        @pl.when(k <= nch)
        def _():
            pltpu.make_async_copy(ones_v, dout_sh.at[isrc_v.at[0]],
                                  sem_s).wait()
            pltpu.make_async_copy(ones_v, din_sh.at[idst_v.at[0]],
                                  sem_d).wait()
        return 0

    lax.fori_loop(1, CH_LO + 1, chunk_body, 0)

    @pl.when(CH_LO < nch)
    def _():
        pltpu.make_async_copy(ones_v, dout_sh.at[isrc_v.at[0]],
                              sem_s).wait()
        pltpu.make_async_copy(ones_v, din_sh.at[idst_v.at[0]],
                              sem_d).wait()

    plsc.subcore_barrier()
    pltpu.sync_copy(dout_sh.at[pl.ds(base, ROWS_PER_S)],
                    degs_hbm.at[0, cid, pl.ds(base, ROWS_PER_S)])
    pltpu.sync_copy(din_sh.at[pl.ds(base, ROWS_PER_S)],
                    degs_hbm.at[1, cid, pl.ds(base, ROWS_PER_S)])


def _make_agg(F):
    @functools.partial(
        pl.kernel,
        out_type=jax.ShapeDtypeStruct((NC, NP, F), jnp.float32),
        mesh=plsc.VectorSubcoreMesh(**_MESH),
        compiler_params=_SC_PARAMS,
        scratch_types=(
            [pltpu.VMEM((CH_PER_W, CHUNK), jnp.int32),
             pltpu.VMEM((CH_PER_W, CHUNK), jnp.int32)]
            + [pltpu.VMEM((CHUNK, F), jnp.float32) for _ in range(NBUF)]
            + [pltpu.SemaphoreType.DMA for _ in range(NBUF)]
            + [pltpu.SemaphoreType.DMA,
               pltpu.VMEM_SHARED((NP, F), jnp.float32)]
        ),
    )
    def _agg_kernel(h_hbm, ei_hbm, out_hbm, isrc_v, idst_v, *rest):
        msgs = rest[:NBUF]
        gsems = rest[NBUF:2 * NBUF]
        isem = rest[2 * NBUF]
        agg_sh = rest[2 * NBUF + 1]
        cid, sid, wid = _worker_ids()
        pltpu.async_copy(ei_hbm.at[0, pl.ds(wid * CH_PER_W, CH_PER_W)],
                         isrc_v, isem)
        pltpu.async_copy(ei_hbm.at[1, pl.ds(wid * CH_PER_W, CH_PER_W)],
                         idst_v, isem)

        def fill_zeros(r, _):
            for l in range(F // 16):
                msgs[0][r, pl.ds(l * 16, 16)] = jnp.zeros((16,), jnp.float32)
            return 0

        lax.fori_loop(0, CHUNK, fill_zeros, 0)
        base = sid * ROWS_PER_S
        for t in range(ROWS_PER_S // CHUNK):
            pltpu.sync_copy(msgs[0], agg_sh.at[pl.ds(base + t * CHUNK, CHUNK)])
        pltpu.make_async_copy(ei_hbm.at[0, pl.ds(0, CH_PER_W)], isrc_v,
                              isem).wait()
        pltpu.make_async_copy(ei_hbm.at[1, pl.ds(0, CH_PER_W)], idst_v,
                              isem).wait()
        plsc.subcore_barrier()

        for j in range(NBUF):
            pltpu.async_copy(h_hbm.at[isrc_v.at[j]], msgs[j], gsems[j])

        def chunk_body(i, _):
            k0 = i * NBUF
            for j in range(NBUF):
                pltpu.make_async_copy(h_hbm.at[isrc_v.at[k0 + j]], msgs[j],
                                      gsems[j]).wait()
                pltpu.sync_copy(msgs[j], agg_sh.at[idst_v.at[k0 + j]],
                                add=True)

                @pl.when(i < CH_PER_W // NBUF - 1)
                def _():
                    pltpu.async_copy(h_hbm.at[isrc_v.at[k0 + NBUF + j]],
                                     msgs[j], gsems[j])

            return 0

        lax.fori_loop(0, CH_PER_W // NBUF, chunk_body, 0)
        plsc.subcore_barrier()
        pltpu.sync_copy(agg_sh.at[pl.ds(base, ROWS_PER_S)],
                        out_hbm.at[cid, pl.ds(base, ROWS_PER_S)])

    return _agg_kernel


_agg_hid = _make_agg(HID)
_agg_out = _make_agg(OUT_P)


def _mm1_body(x_ref, w_ref, o_ref):
    o_ref[...] = jnp.dot(x_ref[...], w_ref[...],
                         preferred_element_type=jnp.float32)


def _scale1_body(u_ref, degs_ref, o_ref):
    d = degs_ref[0, 0, :N] + degs_ref[0, 1, :N]
    s = lax.rsqrt(jnp.maximum(d, 1.0))
    h = u_ref[...] * s[:, None]
    o_ref[...] = jnp.concatenate(
        [h, jnp.zeros((NP - N, HID), jnp.float32)], axis=0)


def _mid_body(a_ref, degs_ref, b1_ref, w2_ref, o_ref):
    agg = a_ref[0, :N, :] + a_ref[1, :N, :]
    din = degs_ref[1, 0, :N] + degs_ref[1, 1, :N]
    dout = degs_ref[0, 0, :N] + degs_ref[0, 1, :N]
    si = lax.rsqrt(jnp.maximum(din, 1.0))
    so = lax.rsqrt(jnp.maximum(dout, 1.0))
    t = jnp.maximum(agg * si[:, None] + b1_ref[0, :][None, :], 0.0)
    h = jnp.dot(t, w2_ref[...],
                preferred_element_type=jnp.float32) * so[:, None]
    o_ref[...] = jnp.concatenate(
        [h, jnp.zeros((NP - N, OUT_P), jnp.float32)], axis=0)


def _out_body(a_ref, degs_ref, b2_ref, o_ref):
    agg = a_ref[0, :N, :OUT_F] + a_ref[1, :N, :OUT_F]
    din = degs_ref[1, 0, :N] + degs_ref[1, 1, :N]
    si = lax.rsqrt(jnp.maximum(din, 1.0))
    o_ref[...] = agg * si[:, None] + b2_ref[0, :][None, :]


_mm1 = pl.pallas_call(
    _mm1_body, out_shape=jax.ShapeDtypeStruct((N, HID), jnp.float32))
_scale1 = pl.pallas_call(
    _scale1_body, out_shape=jax.ShapeDtypeStruct((NP, HID), jnp.float32))
_mid = pl.pallas_call(
    _mid_body, out_shape=jax.ShapeDtypeStruct((NP, OUT_P), jnp.float32))
_out = pl.pallas_call(
    _out_body, out_shape=jax.ShapeDtypeStruct((N, OUT_F), jnp.float32))


def kernel(features, edge_index, W1, b1, W2, b2):
    ei = edge_index.astype(jnp.int32)
    npad = EPAD - E
    sent = (N + (jnp.arange(npad, dtype=jnp.int32) % (NP - N))).reshape(1, npad)
    pad = jnp.concatenate([sent, sent], axis=0)
    ei_pad = jnp.concatenate([ei, pad], axis=1).reshape(2, NCHUNK, CHUNK)

    degs = _deg_kernel(ei)
    u = _mm1(features, W1)
    h1s = _scale1(u, degs)
    agg1 = _agg_hid(h1s, ei_pad)
    w2p = jnp.pad(W2, ((0, 0), (0, OUT_P - OUT_F)))
    h2s = _mid(agg1, degs, b1.reshape(1, -1), w2p)
    agg2 = _agg_out(h2s, ei_pad)
    return _out(agg2, degs, b2.reshape(1, -1))

# --- scband reference (transcript-rebuilt; emitter-appended) ---
"""Pipeline reference for scband-gcn-leo-9448928051730 (READ-ONLY COPY).

The authoritative reference and input builder live on the scoring server;
editing this copy changes nothing except your own understanding.
"""

import jax, jax.numpy as jnp
import numpy as np

N_NODES = 10000
N_EDGES = 320000
IN_SIZE = 128
HID_SIZE = 64
OUT_SIZE = 40


def setup_inputs(seed: int = 0) -> dict:
    key = jax.random.key(seed)
    k1, k2, k3, k4, k5, k6 = jax.random.split(key, 6)
    features = jax.random.normal(k1, (N_NODES, IN_SIZE), dtype=jnp.float32)
    edge_index = jax.random.randint(k2, (2, N_EDGES), 0, N_NODES, dtype=jnp.int64)
    # Glorot-uniform init like DGL GraphConv
    lim1 = float(np.sqrt(6.0 / (IN_SIZE + HID_SIZE)))
    W1 = jax.random.uniform(k3, (IN_SIZE, HID_SIZE), minval=-lim1, maxval=lim1, dtype=jnp.float32)
    b1 = jnp.zeros((HID_SIZE,), dtype=jnp.float32)
    lim2 = float(np.sqrt(6.0 / (HID_SIZE + OUT_SIZE)))
    W2 = jax.random.uniform(k4, (HID_SIZE, OUT_SIZE), minval=-lim2, maxval=lim2, dtype=jnp.float32)
    b2 = jnp.zeros((OUT_SIZE,), dtype=jnp.float32)
    return {"features": features, "edge_index": edge_index, "W1": W1, "b1": b1, "W2": W2, "b2": b2}


def _graph_conv(x, src, dst, W, b, n_nodes):
    # DGL GraphConv with norm='both':
    #   h = (D_in^{-1/2} A D_out^{-1/2} (x W)) + b
    h = x @ W
    out_deg = jnp.zeros((n_nodes,), dtype=h.dtype).at[src].add(1.0)
    in_deg = jnp.zeros((n_nodes,), dtype=h.dtype).at[dst].add(1.0)
    out_deg = jnp.clip(out_deg, 1.0, None)
    in_deg = jnp.clip(in_deg, 1.0, None)
    h = h * (out_deg ** -0.5)[:, None]
    msg = jnp.take(h, src, axis=0)
    agg = jnp.zeros((n_nodes, h.shape[1]), dtype=h.dtype).at[dst].add(msg)
    agg = agg * (in_deg ** -0.5)[:, None]
    return agg + b


def reference(features, edge_index, W1, b1, W2, b2):
    src = edge_index[0]
    dst = edge_index[1]
    n = features.shape[0]
    h = _graph_conv(features, src, dst, W1, b1, n)
    h = jax.nn.relu(h)
    # dropout is identity in eval/reference mode
    out = _graph_conv(h, src, dst, W2, b2, n)
    return out

if __name__ == "__main__":
    import jax
    _d = setup_inputs()
    print(jax.jit(kernel)(*tuple(_d.values())))

</pallas_src>

<mosaic_0001>
#map = affine_map<(d0, d1) -> (0, 0)>
#map1 = affine_map<(d0, d1) -> (0, 0, 0)>
module attributes {stable_mosaic.version = 14 : i64} {
  func.func @_agg_kernel(%arg0: i32, %arg1: i32, %arg2: memref<10240x64xf32, #tpu.memory_space<hbm>>, %arg3: memref<2x2560x128xi32, #tpu.memory_space<hbm>>, %arg4: memref<2x10240x64xf32, #tpu.memory_space<hbm>>, %arg5: memref<80x128xi32, #tpu.memory_space<vmem>>, %arg6: memref<80x128xi32, #tpu.memory_space<vmem>>, %arg7: memref<128x64xf32, #tpu.memory_space<vmem>>, %arg8: memref<128x64xf32, #tpu.memory_space<vmem>>, %arg9: memref<128x64xf32, #tpu.memory_space<vmem>>, %arg10: memref<128x64xf32, #tpu.memory_space<vmem>>, %arg11: memref<128x64xf32, #tpu.memory_space<vmem>>, %arg12: memref<128x64xf32, #tpu.memory_space<vmem>>, %arg13: memref<128x64xf32, #tpu.memory_space<vmem>>, %arg14: memref<128x64xf32, #tpu.memory_space<vmem>>, %arg15: memref<!tpu.dma_semaphore, #tpu.memory_space<semaphore_mem>>, %arg16: memref<!tpu.dma_semaphore, #tpu.memory_space<semaphore_mem>>, %arg17: memref<!tpu.dma_semaphore, #tpu.memory_space<semaphore_mem>>, %arg18: memref<!tpu.dma_semaphore, #tpu.memory_space<semaphore_mem>>, %arg19: memref<!tpu.dma_semaphore, #tpu.memory_space<semaphore_mem>>, %arg20: memref<!tpu.dma_semaphore, #tpu.memory_space<semaphore_mem>>, %arg21: memref<!tpu.dma_semaphore, #tpu.memory_space<semaphore_mem>>, %arg22: memref<!tpu.dma_semaphore, #tpu.memory_space<semaphore_mem>>, %arg23: memref<!tpu.dma_semaphore, #tpu.memory_space<semaphore_mem>>, %arg24: memref<10240x64xf32, #tpu.memory_space<vmem_shared>>) attributes {dimension_semantics = [#tpu.dimension_semantics<core_parallel>, #tpu.dimension_semantics<subcore_parallel>], iteration_bounds = array<i64: 2, 16>, scalar_prefetch = 0 : i64, scratch_operands = 20 : i64, tpu.core_type = #tpu.core_type<sc_vector_subcore>, window_params = [{transform_indices = #map}, {transform_indices = #map1}, {transform_indices = #map1}]} {
    %mul3A = arith.constant 2 : i32
    %mul3A_0 = arith.muli %arg1, %mul3A : i32
    %add3A = arith.addi %mul3A_0, %arg0 : i32
    %mul3A_1 = arith.constant 80 : i32
    %mul3A_2 = arith.muli %add3A, %mul3A_1 : i32
    %dma_start3A = arith.constant 0 : i32
    %dma_start3A_3 = arith.constant 0 : i32
    %dma_start3A_4 = tpu.memref_slice %arg3[%dma_start3A, %mul3A_2, %dma_start3A_3] : memref<2x2560x128xi32, #tpu.memory_space<hbm>> -> memref<1x80x128xi32, #tpu.memory_space<hbm>>
    %dma_start3A_5 = tpu.memref_squeeze %dma_start3A_4 : memref<1x80x128xi32, #tpu.memory_space<hbm>> -> memref<80x128xi32, #tpu.memory_space<hbm>>
    %dma_start3A_6 = arith.constant 0 : i32
    %dma_start3A_7 = tpu.memref_slice %arg3[%dma_start3A, %mul3A_2, %dma_start3A_6] : memref<2x2560x128xi32, #tpu.memory_space<hbm>> -> memref<1x80x128xi32, #tpu.memory_space<hbm>>
    %dma_start3A_8 = tpu.memref_squeeze %dma_start3A_7 : memref<1x80x128xi32, #tpu.memory_space<hbm>> -> memref<80x128xi32, #tpu.memory_space<hbm>>
    tpu.enqueue_dma source(%dma_start3A_8 : memref<80x128xi32, #tpu.memory_space<hbm>>) target(%arg5 : memref<80x128xi32, #tpu.memory_space<vmem>>) target_semaphore(%arg23 : memref<!tpu.dma_semaphore, #tpu.memory_space<semaphore_mem>>)
    %mul3A_9 = arith.constant 80 : i32
    %mul3A_10 = arith.muli %add3A, %mul3A_9 : i32
    %dma_start3A_11 = arith.constant 1 : i32
    %dma_start3A_12 = arith.constant 0 : i32
    %dma_start3A_13 = tpu.memref_slice %arg3[%dma_start3A_11, %mul3A_10, %dma_start3A_12] : memref<2x2560x128xi32, #tpu.memory_space<hbm>> -> memref<1x80x128xi32, #tpu.memory_space<hbm>>
    %dma_start3A_14 = tpu.memref_squeeze %dma_start3A_13 : memref<1x80x128xi32, #tpu.memory_space<hbm>> -> memref<80x128xi32, #tpu.memory_space<hbm>>
    %dma_start3A_15 = arith.constant 0 : i32
    %dma_start3A_16 = tpu.memref_slice %arg3[%dma_start3A_11, %mul3A_10, %dma_start3A_15] : memref<2x2560x128xi32, #tpu.memory_space<hbm>> -> memref<1x80x128xi32, #tpu.memory_space<hbm>>
    %dma_start3A_17 = tpu.memref_squeeze %dma_start3A_16 : memref<1x80x128xi32, #tpu.memory_space<hbm>> -> memref<80x128xi32, #tpu.memory_space<hbm>>
    tpu.enqueue_dma source(%dma_start3A_17 : memref<80x128xi32, #tpu.memory_space<hbm>>) target(%arg6 : memref<80x128xi32, #tpu.memory_space<vmem>>) target_semaphore(%arg23 : memref<!tpu.dma_semaphore, #tpu.memory_space<semaphore_mem>>)
    %scan3A = arith.constant 0 : i32
    %scan3A_18 = arith.constant 0 : i32
    %scan3A_19 = arith.constant 128 : i32
    %scan3A_20 = arith.addi %scan3A_18, %scan3A_19 : i32
    %scan3A_21 = arith.constant 1 : i32
    %scan3A_22 = scf.for %scan3A_117 = %scan3A_18 to %scan3A_20 step %scan3A_21 iter_args(%scan3A_118 = %scan3A) -> (i32)  : i32 {
      %broadcast_in_dim3A = arith.constant 0.000000e+00 : f32
      %broadcast_in_dim3A_119 = vector.broadcast %broadcast_in_dim3A : f32 to vector<16xf32>
      %swap3A = arith.index_cast %scan3A_117 : i32 to index
      %swap3A_120 = arith.constant 0 : index
      %swap3A_121 = tpu.vector_load %arg7[%swap3A, %swap3A_120] {strides = array<i32>} : memref<128x64xf32, #tpu.memory_space<vmem>>, vector<1x16xf32>,
      %swap3A_122 = vector.shape_cast %swap3A_121 : vector<1x16xf32> to vector<16xf32>
      %swap3A_123 = vector.shape_cast %broadcast_in_dim3A_119 : vector<16xf32> to vector<1x16xf32>
      tpu.vector_store %arg7[%swap3A, %swap3A_120], %swap3A_123 {strides = array<i32>} : memref<128x64xf32, #tpu.memory_space<vmem>>, vector<1x16xf32>,
      %broadcast_in_dim3A_124 = arith.constant 0.000000e+00 : f32
      %broadcast_in_dim3A_125 = vector.broadcast %broadcast_in_dim3A_124 : f32 to vector<16xf32>
      %swap3A_126 = arith.index_cast %scan3A_117 : i32 to index
      %swap3A_127 = arith.constant 16 : index
      %swap3A_128 = tpu.vector_load %arg7[%swap3A_126, %swap3A_127] {strides = array<i32>} : memref<128x64xf32, #tpu.memory_space<vmem>>, vector<1x16xf32>,
      %swap3A_129 = vector.shape_cast %swap3A_128 : vector<1x16xf32> to vector<16xf32>
      %swap3A_130 = vector.shape_cast %broadcast_in_dim3A_125 : vector<16xf32> to vector<1x16xf32>
      tpu.vector_store %arg7[%swap3A_126, %swap3A_127], %swap3A_130 {strides = array<i32>} : memref<128x64xf32, #tpu.memory_space<vmem>>, vector<1x16xf32>,
      %broadcast_in_dim3A_131 = arith.constant 0.000000e+00 : f32
      %broadcast_in_dim3A_132 = vector.broadcast %broadcast_in_dim3A_131 : f32 to vector<16xf32>
      %swap3A_133 = arith.index_cast %scan3A_117 : i32 to index
      %swap3A_134 = arith.constant 32 : index
      %swap3A_135 = tpu.vector_load %arg7[%swap3A_133, %swap3A_134] {strides = array<i32>} : memref<128x64xf32, #tpu.memory_space<vmem>>, vector<1x16xf32>,
      %swap3A_136 = vector.shape_cast %swap3A_135 : vector<1x16xf32> to vector<16xf32>
      %swap3A_137 = vector.shape_cast %broadcast_in_dim3A_132 : vector<16xf32> to vector<1x16xf32>
      tpu.vector_store %arg7[%swap3A_133, %swap3A_134], %swap3A_137 {strides = array<i32>} : memref<128x64xf32, #tpu.memory_space<vmem>>, vector<1x16xf32>,
      %broadcast_in_dim3A_138 = arith.constant 0.000000e+00 : f32
      %broadcast_in_dim3A_139 = vector.broadcast %broadcast_in_dim3A_138 : f32 to vector<16xf32>
      %swap3A_140 = arith.index_cast %scan3A_117 : i32 to index
      %swap3A_141 = arith.constant 48 : index
      %swap3A_142 = tpu.vector_load %arg7[%swap3A_140, %swap3A_141] {strides = array<i32>} : memref<128x64xf32, #tpu.memory_space<vmem>>, vector<1x16xf32>,
      %swap3A_143 = vector.shape_cast %swap3A_142 : vector<1x16xf32> to vector<16xf32>
      %swap3A_144 = vector.shape_cast %broadcast_in_dim3A_139 : vector<16xf32> to vector<1x16xf32>
      tpu.vector_store %arg7[%swap3A_140, %swap3A_141], %swap3A_144 {strides = array<i32>} : memref<128x64xf32, #tpu.memory_space<vmem>>, vector<1x16xf32>,
      %scan3A_145 = arith.constant 0 : i32
      scf.yield %scan3A_145 : i32
    }
    %scan3A_23 = arith.constant 128 : i32
    %mul3A_24 = arith.constant 640 : i32
    %mul3A_25 = arith.muli %arg1, %mul3A_24 : i32
    %add3A_26 = arith.constant 0 : i32
    %add3A_27 = arith.addi %mul3A_25, %add3A_26 : i32
    "tpu.region"() ({
      %run_scoped3A = tpu.sem_alloc : memref<!tpu.dma_semaphore, #tpu.memory_space<semaphore_mem>>
      %dma_start3A_117 = arith.constant 0 : i32
      %dma_start3A_118 = tpu.memref_slice %arg24[%add3A_27, %dma_start3A_117] : memref<10240x64xf32, #tpu.memory_space<vmem_shared>> -> memref<128x64xf32, #tpu.memory_space<vmem_shared>>
      %dma_start3A_119 = arith.constant 0 : i32
      %dma_start3A_120 = tpu.memref_slice %arg24[%add3A_27, %dma_start3A_119] : memref<10240x64xf32, #tpu.memory_space<vmem_shared>> -> memref<128x64xf32, #tpu.memory_space<vmem_shared>>
      tpu.enqueue_dma source(%arg7 : memref<128x64xf32, #tpu.memory_space<vmem>>) target(%dma_start3A_120 : memref<128x64xf32, #tpu.memory_space<vmem_shared>>) target_semaphore(%run_scoped3A : memref<!tpu.dma_semaphore, #tpu.memory_space<semaphore_mem>>)
      %dma_wait3A_121 = arith.constant 0 : i32
      %dma_wait3A_122 = tpu.memref_slice %arg24[%add3A_27, %dma_wait3A_121] : memref<10240x64xf32, #tpu.memory_space<vmem_shared>> -> memref<128x64xf32, #tpu.memory_space<vmem_shared>>
      %dma_wait3A_123 = arith.constant 0 : i32
      %dma_wait3A_124 = tpu.memref_slice %arg24[%add3A_27, %dma_wait3A_123] : memref<10240x64xf32, #tpu.memory_space<vmem_shared>> -> memref<128x64xf32, #tpu.memory_space<vmem_shared>>
      tpu.wait_dma2 semaphore(%run_scoped3A : memref<!tpu.dma_semaphore, #tpu.memory_space<semaphore_mem>>) src(%arg7 : memref<128x64xf32, #tpu.memory_space<vmem>>) dst(%dma_wait3A_124 : memref<128x64xf32, #tpu.memory_space<vmem_shared>>)
      tpu.yield
    }) : () -> ()
    %add3A_28 = arith.constant 128 : i32
    %add3A_29 = arith.addi %mul3A_25, %add3A_28 : i32
    "tpu.region"() ({
      %run_scoped3A = tpu.sem_alloc : memref<!tpu.dma_semaphore, #tpu.memory_space<semaphore_mem>>
      %dma_start3A_117 = arith.constant 0 : i32
      %dma_start3A_118 = tpu.memref_slice %arg24[%add3A_29, %dma_start3A_117] : memref<10240x64xf32, #tpu.memory_space<vmem_shared>> -> memref<128x64xf32, #tpu.memory_space<vmem_shared>>
      %dma_start3A_119 = arith.constant 0 : i32
      %dma_start3A_120 = tpu.memref_slice %arg24[%add3A_29, %dma_start3A_119] : memref<10240x64xf32, #tpu.memory_space<vmem_shared>> -> memref<128x64xf32, #tpu.memory_space<vmem_shared>>
      tpu.enqueue_dma source(%arg7 : memref<128x64xf32, #tpu.memory_space<vmem>>) target(%dma_start3A_120 : memref<128x64xf32, #tpu.memory_space<vmem_shared>>) target_semaphore(%run_scoped3A : memref<!tpu.dma_semaphore, #tpu.memory_space<semaphore_mem>>)
      %dma_wait3A_121 = arith.constant 0 : i32
      %dma_wait3A_122 = tpu.memref_slice %arg24[%add3A_29, %dma_wait3A_121] : memref<10240x64xf32, #tpu.memory_space<vmem_shared>> -> memref<128x64xf32, #tpu.memory_space<vmem_shared>>
      %dma_wait3A_123 = arith.constant 0 : i32
      %dma_wait3A_124 = tpu.memref_slice %arg24[%add3A_29, %dma_wait3A_123] : memref<10240x64xf32, #tpu.memory_space<vmem_shared>> -> memref<128x64xf32, #tpu.memory_space<vmem_shared>>
      tpu.wait_dma2 semaphore(%run_scoped3A : memref<!tpu.dma_semaphore, #tpu.memory_space<semaphore_mem>>) src(%arg7 : memref<128x64xf32, #tpu.memory_space<vmem>>) dst(%dma_wait3A_124 : memref<128x64xf32, #tpu.memory_space<vmem_shared>>)
      tpu.yield
    }) : () -> ()
    %add3A_30 = arith.constant 256 : i32
    %add3A_31 = arith.addi %mul3A_25, %add3A_30 : i32
    "tpu.region"() ({
      %run_scoped3A = tpu.sem_alloc : memref<!tpu.dma_semaphore, #tpu.memory_space<semaphore_mem>>
      %dma_start3A_117 = arith.constant 0 : i32
      %dma_start3A_118 = tpu.memref_slice %arg24[%add3A_31, %dma_start3A_117] : memref<10240x64xf32, #tpu.memory_space<vmem_shared>> -> memref<128x64xf32, #tpu.memory_space<vmem_shared>>
      %dma_start3A_119 = arith.constant 0 : i32
      %dma_start3A_120 = tpu.memref_slice %arg24[%add3A_31, %dma_start3A_119] : memref<10240x64xf32, #tpu.memory_space<vmem_shared>> -> memref<128x64xf32, #tpu.memory_space<vmem_shared>>
      tpu.enqueue_dma source(%arg7 : memref<128x64xf32, #tpu.memory_space<vmem>>) target(%dma_start3A_120 : memref<128x64xf32, #tpu.memory_space<vmem_shared>>) target_semaphore(%run_scoped3A : memref<!tpu.dma_semaphore, #tpu.memory_space<semaphore_mem>>)
      %dma_wait3A_121 = arith.constant 0 : i32
      %dma_wait3A_122 = tpu.memref_slice %arg24[%add3A_31, %dma_wait3A_121] : memref<10240x64xf32, #tpu.memory_space<vmem_shared>> -> memref<128x64xf32, #tpu.memory_space<vmem_shared>>
      %dma_wait3A_123 = arith.constant 0 : i32
      %dma_wait3A_124 = tpu.memref_slice %arg24[%add3A_31, %dma_wait3A_123] : memref<10240x64xf32, #tpu.memory_space<vmem_shared>> -> memref<128x64xf32, #tpu.memory_space<vmem_shared>>
      tpu.wait_dma2 semaphore(%run_scoped3A : memref<!tpu.dma_semaphore, #tpu.memory_space<semaphore_mem>>) src(%arg7 : memref<128x64xf32, #tpu.memory_space<vmem>>) dst(%dma_wait3A_124 : memref<128x64xf32, #tpu.memory_space<vmem_shared>>)
      tpu.yield
    }) : () -> ()
    %add3A_32 = arith.constant 384 : i32
    %add3A_33 = arith.addi %mul3A_25, %add3A_32 : i32
    "tpu.region"() ({
      %run_scoped3A = tpu.sem_alloc : memref<!tpu.dma_semaphore, #tpu.memory_space<semaphore_mem>>
      %dma_start3A_117 = arith.constant 0 : i32
      %dma_start3A_118 = tpu.memref_slice %arg24[%add3A_33, %dma_start3A_117] : memref<10240x64xf32, #tpu.memory_space<vmem_shared>> -> memref<128x64xf32, #tpu.memory_space<vmem_shared>>
      %dma_start3A_119 = arith.constant 0 : i32
      %dma_start3A_120 = tpu.memref_slice %arg24[%add3A_33, %dma_start3A_119] : memref<10240x64xf32, #tpu.memory_space<vmem_shared>> -> memref<128x64xf32, #tpu.memory_space<vmem_shared>>
      tpu.enqueue_dma source(%arg7 : memref<128x64xf32, #tpu.memory_space<vmem>>) target(%dma_start3A_120 : memref<128x64xf32, #tpu.memory_space<vmem_shared>>) target_semaphore(%run_scoped3A : memref<!tpu.dma_semaphore, #tpu.memory_space<semaphore_mem>>)
      %dma_wait3A_121 = arith.constant 0 : i32
      %dma_wait3A_122 = tpu.memref_slice %arg24[%add3A_33, %dma_wait3A_121] : memref<10240x64xf32, #tpu.memory_space<vmem_shared>> -> memref<128x64xf32, #tpu.memory_space<vmem_shared>>
      %dma_wait3A_123 = arith.constant 0 : i32
      %dma_wait3A_124 = tpu.memref_slice %arg24[%add3A_33, %dma_wait3A_123] : memref<10240x64xf32, #tpu.memory_space<vmem_shared>> -> memref<128x64xf32, #tpu.memory_space<vmem_shared>>
      tpu.wait_dma2 semaphore(%run_scoped3A : memref<!tpu.dma_semaphore, #tpu.memory_space<semaphore_mem>>) src(%arg7 : memref<128x64xf32, #tpu.memory_space<vmem>>) dst(%dma_wait3A_124 : memref<128x64xf32, #tpu.memory_space<vmem_shared>>)
      tpu.yield
    }) : () -> ()
    %add3A_34 = arith.constant 512 : i32
    %add3A_35 = arith.addi %mul3A_25, %add3A_34 : i32
    "tpu.region"() ({
      %run_scoped3A = tpu.sem_alloc : memref<!tpu.dma_semaphore, #tpu.memory_space<semaphore_mem>>
      %dma_start3A_117 = arith.constant 0 : i32
      %dma_start3A_118 = tpu.memref_slice %arg24[%add3A_35, %dma_start3A_117] : memref<10240x64xf32, #tpu.memory_space<vmem_shared>> -> memref<128x64xf32, #tpu.memory_space<vmem_shared>>
      %dma_start3A_119 = arith.constant 0 : i32
      %dma_start3A_120 = tpu.memref_slice %arg24[%add3A_35, %dma_start3A_119] : memref<10240x64xf32, #tpu.memory_space<vmem_shared>> -> memref<128x64xf32, #tpu.memory_space<vmem_shared>>
      tpu.enqueue_dma source(%arg7 : memref<128x64xf32, #tpu.memory_space<vmem>>) target(%dma_start3A_120 : memref<128x64xf32, #tpu.memory_space<vmem_shared>>) target_semaphore(%run_scoped3A : memref<!tpu.dma_semaphore, #tpu.memory_space<semaphore_mem>>)
      %dma_wait3A_121 = arith.constant 0 : i32
      %dma_wait3A_122 = tpu.memref_slice %arg24[%add3A_35, %dma_wait3A_121] : memref<10240x64xf32, #tpu.memory_space<vmem_shared>> -> memref<128x64xf32, #tpu.memory_space<vmem_shared>>
      %dma_wait3A_123 = arith.constant 0 : i32
      %dma_wait3A_124 = tpu.memref_slice %arg24[%add3A_35, %dma_wait3A_123] : memref<10240x64xf32, #tpu.memory_space<vmem_shared>> -> memref<128x64xf32, #tpu.memory_space<vmem_shared>>
      tpu.wait_dma2 semaphore(%run_scoped3A : memref<!tpu.dma_semaphore, #tpu.memory_space<semaphore_mem>>) src(%arg7 : memref<128x64xf32, #tpu.memory_space<vmem>>) dst(%dma_wait3A_124 : memref<128x64xf32, #tpu.memory_space<vmem_shared>>)
      tpu.yield
    }) : () -> ()
    %dma_wait3A = arith.constant 0 : i32
    %dma_wait3A_36 = arith.constant 0 : i32
    %dma_wait3A_37 = arith.constant 0 : i32
    %dma_wait3A_38 = tpu.memref_slice %arg3[%dma_wait3A, %dma_wait3A_36, %dma_wait3A_37] : memref<2x2560x128xi32, #tpu.memory_space<hbm>> -> memref<1x80x128xi32, #tpu.memory_space<hbm>>
    %dma_wait3A_39 = tpu.memref_squeeze %dma_wait3A_38 : memref<1x80x128xi32, #tpu.memory_space<hbm>> -> memref<80x128xi32, #tpu.memory_space<hbm>>
    %dma_wait3A_40 = arith.constant 0 : i32
    %dma_wait3A_41 = arith.constant 0 : i32
    %dma_wait3A_42 = tpu.memref_slice %arg3[%dma_wait3A, %dma_wait3A_40, %dma_wait3A_41] : memref<2x2560x128xi32, #tpu.memory_space<hbm>> -> memref<1x80x128xi32, #tpu.memory_space<hbm>>
    %dma_wait3A_43 = tpu.memref_squeeze %dma_wait3A_42 : memref<1x80x128xi32, #tpu.memory_space<hbm>> -> memref<80x128xi32, #tpu.memory_space<hbm>>
    tpu.wait_dma2 semaphore(%arg23 : memref<!tpu.dma_semaphore, #tpu.memory_space<semaphore_mem>>) src(%dma_wait3A_43 : memref<80x128xi32, #tpu.memory_space<hbm>>) dst(%arg5 : memref<80x128xi32, #tpu.memory_space<vmem>>)
    %dma_wait3A_44 = arith.constant 1 : i32
    %dma_wait3A_45 = arith.constant 0 : i32
    %dma_wait3A_46 = arith.constant 0 : i32
    %dma_wait3A_47 = tpu.memref_slice %arg3[%dma_wait3A_44, %dma_wait3A_45, %dma_wait3A_46] : memref<2x2560x128xi32, #tpu.memory_space<hbm>> -> memref<1x80x128xi32, #tpu.memory_space<hbm>>
    %dma_wait3A_48 = tpu.memref_squeeze %dma_wait3A_47 : memref<1x80x128xi32, #tpu.memory_space<hbm>> -> memref<80x128xi32, #tpu.memory_space<hbm>>
    %dma_wait3A_49 = arith.constant 0 : i32
    %dma_wait3A_50 = arith.constant 0 : i32
    %dma_wait3A_51 = tpu.memref_slice %arg3[%dma_wait3A_44, %dma_wait3A_49, %dma_wait3A_50] : memref<2x2560x128xi32, #tpu.memory_space<hbm>> -> memref<1x80x128xi32, #tpu.memory_space<hbm>>
    %dma_wait3A_52 = tpu.memref_squeeze %dma_wait3A_51 : memref<1x80x128xi32, #tpu.memory_space<hbm>> -> memref<80x128xi32, #tpu.memory_space<hbm>>
    tpu.wait_dma2 semaphore(%arg23 : memref<!tpu.dma_semaphore, #tpu.memory_space<semaphore_mem>>) src(%dma_wait3A_52 : memref<80x128xi32, #tpu.memory_space<hbm>>) dst(%arg6 : memref<80x128xi32, #tpu.memory_space<vmem>>)
    %barrier3A = arith.constant 0 : index
    tpu.barrier barrier_id(%barrier3A)
    %dma_start3A_53 = arith.constant 0 : i32
    %dma_start3A_54 = arith.constant 0 : i32
    %dma_start3A_55 = tpu.memref_slice %arg5[%dma_start3A_53, %dma_start3A_54] : memref<80x128xi32, #tpu.memory_space<vmem>> -> memref<1x128xi32, #tpu.memory_space<vmem>>
    %dma_start3A_56 = tpu.memref_squeeze %dma_start3A_55 : memref<1x128xi32, #tpu.memory_space<vmem>> -> memref<128xi32, #tpu.memory_space<vmem>>
    %dma_start3A_57 = arith.constant 0 : i32
    %dma_start3A_58 = arith.constant 0 : i32
    %dma_start3A_59 = tpu.memref_slice %arg2[%dma_start3A_57, %dma_start3A_58] : memref<10240x64xf32, #tpu.memory_space<hbm>> -> memref<10240x64xf32, #tpu.memory_space<hbm>>
    tpu.enqueue_indirect_dma source(%dma_start3A_59 : memref<10240x64xf32, #tpu.memory_space<hbm>>) target(%arg7 : memref<128x64xf32, #tpu.memory_space<vmem>>) offsets(%dma_start3A_56 : memref<128xi32, #tpu.memory_space<vmem>>) semaphore(%arg15 : memref<!tpu.dma_semaphore, #tpu.memory_space<semaphore_mem>>)
    %dma_start3A_60 = arith.constant 1 : i32
    %dma_start3A_61 = arith.constant 0 : i32
    %dma_start3A_62 = tpu.memref_slice %arg5[%dma_start3A_60, %dma_start3A_61] : memref<80x128xi32, #tpu.memory_space<vmem>> -> memref<1x128xi32, #tpu.memory_space<vmem>>
    %dma_start3A_63 = tpu.memref_squeeze %dma_start3A_62 : memref<1x128xi32, #tpu.memory_space<vmem>> -> memref<128xi32, #tpu.memory_space<vmem>>
    %dma_start3A_64 = arith.constant 0 : i32
    %dma_start3A_65 = arith.constant 0 : i32
    %dma_start3A_66 = tpu.memref_slice %arg2[%dma_start3A_64, %dma_start3A_65] : memref<10240x64xf32, #tpu.memory_space<hbm>> -> memref<10240x64xf32, #tpu.memory_space<hbm>>
    tpu.enqueue_indirect_dma source(%dma_start3A_66 : memref<10240x64xf32, #tpu.memory_space<hbm>>) target(%arg8 : memref<128x64xf32, #tpu.memory_space<vmem>>) offsets(%dma_start3A_63 : memref<128xi32, #tpu.memory_space<vmem>>) semaphore(%arg16 : memref<!tpu.dma_semaphore, #tpu.memory_space<semaphore_mem>>)
    %dma_start3A_67 = arith.constant 2 : i32
    %dma_start3A_68 = arith.constant 0 : i32
    %dma_start3A_69 = tpu.memref_slice %arg5[%dma_start3A_67, %dma_start3A_68] : memref<80x128xi32, #tpu.memory_space<vmem>> -> memref<1x128xi32, #tpu.memory_space<vmem>>
    %dma_start3A_70 = tpu.memref_squeeze %dma_start3A_69 : memref<1x128xi32, #tpu.memory_space<vmem>> -> memref<128xi32, #tpu.memory_space<vmem>>
    %dma_start3A_71 = arith.constant 0 : i32
    %dma_start3A_72 = arith.constant 0 : i32
    %dma_start3A_73 = tpu.memref_slice %arg2[%dma_start3A_71, %dma_start3A_72] : memref<10240x64xf32, #tpu.memory_space<hbm>> -> memref<10240x64xf32, #tpu.memory_space<hbm>>
    tpu.enqueue_indirect_dma source(%dma_start3A_73 : memref<10240x64xf32, #tpu.memory_space<hbm>>) target(%arg9 : memref<128x64xf32, #tpu.memory_space<vmem>>) offsets(%dma_start3A_70 : memref<128xi32, #tpu.memory_space<vmem>>) semaphore(%arg17 : memref<!tpu.dma_semaphore, #tpu.memory_space<semaphore_mem>>)
    %dma_start3A_74 = arith.constant 3 : i32
    %dma_start3A_75 = arith.constant 0 : i32
    %dma_start3A_76 = tpu.memref_slice %arg5[%dma_start3A_74, %dma_start3A_75] : memref<80x128xi32, #tpu.memory_space<vmem>> -> memref<1x128xi32, #tpu.memory_space<vmem>>
    %dma_start3A_77 = tpu.memref_squeeze %dma_start3A_76 : memref<1x128xi32, #tpu.memory_space<vmem>> -> memref<128xi32, #tpu.memory_space<vmem>>
    %dma_start3A_78 = arith.constant 0 : i32
    %dma_start3A_79 = arith.constant 0 : i32
    %dma_start3A_80 = tpu.memref_slice %arg2[%dma_start3A_78, %dma_start3A_79] : memref<10240x64xf32, #tpu.memory_space<hbm>> -> memref<10240x64xf32, #tpu.memory_space<hbm>>
    tpu.enqueue_indirect_dma source(%dma_start3A_80 : memref<10240x64xf32, #tpu.memory_space<hbm>>) target(%arg10 : memref<128x64xf32, #tpu.memory_space<vmem>>) offsets(%dma_start3A_77 : memref<128xi32, #tpu.memory_space<vmem>>) semaphore(%arg18 : memref<!tpu.dma_semaphore, #tpu.memory_space<semaphore_mem>>)
    %dma_start3A_81 = arith.constant 4 : i32
    %dma_start3A_82 = arith.constant 0 : i32
    %dma_start3A_83 = tpu.memref_slice %arg5[%dma_start3A_81, %dma_start3A_82] : memref<80x128xi32, #tpu.memory_space<vmem>> -> memref<1x128xi32, #tpu.memory_space<vmem>>
    %dma_start3A_84 = tpu.memref_squeeze %dma_start3A_83 : memref<1x128xi32, #tpu.memory_space<vmem>> -> memref<128xi32, #tpu.memory_space<vmem>>
    %dma_start3A_85 = arith.constant 0 : i32
    %dma_start3A_86 = arith.constant 0 : i32
    %dma_start3A_87 = tpu.memref_slice %arg2[%dma_start3A_85, %dma_start3A_86] : memref<10240x64xf32, #tpu.memory_space<hbm>> -> memref<10240x64xf32, #tpu.memory_space<hbm>>
    tpu.enqueue_indirect_dma source(%dma_start3A_87 : memref<10240x64xf32, #tpu.memory_space<hbm>>) target(%arg11 : memref<128x64xf32, #tpu.memory_space<vmem>>) offsets(%dma_start3A_84 : memref<128xi32, #tpu.memory_space<vmem>>) semaphore(%arg19 : memref<!tpu.dma_semaphore, #tpu.memory_space<semaphore_mem>>)
    %dma_start3A_88 = arith.constant 5 : i32
    %dma_start3A_89 = arith.constant 0 : i32
    %dma_start3A_90 = tpu.memref_slice %arg5[%dma_start3A_88, %dma_start3A_89] : memref<80x128xi32, #tpu.memory_space<vmem>> -> memref<1x128xi32, #tpu.memory_space<vmem>>
    %dma_start3A_91 = tpu.memref_squeeze %dma_start3A_90 : memref<1x128xi32, #tpu.memory_space<vmem>> -> memref<128xi32, #tpu.memory_space<vmem>>
    %dma_start3A_92 = arith.constant 0 : i32
    %dma_start3A_93 = arith.constant 0 : i32
    %dma_start3A_94 = tpu.memref_slice %arg2[%dma_start3A_92, %dma_start3A_93] : memref<10240x64xf32, #tpu.memory_space<hbm>> -> memref<10240x64xf32, #tpu.memory_space<hbm>>
    tpu.enqueue_indirect_dma source(%dma_start3A_94 : memref<10240x64xf32, #tpu.memory_space<hbm>>) target(%arg12 : memref<128x64xf32, #tpu.memory_space<vmem>>) offsets(%dma_start3A_91 : memref<128xi32, #tpu.memory_space<vmem>>) semaphore(%arg20 : memref<!tpu.dma_semaphore, #tpu.memory_space<semaphore_mem>>)
    %dma_start3A_95 = arith.constant 6 : i32
    %dma_start3A_96 = arith.constant 0 : i32
    %dma_start3A_97 = tpu.memref_slice %arg5[%dma_start3A_95, %dma_start3A_96] : memref<80x128xi32, #tpu.memory_space<vmem>> -> memref<1x128xi32, #tpu.memory_space<vmem>>
    %dma_start3A_98 = tpu.memref_squeeze %dma_start3A_97 : memref<1x128xi32, #tpu.memory_space<vmem>> -> memref<128xi32, #tpu.memory_space<vmem>>
    %dma_start3A_99 = arith.constant 0 : i32
    %dma_start3A_100 = arith.constant 0 : i32
    %dma_start3A_101 = tpu.memref_slice %arg2[%dma_start3A_99, %dma_start3A_100] : memref<10240x64xf32, #tpu.memory_space<hbm>> -> memref<10240x64xf32, #tpu.memory_space<hbm>>
    tpu.enqueue_indirect_dma source(%dma_start3A_101 : memref<10240x64xf32, #tpu.memory_space<hbm>>) target(%arg13 : memref<128x64xf32, #tpu.memory_space<vmem>>) offsets(%dma_start3A_98 : memref<128xi32, #tpu.memory_space<vmem>>) semaphore(%arg21 : memref<!tpu.dma_semaphore, #tpu.memory_space<semaphore_mem>>)
    %dma_start3A_102 = arith.constant 7 : i32
    %dma_start3A_103 = arith.constant 0 : i32
    %dma_start3A_104 = tpu.memref_slice %arg5[%dma_start3A_102, %dma_start3A_103] : memref<80x128xi32, #tpu.memory_space<vmem>> -> memref<1x128xi32, #tpu.memory_space<vmem>>
    %dma_start3A_105 = tpu.memref_squeeze %dma_start3A_104 : memref<1x128xi32, #tpu.memory_space<vmem>> -> memref<128xi32, #tpu.memory_space<vmem>>
    %dma_start3A_106 = arith.constant 0 : i32
    %dma_start3A_107 = arith.constant 0 : i32
    %dma_start3A_108 = tpu.memref_slice %arg2[%dma_start3A_106, %dma_start3A_107] : memref<10240x64xf32, #tpu.memory_space<hbm>> -> memref<10240x64xf32, #tpu.memory_space<hbm>>
    tpu.enqueue_indirect_dma source(%dma_start3A_108 : memref<10240x64xf32, #tpu.memory_space<hbm>>) target(%arg14 : memref<128x64xf32, #tpu.memory_space<vmem>>) offsets(%dma_start3A_105 : memref<128xi32, #tpu.memory_space<vmem>>) semaphore(%arg22 : memref<!tpu.dma_semaphore, #tpu.memory_space<semaphore_mem>>)
    %scan3A_109 = arith.constant 0 : i32
    %scan3A_110 = arith.constant 0 : i32
    %scan3A_111 = arith.constant 10 : i32
    %scan3A_112 = arith.addi %scan3A_110, %scan3A_111 : i32
    %scan3A_113 = arith.constant 1 : i32
    %scan3A_114 = scf.for %scan3A_117 = %scan3A_110 to %scan3A_112 step %scan3A_113 iter_args(%scan3A_118 = %scan3A_109) -> (i32)  : i32 {
      %mul3A_119 = arith.constant 8 : i32
      %mul3A_120 = arith.muli %scan3A_117, %mul3A_119 : i32
      %add3A_121 = arith.constant 0 : i32
      %add3A_122 = arith.addi %mul3A_120, %add3A_121 : i32
      %dma_wait3A_123 = arith.constant 0 : i32
      %dma_wait3A_124 = tpu.memref_slice %arg5[%add3A_122, %dma_wait3A_123] : memref<80x128xi32, #tpu.memory_space<vmem>> -> memref<1x128xi32, #tpu.memory_space<vmem>>
      %dma_wait3A_125 = tpu.memref_squeeze %dma_wait3A_124 : memref<1x128xi32, #tpu.memory_space<vmem>> -> memref<128xi32, #tpu.memory_space<vmem>>
      %dma_wait3A_126 = arith.constant 0 : i32
      %dma_wait3A_127 = arith.constant 0 : i32
      %dma_wait3A_128 = tpu.memref_slice %arg2[%dma_wait3A_126, %dma_wait3A_127] : memref<10240x64xf32, #tpu.memory_space<hbm>> -> memref<10240x64xf32, #tpu.memory_space<hbm>>
      tpu.wait_indirect_dma semaphore(%arg15 : memref<!tpu.dma_semaphore, #tpu.memory_space<semaphore_mem>>) src(%dma_wait3A_128 : memref<10240x64xf32, #tpu.memory_space<hbm>>) dst(%arg7 : memref<128x64xf32, #tpu.memory_space<vmem>>)
      %add3A_129 = arith.constant 0 : i32
      %add3A_130 = arith.addi %mul3A_120, %add3A_129 : i32
      "tpu.region"() ({
        %run_scoped3A = tpu.sem_alloc : memref<!tpu.dma_semaphore, #tpu.memory_space<semaphore_mem>>
        %dma_start3A_239 = arith.constant 0 : i32
        %dma_start3A_240 = tpu.memref_slice %arg6[%add3A_130, %dma_start3A_239] : memref<80x128xi32, #tpu.memory_space<vmem>> -> memref<1x128xi32, #tpu.memory_space<vmem>>
        %dma_start3A_241 = tpu.memref_squeeze %dma_start3A_240 : memref<1x128xi32, #tpu.memory_space<vmem>> -> memref<128xi32, #tpu.memory_space<vmem>>
        %dma_start3A_242 = arith.constant 0 : i32
        %dma_start3A_243 = arith.constant 0 : i32
        %dma_start3A_244 = tpu.memref_slice %arg24[%dma_start3A_242, %dma_start3A_243] : memref<10240x64xf32, #tpu.memory_space<vmem_shared>> -> memref<10240x64xf32, #tpu.memory_space<vmem_shared>>
        tpu.enqueue_indirect_dma source(%arg7 : memref<128x64xf32, #tpu.memory_space<vmem>>) target(%dma_start3A_244 : memref<10240x64xf32, #tpu.memory_space<vmem_shared>>) offsets(%dma_start3A_241 : memref<128xi32, #tpu.memory_space<vmem>>) semaphore(%run_scoped3A : memref<!tpu.dma_semaphore, #tpu.memory_space<semaphore_mem>>) {add = true}
        %dma_wait3A_245 = arith.constant 0 : i32
        %dma_wait3A_246 = tpu.memref_slice %arg6[%add3A_130, %dma_wait3A_245] : memref<80x128xi32, #tpu.memory_space<vmem>> -> memref<1x128xi32, #tpu.memory_space<vmem>>
        %dma_wait3A_247 = tpu.memref_squeeze %dma_wait3A_246 : memref<1x128xi32, #tpu.memory_space<vmem>> -> memref<128xi32, #tpu.memory_space<vmem>>
        %dma_wait3A_248 = arith.constant 0 : i32
        %dma_wait3A_249 = arith.constant 0 : i32
        %dma_wait3A_250 = tpu.memref_slice %arg24[%dma_wait3A_248, %dma_wait3A_249] : memref<10240x64xf32, #tpu.memory_space<vmem_shared>> -> memref<10240x64xf32, #tpu.memory_space<vmem_shared>>
        tpu.wait_indirect_dma semaphore(%run_scoped3A : memref<!tpu.dma_semaphore, #tpu.memory_space<semaphore_mem>>) src(%arg7 : memref<128x64xf32, #tpu.memory_space<vmem>>) dst(%dma_wait3A_250 : memref<10240x64xf32, #tpu.memory_space<vmem_shared>>)
        tpu.yield
      }) : () -> ()
      %lt3A = arith.constant 9 : i32
      %lt3A_131 = arith.cmpi slt, %scan3A_117, %lt3A : i32
      %convert_element_type3A = arith.extui %lt3A_131 : i1 to i32
      %cond3A = arith.constant 0 : i32
      %cond3A_132 = arith.cmpi ne, %convert_element_type3A, %cond3A : i32
      scf.if %cond3A_132 {
        %add3A_239 = arith.constant 8 : i32
        %add3A_240 = arith.addi %mul3A_120, %add3A_239 : i32
        %add3A_241 = arith.constant 0 : i32
        %add3A_242 = arith.addi %add3A_240, %add3A_241 : i32
        %dma_start3A_243 = arith.constant 0 : i32
        %dma_start3A_244 = tpu.memref_slice %arg5[%add3A_242, %dma_start3A_243] : memref<80x128xi32, #tpu.memory_space<vmem>> -> memref<1x128xi32, #tpu.memory_space<vmem>>
        %dma_start3A_245 = tpu.memref_squeeze %dma_start3A_244 : memref<1x128xi32, #tpu.memory_space<vmem>> -> memref<128xi32, #tpu.memory_space<vmem>>
        %dma_start3A_246 = arith.constant 0 : i32
        %dma_start3A_247 = arith.constant 0 : i32
        %dma_start3A_248 = tpu.memref_slice %arg2[%dma_start3A_246, %dma_start3A_247] : memref<10240x64xf32, #tpu.memory_space<hbm>> -> memref<10240x64xf32, #tpu.memory_space<hbm>>
        tpu.enqueue_indirect_dma source(%dma_start3A_248 : memref<10240x64xf32, #tpu.memory_space<hbm>>) target(%arg7 : memref<128x64xf32, #tpu.memory_space<vmem>>) offsets(%dma_start3A_245 : memref<128xi32, #tpu.memory_space<vmem>>) semaphore(%arg15 : memref<!tpu.dma_semaphore, #tpu.memory_space<semaphore_mem>>)
      } else {
      }
      %add3A_133 = arith.constant 1 : i32
      %add3A_134 = arith.addi %mul3A_120, %add3A_133 : i32
      %dma_wait3A_135 = arith.constant 0 : i32
      %dma_wait3A_136 = tpu.memref_slice %arg5[%add3A_134, %dma_wait3A_135] : memref<80x128xi32, #tpu.memory_space<vmem>> -> memref<1x128xi32, #tpu.memory_space<vmem>>
      %dma_wait3A_137 = tpu.memref_squeeze %dma_wait3A_136 : memref<1x128xi32, #tpu.memory_space<vmem>> -> memref<128xi32, #tpu.memory_space<vmem>>
      %dma_wait3A_138 = arith.constant 0 : i32
      %dma_wait3A_139 = arith.constant 0 : i32
      %dma_wait3A_140 = tpu.memref_slice %arg2[%dma_wait3A_138, %dma_wait3A_139] : memref<10240x64xf32, #tpu.memory_space<hbm>> -> memref<10240x64xf32, #tpu.memory_space<hbm>>
      tpu.wait_indirect_dma semaphore(%arg16 : memref<!tpu.dma_semaphore, #tpu.memory_space<semaphore_mem>>) src(%dma_wait3A_140 : memref<10240x64xf32, #tpu.memory_space<hbm>>) dst(%arg8 : memref<128x64xf32, #tpu.memory_space<vmem>>)
      %add3A_141 = arith.constant 1 : i32
      %add3A_142 = arith.addi %mul3A_120, %add3A_141 : i32
      "tpu.region"() ({
        %run_scoped3A = tpu.sem_alloc : memref<!tpu.dma_semaphore, #tpu.memory_space<semaphore_mem>>
        %dma_start3A_239 = arith.constant 0 : i32
        %dma_start3A_240 = tpu.memref_slice %arg6[%add3A_142, %dma_start3A_239] : memref<80x128xi32, #tpu.memory_space<vmem>> -> memref<1x128xi32, #tpu.memory_space<vmem>>
        %dma_start3A_241 = tpu.memref_squeeze %dma_start3A_240 : memref<1x128xi32, #tpu.memory_space<vmem>> -> memref<128xi32, #tpu.memory_space<vmem>>
        %dma_start3A_242 = arith.constant 0 : i32
        %dma_start3A_243 = arith.constant 0 : i32
        %dma_start3A_244 = tpu.memref_slice %arg24[%dma_start3A_242, %dma_start3A_243] : memref<10240x64xf32, #tpu.memory_space<vmem_shared>> -> memref<10240x64xf32, #tpu.memory_space<vmem_shared>>
        tpu.enqueue_indirect_dma source(%arg8 : memref<128x64xf32, #tpu.memory_space<vmem>>) target(%dma_start3A_244 : memref<10240x64xf32, #tpu.memory_space<vmem_shared>>) offsets(%dma_start3A_241 : memref<128xi32, #tpu.memory_space<vmem>>) semaphore(%run_scoped3A : memref<!tpu.dma_semaphore, #tpu.memory_space<semaphore_mem>>) {add = true}
        %dma_wait3A_245 = arith.constant 0 : i32
        %dma_wait3A_246 = tpu.memref_slice %arg6[%add3A_142, %dma_wait3A_245] : memref<80x128xi32, #tpu.memory_space<vmem>> -> memref<1x128xi32, #tpu.memory_space<vmem>>
        %dma_wait3A_247 = tpu.memref_squeeze %dma_wait3A_246 : memref<1x128xi32, #tpu.memory_space<vmem>> -> memref<128xi32, #tpu.memory_space<vmem>>
        %dma_wait3A_248 = arith.constant 0 : i32
        %dma_wait3A_249 = arith.constant 0 : i32
        %dma_wait3A_250 = tpu.memref_slice %arg24[%dma_wait3A_248, %dma_wait3A_249] : memref<10240x64xf32, #tpu.memory_space<vmem_shared>> -> memref<10240x64xf32, #tpu.memory_space<vmem_shared>>
        tpu.wait_indirect_dma semaphore(%run_scoped3A : memref<!tpu.dma_semaphore, #tpu.memory_space<semaphore_mem>>) src(%arg8 : memref<128x64xf32, #tpu.memory_space<vmem>>) dst(%dma_wait3A_250 : memref<10240x64xf32, #tpu.memory_space<vmem_shared>>)
        tpu.yield
      }) : () -> ()
      %lt3A_143 = arith.constant 9 : i32
      %lt3A_144 = arith.cmpi slt, %scan3A_117, %lt3A_143 : i32
      %convert_element_type3A_145 = arith.extui %lt3A_144 : i1 to i32
      %cond3A_146 = arith.constant 0 : i32
      %cond3A_147 = arith.cmpi ne, %convert_element_type3A_145, %cond3A_146 : i32
      scf.if %cond3A_147 {
        %add3A_239 = arith.constant 8 : i32
        %add3A_240 = arith.addi %mul3A_120, %add3A_239 : i32
        %add3A_241 = arith.constant 1 : i32
        %add3A_242 = arith.addi %add3A_240, %add3A_241 : i32
        %dma_start3A_243 = arith.constant 0 : i32
        %dma_start3A_244 = tpu.memref_slice %arg5[%add3A_242, %dma_start3A_243] : memref<80x128xi32, #tpu.memory_space<vmem>> -> memref<1x128xi32, #tpu.memory_space<vmem>>
        %dma_start3A_245 = tpu.memref_squeeze %dma_start3A_244 : memref<1x128xi32, #tpu.memory_space<vmem>> -> memref<128xi32, #tpu.memory_space<vmem>>
        %dma_start3A_246 = arith.constant 0 : i32
        %dma_start3A_247 = arith.constant 0 : i32
        %dma_start3A_248 = tpu.memref_slice %arg2[%dma_start3A_246, %dma_start3A_247] : memref<10240x64xf32, #tpu.memory_space<hbm>> -> memref<10240x64xf32, #tpu.memory_space<hbm>>
        tpu.enqueue_indirect_dma source(%dma_start3A_248 : memref<10240x64xf32, #tpu.memory_space<hbm>>) target(%arg8 : memref<128x64xf32, #tpu.memory_space<vmem>>) offsets(%dma_start3A_245 : memref<128xi32, #tpu.memory_space<vmem>>) semaphore(%arg16 : memref<!tpu.dma_semaphore, #tpu.memory_space<semaphore_mem>>)
      } else {
      }
      %add3A_148 = arith.constant 2 : i32
      %add3A_149 = arith.addi %mul3A_120, %add3A_148 : i32
      %dma_wait3A_150 = arith.constant 0 : i32
      %dma_wait3A_151 = tpu.memref_slice %arg5[%add3A_149, %dma_wait3A_150] : memref<80x128xi32, #tpu.memory_space<vmem>> -> memref<1x128xi32, #tpu.memory_space<vmem>>
      %dma_wait3A_152 = tpu.memref_squeeze %dma_wait3A_151 : memref<1x128xi32, #tpu.memory_space<vmem>> -> memref<128xi32, #tpu.memory_space<vmem>>
      %dma_wait3A_153 = arith.constant 0 : i32
      %dma_wait3A_154 = arith.constant 0 : i32
      %dma_wait3A_155 = tpu.memref_slice %arg2[%dma_wait3A_153, %dma_wait3A_154] : memref<10240x64xf32, #tpu.memory_space<hbm>> -> memref<10240x64xf32, #tpu.memory_space<hbm>>
      tpu.wait_indirect_dma semaphore(%arg17 : memref<!tpu.dma_semaphore, #tpu.memory_space<semaphore_mem>>) src(%dma_wait3A_155 : memref<10240x64xf32, #tpu.memory_space<hbm>>) dst(%arg9 : memref<128x64xf32, #tpu.memory_space<vmem>>)
      %add3A_156 = arith.constant 2 : i32
      %add3A_157 = arith.addi %mul3A_120, %add3A_156 : i32
      "tpu.region"() ({
        %run_scoped3A = tpu.sem_alloc : memref<!tpu.dma_semaphore, #tpu.memory_space<semaphore_mem>>
        %dma_start3A_239 = arith.constant 0 : i32
        %dma_start3A_240 = tpu.memref_slice %arg6[%add3A_157, %dma_start3A_239] : memref<80x128xi32, #tpu.memory_space<vmem>> -> memref<1x128xi32, #tpu.memory_space<vmem>>
        %dma_start3A_241 = tpu.memref_squeeze %dma_start3A_240 : memref<1x128xi32, #tpu.memory_space<vmem>> -> memref<128xi32, #tpu.memory_space<vmem>>
        %dma_start3A_242 = arith.constant 0 : i32
        %dma_start3A_243 = arith.constant 0 : i32
        %dma_start3A_244 = tpu.memref_slice %arg24[%dma_start3A_242, %dma_start3A_243] : memref<10240x64xf32, #tpu.memory_space<vmem_shared>> -> memref<10240x64xf32, #tpu.memory_space<vmem_shared>>
        tpu.enqueue_indirect_dma source(%arg9 : memref<128x64xf32, #tpu.memory_space<vmem>>) target(%dma_start3A_244 : memref<10240x64xf32, #tpu.memory_space<vmem_shared>>) offsets(%dma_start3A_241 : memref<128xi32, #tpu.memory_space<vmem>>) semaphore(%run_scoped3A : memref<!tpu.dma_semaphore, #tpu.memory_space<semaphore_mem>>) {add = true}
        %dma_wait3A_245 = arith.constant 0 : i32
        %dma_wait3A_246 = tpu.memref_slice %arg6[%add3A_157, %dma_wait3A_245] : memref<80x128xi32, #tpu.memory_space<vmem>> -> memref<1x128xi32, #tpu.memory_space<vmem>>
        %dma_wait3A_247 = tpu.memref_squeeze %dma_wait3A_246 : memref<1x128xi32, #tpu.memory_space<vmem>> -> memref<128xi32, #tpu.memory_space<vmem>>
        %dma_wait3A_248 = arith.constant 0 : i32
        %dma_wait3A_249 = arith.constant 0 : i32
        %dma_wait3A_250 = tpu.memref_slice %arg24[%dma_wait3A_248, %dma_wait3A_249] : memref<10240x64xf32, #tpu.memory_space<vmem_shared>> -> memref<10240x64xf32, #tpu.memory_space<vmem_shared>>
        tpu.wait_indirect_dma semaphore(%run_scoped3A : memref<!tpu.dma_semaphore, #tpu.memory_space<semaphore_mem>>) src(%arg9 : memref<128x64xf32, #tpu.memory_space<vmem>>) dst(%dma_wait3A_250 : memref<10240x64xf32, #tpu.memory_space<vmem_shared>>)
        tpu.yield
      }) : () -> ()
      %lt3A_158 = arith.constant 9 : i32
      %lt3A_159 = arith.cmpi slt, %scan3A_117, %lt3A_158 : i32
      %convert_element_type3A_160 = arith.extui %lt3A_159 : i1 to i32
      %cond3A_161 = arith.constant 0 : i32
      %cond3A_162 = arith.cmpi ne, %convert_element_type3A_160, %cond3A_161 : i32
      scf.if %cond3A_162 {
        %add3A_239 = arith.constant 8 : i32
        %add3A_240 = arith.addi %mul3A_120, %add3A_239 : i32
        %add3A_241 = arith.constant 2 : i32
        %add3A_242 = arith.addi %add3A_240, %add3A_241 : i32
        %dma_start3A_243 = arith.constant 0 : i32
        %dma_start3A_244 = tpu.memref_slice %arg5[%add3A_242, %dma_start3A_243] : memref<80x128xi32, #tpu.memory_space<vmem>> -> memref<1x128xi32, #tpu.memory_space<vmem>>
        %dma_start3A_245 = tpu.memref_squeeze %dma_start3A_244 : memref<1x128xi32, #tpu.memory_space<vmem>> -> memref<128xi32, #tpu.memory_space<vmem>>
        %dma_start3A_246 = arith.constant 0 : i32
        %dma_start3A_247 = arith.constant 0 : i32
        %dma_start3A_248 = tpu.memref_slice %arg2[%dma_start3A_246, %dma_start3A_247] : memref<10240x64xf32, #tpu.memory_space<hbm>> -> memref<10240x64xf32, #tpu.memory_space<hbm>>
        tpu.enqueue_indirect_dma source(%dma_start3A_248 : memref<10240x64xf32, #tpu.memory_space<hbm>>) target(%arg9 : memref<128x64xf32, #tpu.memory_space<vmem>>) offsets(%dma_start3A_245 : memref<128xi32, #tpu.memory_space<vmem>>) semaphore(%arg17 : memref<!tpu.dma_semaphore, #tpu.memory_space<semaphore_mem>>)
      } else {
      }
      %add3A_163 = arith.constant 3 : i32
      %add3A_164 = arith.addi %mul3A_120, %add3A_163 : i32
      %dma_wait3A_165 = arith.constant 0 : i32
      %dma_wait3A_166 = tpu.memref_slice %arg5[%add3A_164, %dma_wait3A_165] : memref<80x128xi32, #tpu.memory_space<vmem>> -> memref<1x128xi32, #tpu.memory_space<vmem>>
      %dma_wait3A_167 = tpu.memref_squeeze %dma_wait3A_166 : memref<1x128xi32, #tpu.memory_space<vmem>> -> memref<128xi32, #tpu.memory_space<vmem>>
      %dma_wait3A_168 = arith.constant 0 : i32
      %dma_wait3A_169 = arith.constant 0 : i32
      %dma_wait3A_170 = tpu.memref_slice %arg2[%dma_wait3A_168, %dma_wait3A_169] : memref<10240x64xf32, #tpu.memory_space<hbm>> -> memref<10240x64xf32, #tpu.memory_space<hbm>>
      tpu.wait_indirect_dma semaphore(%arg18 : memref<!tpu.dma_semaphore, #tpu.memory_space<semaphore_mem>>) src(%dma_wait3A_170 : memref<10240x64xf32, #tpu.memory_space<hbm>>) dst(%arg10 : memref<128x64xf32, #tpu.memory_space<vmem>>)
      %add3A_171 = arith.constant 3 : i32
      %add3A_172 = arith.addi %mul3A_120, %add3A_171 : i32
      "tpu.region"() ({
        %run_scoped3A = tpu.sem_alloc : memref<!tpu.dma_semaphore, #tpu.memory_space<semaphore_mem>>
        %dma_start3A_239 = arith.constant 0 : i32
        %dma_start3A_240 = tpu.memref_slice %arg6[%add3A_172, %dma_start3A_239] : memref<80x128xi32, #tpu.memory_space<vmem>> -> memref<1x128xi32, #tpu.memory_space<vmem>>
        %dma_start3A_241 = tpu.memref_squeeze %dma_start3A_240 : memref<1x128xi32, #tpu.memory_space<vmem>> -> memref<128xi32, #tpu.memory_space<vmem>>
        %dma_start3A_242 = arith.constant 0 : i32
        %dma_start3A_243 = arith.constant 0 : i32
        %dma_start3A_244 = tpu.memref_slice %arg24[%dma_start3A_242, %dma_start3A_243] : memref<10240x64xf32, #tpu.memory_space<vmem_shared>> -> memref<10240x64xf32, #tpu.memory_space<vmem_shared>>
        tpu.enqueue_indirect_dma source(%arg10 : memref<128x64xf32, #tpu.memory_space<vmem>>) target(%dma_start3A_244 : memref<10240x64xf32, #tpu.memory_space<vmem_shared>>) offsets(%dma_start3A_241 : memref<128xi32, #tpu.memory_space<vmem>>) semaphore(%run_scoped3A : memref<!tpu.dma_semaphore, #tpu.memory_space<semaphore_mem>>) {add = true}
        %dma_wait3A_245 = arith.constant 0 : i32
        %dma_wait3A_246 = tpu.memref_slice %arg6[%add3A_172, %dma_wait3A_245] : memref<80x128xi32, #tpu.memory_space<vmem>> -> memref<1x128xi32, #tpu.memory_space<vmem>>
        %dma_wait3A_247 = tpu.memref_squeeze %dma_wait3A_246 : memref<1x128xi32, #tpu.memory_space<vmem>> -> memref<128xi32, #tpu.memory_space<vmem>>
        %dma_wait3A_248 = arith.constant 0 : i32
        %dma_wait3A_249 = arith.constant 0 : i32
        %dma_wait3A_250 = tpu.memref_slice %arg24[%dma_wait3A_248, %dma_wait3A_249] : memref<10240x64xf32, #tpu.memory_space<vmem_shared>> -> memref<10240x64xf32, #tpu.memory_space<vmem_shared>>
        tpu.wait_indirect_dma semaphore(%run_scoped3A : memref<!tpu.dma_semaphore, #tpu.memory_space<semaphore_mem>>) src(%arg10 : memref<128x64xf32, #tpu.memory_space<vmem>>) dst(%dma_wait3A_250 : memref<10240x64xf32, #tpu.memory_space<vmem_shared>>)
        tpu.yield
      }) : () -> ()
      %lt3A_173 = arith.constant 9 : i32
      %lt3A_174 = arith.cmpi slt, %scan3A_117, %lt3A_173 : i32
      %convert_element_type3A_175 = arith.extui %lt3A_174 : i1 to i32
      %cond3A_176 = arith.constant 0 : i32
      %cond3A_177 = arith.cmpi ne, %convert_element_type3A_175, %cond3A_176 : i32
      scf.if %cond3A_177 {
        %add3A_239 = arith.constant 8 : i32
        %add3A_240 = arith.addi %mul3A_120, %add3A_239 : i32
        %add3A_241 = arith.constant 3 : i32
        %add3A_242 = arith.addi %add3A_240, %add3A_241 : i32
        %dma_start3A_243 = arith.constant 0 : i32
        %dma_start3A_244 = tpu.memref_slice %arg5[%add3A_242, %dma_start3A_243] : memref<80x128xi32, #tpu.memory_space<vmem>> -> memref<1x128xi32, #tpu.memory_space<vmem>>
        %dma_start3A_245 = tpu.memref_squeeze %dma_start3A_244 : memref<1x128xi32, #tpu.memory_space<vmem>> -> memref<128xi32, #tpu.memory_space<vmem>>
        %dma_start3A_246 = arith.constant 0 : i32
        %dma_start3A_247 = arith.constant 0 : i32
        %dma_start3A_248 = tpu.memref_slice %arg2[%dma_start3A_246, %dma_start3A_247] : memref<10240x64xf32, #tpu.memory_space<hbm>> -> memref<10240x64xf32, #tpu.memory_space<hbm>>
        tpu.enqueue_indirect_dma source(%dma_start3A_248 : memref<10240x64xf32, #tpu.memory_space<hbm>>) target(%arg10 : memref<128x64xf32, #tpu.memory_space<vmem>>) offsets(%dma_start3A_245 : memref<128xi32, #tpu.memory_space<vmem>>) semaphore(%arg18 : memref<!tpu.dma_semaphore, #tpu.memory_space<semaphore_mem>>)
      } else {
      }
      %add3A_178 = arith.constant 4 : i32
      %add3A_179 = arith.addi %mul3A_120, %add3A_178 : i32
      %dma_wait3A_180 = arith.constant 0 : i32
      %dma_wait3A_181 = tpu.memref_slice %arg5[%add3A_179, %dma_wait3A_180] : memref<80x128xi32, #tpu.memory_space<vmem>> -> memref<1x128xi32, #tpu.memory_space<vmem>>
      %dma_wait3A_182 = tpu.memref_squeeze %dma_wait3A_181 : memref<1x128xi32, #tpu.memory_space<vmem>> -> memref<128xi32, #tpu.memory_space<vmem>>
      %dma_wait3A_183 = arith.constant 0 : i32
      %dma_wait3A_184 = arith.constant 0 : i32
      %dma_wait3A_185 = tpu.memref_slice %arg2[%dma_wait3A_183, %dma_wait3A_184] : memref<10240x64xf32, #tpu.memory_space<hbm>> -> memref<10240x64xf32, #tpu.memory_space<hbm>>
      tpu.wait_indirect_dma semaphore(%arg19 : memref<!tpu.dma_semaphore, #tpu.memory_space<semaphore_mem>>) src(%dma_wait3A_185 : memref<10240x64xf32, #tpu.memory_space<hbm>>) dst(%arg11 : memref<128x64xf32, #tpu.memory_space<vmem>>)
      %add3A_186 = arith.constant 4 : i32
      %add3A_187 = arith.addi %mul3A_120, %add3A_186 : i32
      "tpu.region"() ({
        %run_scoped3A = tpu.sem_alloc : memref<!tpu.dma_semaphore, #tpu.memory_space<semaphore_mem>>
        %dma_start3A_239 = arith.constant 0 : i32
        %dma_start3A_240 = tpu.memref_slice %arg6[%add3A_187, %dma_start3A_239] : memref<80x128xi32, #tpu.memory_space<vmem>> -> memref<1x128xi32, #tpu.memory_space<vmem>>
        %dma_start3A_241 = tpu.memref_squeeze %dma_start3A_240 : memref<1x128xi32, #tpu.memory_space<vmem>> -> memref<128xi32, #tpu.memory_space<vmem>>
        %dma_start3A_242 = arith.constant 0 : i32
        %dma_start3A_243 = arith.constant 0 : i32
        %dma_start3A_244 = tpu.memref_slice %arg24[%dma_start3A_242, %dma_start3A_243] : memref<10240x64xf32, #tpu.memory_space<vmem_shared>> -> memref<10240x64xf32, #tpu.memory_space<vmem_shared>>
        tpu.enqueue_indirect_dma source(%arg11 : memref<128x64xf32, #tpu.memory_space<vmem>>) target(%dma_start3A_244 : memref<10240x64xf32, #tpu.memory_space<vmem_shared>>) offsets(%dma_start3A_241 : memref<128xi32, #tpu.memory_space<vmem>>) semaphore(%run_scoped3A : memref<!tpu.dma_semaphore, #tpu.memory_space<semaphore_mem>>) {add = true}
        %dma_wait3A_245 = arith.constant 0 : i32
        %dma_wait3A_246 = tpu.memref_slice %arg6[%add3A_187, %dma_wait3A_245] : memref<80x128xi32, #tpu.memory_space<vmem>> -> memref<1x128xi32, #tpu.memory_space<vmem>>
        %dma_wait3A_247 = tpu.memref_squeeze %dma_wait3A_246 : memref<1x128xi32, #tpu.memory_space<vmem>> -> memref<128xi32, #tpu.memory_space<vmem>>
        %dma_wait3A_248 = arith.constant 0 : i32
        %dma_wait3A_249 = arith.constant 0 : i32
        %dma_wait3A_250 = tpu.memref_slice %arg24[%dma_wait3A_248, %dma_wait3A_249] : memref<10240x64xf32, #tpu.memory_space<vmem_shared>> -> memref<10240x64xf32, #tpu.memory_space<vmem_shared>>
        tpu.wait_indirect_dma semaphore(%run_scoped3A : memref<!tpu.dma_semaphore, #tpu.memory_space<semaphore_mem>>) src(%arg11 : memref<128x64xf32, #tpu.memory_space<vmem>>) dst(%dma_wait3A_250 : memref<10240x64xf32, #tpu.memory_space<vmem_shared>>)
        tpu.yield
      }) : () -> ()
      %lt3A_188 = arith.constant 9 : i32
      %lt3A_189 = arith.cmpi slt, %scan3A_117, %lt3A_188 : i32
      %convert_element_type3A_190 = arith.extui %lt3A_189 : i1 to i32
      %cond3A_191 = arith.constant 0 : i32
      %cond3A_192 = arith.cmpi ne, %convert_element_type3A_190, %cond3A_191 : i32
      scf.if %cond3A_192 {
        %add3A_239 = arith.constant 8 : i32
        %add3A_240 = arith.addi %mul3A_120, %add3A_239 : i32
        %add3A_241 = arith.constant 4 : i32
        %add3A_242 = arith.addi %add3A_240, %add3A_241 : i32
        %dma_start3A_243 = arith.constant 0 : i32
        %dma_start3A_244 = tpu.memref_slice %arg5[%add3A_242, %dma_start3A_243] : memref<80x128xi32, #tpu.memory_space<vmem>> -> memref<1x128xi32, #tpu.memory_space<vmem>>
        %dma_start3A_245 = tpu.memref_squeeze %dma_start3A_244 : memref<1x128xi32, #tpu.memory_space<vmem>> -> memref<128xi32, #tpu.memory_space<vmem>>
        %dma_start3A_246 = arith.constant 0 : i32
        %dma_start3A_247 = arith.constant 0 : i32
        %dma_start3A_248 = tpu.memref_slice %arg2[%dma_start3A_246, %dma_start3A_247] : memref<10240x64xf32, #tpu.memory_space<hbm>> -> memref<10240x64xf32, #tpu.memory_space<hbm>>
        tpu.enqueue_indirect_dma source(%dma_start3A_248 : memref<10240x64xf32, #tpu.memory_space<hbm>>) target(%arg11 : memref<128x64xf32, #tpu.memory_space<vmem>>) offsets(%dma_start3A_245 : memref<128xi32, #tpu.memory_space<vmem>>) semaphore(%arg19 : memref<!tpu.dma_semaphore, #tpu.memory_space<semaphore_mem>>)
      } else {
      }
      %add3A_193 = arith.constant 5 : i32
      %add3A_194 = arith.addi %mul3A_120, %add3A_193 : i32
      %dma_wait3A_195 = arith.constant 0 : i32
      %dma_wait3A_196 = tpu.memref_slice %arg5[%add3A_194, %dma_wait3A_195] : memref<80x128xi32, #tpu.memory_space<vmem>> -> memref<1x128xi32, #tpu.memory_space<vmem>>
      %dma_wait3A_197 = tpu.memref_squeeze %dma_wait3A_196 : memref<1x128xi32, #tpu.memory_space<vmem>> -> memref<128xi32, #tpu.memory_space<vmem>>
      %dma_wait3A_198 = arith.constant 0 : i32
      %dma_wait3A_199 = arith.constant 0 : i32
      %dma_wait3A_200 = tpu.memref_slice %arg2[%dma_wait3A_198, %dma_wait3A_199] : memref<10240x64xf32, #tpu.memory_space<hbm>> -> memref<10240x64xf32, #tpu.memory_space<hbm>>
      tpu.wait_indirect_dma semaphore(%arg20 : memref<!tpu.dma_semaphore, #tpu.memory_space<semaphore_mem>>) src(%dma_wait3A_200 : memref<10240x64xf32, #tpu.memory_space<hbm>>) dst(%arg12 : memref<128x64xf32, #tpu.memory_space<vmem>>)
      %add3A_201 = arith.constant 5 : i32
      %add3A_202 = arith.addi %mul3A_120, %add3A_201 : i32
      "tpu.region"() ({
        %run_scoped3A = tpu.sem_alloc : memref<!tpu.dma_semaphore, #tpu.memory_space<semaphore_mem>>
        %dma_start3A_239 = arith.constant 0 : i32
        %dma_start3A_240 = tpu.memref_slice %arg6[%add3A_202, %dma_start3A_239] : memref<80x128xi32, #tpu.memory_space<vmem>> -> memref<1x128xi32, #tpu.memory_space<vmem>>
        %dma_start3A_241 = tpu.memref_squeeze %dma_start3A_240 : memref<1x128xi32, #tpu.memory_space<vmem>> -> memref<128xi32, #tpu.memory_space<vmem>>
        %dma_start3A_242 = arith.constant 0 : i32
        %dma_start3A_243 = arith.constant 0 : i32
        %dma_start3A_244 = tpu.memref_slice %arg24[%dma_start3A_242, %dma_start3A_243] : memref<10240x64xf32, #tpu.memory_space<vmem_shared>> -> memref<10240x64xf32, #tpu.memory_space<vmem_shared>>
        tpu.enqueue_indirect_dma source(%arg12 : memref<128x64xf32, #tpu.memory_space<vmem>>) target(%dma_start3A_244 : memref<10240x64xf32, #tpu.memory_space<vmem_shared>>) offsets(%dma_start3A_241 : memref<128xi32, #tpu.memory_space<vmem>>) semaphore(%run_scoped3A : memref<!tpu.dma_semaphore, #tpu.memory_space<semaphore_mem>>) {add = true}
        %dma_wait3A_245 = arith.constant 0 : i32
        %dma_wait3A_246 = tpu.memref_slice %arg6[%add3A_202, %dma_wait3A_245] : memref<80x128xi32, #tpu.memory_space<vmem>> -> memref<1x128xi32, #tpu.memory_space<vmem>>
        %dma_wait3A_247 = tpu.memref_squeeze %dma_wait3A_246 : memref<1x128xi32, #tpu.memory_space<vmem>> -> memref<128xi32, #tpu.memory_space<vmem>>
        %dma_wait3A_248 = arith.constant 0 : i32
        %dma_wait3A_249 = arith.constant 0 : i32
        %dma_wait3A_250 = tpu.memref_slice %arg24[%dma_wait3A_248, %dma_wait3A_249] : memref<10240x64xf32, #tpu.memory_space<vmem_shared>> -> memref<10240x64xf32, #tpu.memory_space<vmem_shared>>
        tpu.wait_indirect_dma semaphore(%run_scoped3A : memref<!tpu.dma_semaphore, #tpu.memory_space<semaphore_mem>>) src(%arg12 : memref<128x64xf32, #tpu.memory_space<vmem>>) dst(%dma_wait3A_250 : memref<10240x64xf32, #tpu.memory_space<vmem_shared>>)
        tpu.yield
      }) : () -> ()
      %lt3A_203 = arith.constant 9 : i32
      %lt3A_204 = arith.cmpi slt, %scan3A_117, %lt3A_203 : i32
      %convert_element_type3A_205 = arith.extui %lt3A_204 : i1 to i32
      %cond3A_206 = arith.constant 0 : i32
      %cond3A_207 = arith.cmpi ne, %convert_element_type3A_205, %cond3A_206 : i32
      scf.if %cond3A_207 {
        %add3A_239 = arith.constant 8 : i32
        %add3A_240 = arith.addi %mul3A_120, %add3A_239 : i32
        %add3A_241 = arith.constant 5 : i32
        %add3A_242 = arith.addi %add3A_240, %add3A_241 : i32
        %dma_start3A_243 = arith.constant 0 : i32
        %dma_start3A_244 = tpu.memref_slice %arg5[%add3A_242, %dma_start3A_243] : memref<80x128xi32, #tpu.memory_space<vmem>> -> memref<1x128xi32, #tpu.memory_space<vmem>>
        %dma_start3A_245 = tpu.memref_squeeze %dma_start3A_244 : memref<1x128xi32, #tpu.memory_space<vmem>> -> memref<128xi32, #tpu.memory_space<vmem>>
        %dma_start3A_246 = arith.constant 0 : i32
        %dma_start3A_247 = arith.constant 0 : i32
        %dma_start3A_248 = tpu.memref_slice %arg2[%dma_start3A_246, %dma_start3A_247] : memref<10240x64xf32, #tpu.memory_space<hbm>> -> memref<10240x64xf32, #tpu.memory_space<hbm>>
        tpu.enqueue_indirect_dma source(%dma_start3A_248 : memref<10240x64xf32, #tpu.memory_space<hbm>>) target(%arg12 : memref<128x64xf32, #tpu.memory_space<vmem>>) offsets(%dma_start3A_245 : memref<128xi32, #tpu.memory_space<vmem>>) semaphore(%arg20 : memref<!tpu.dma_semaphore, #tpu.memory_space<semaphore_mem>>)
      } else {
      }
      %add3A_208 = arith.constant 6 : i32
      %add3A_209 = arith.addi %mul3A_120, %add3A_208 : i32
      %dma_wait3A_210 = arith.constant 0 : i32
      %dma_wait3A_211 = tpu.memref_slice %arg5[%add3A_209, %dma_wait3A_210] : memref<80x128xi32, #tpu.memory_space<vmem>> -> memref<1x128xi32, #tpu.memory_space<vmem>>
      %dma_wait3A_212 = tpu.memref_squeeze %dma_wait3A_211 : memref<1x128xi32, #tpu.memory_space<vmem>> -> memref<128xi32, #tpu.memory_space<vmem>>
      %dma_wait3A_213 = arith.constant 0 : i32
      %dma_wait3A_214 = arith.constant 0 : i32
      %dma_wait3A_215 = tpu.memref_slice %arg2[%dma_wait3A_213, %dma_wait3A_214] : memref<10240x64xf32, #tpu.memory_space<hbm>> -> memref<10240x64xf32, #tpu.memory_space<hbm>>
      tpu.wait_indirect_dma semaphore(%arg21 : memref<!tpu.dma_semaphore, #tpu.memory_space<semaphore_mem>>) src(%dma_wait3A_215 : memref<10240x64xf32, #tpu.memory_space<hbm>>) dst(%arg13 : memref<128x64xf32, #tpu.memory_space<vmem>>)
      %add3A_216 = arith.constant 6 : i32
      %add3A_217 = arith.addi %mul3A_120, %add3A_216 : i32
      "tpu.region"() ({
        %run_scoped3A = tpu.sem_alloc : memref<!tpu.dma_semaphore, #tpu.memory_space<semaphore_mem>>
        %dma_start3A_239 = arith.constant 0 : i32
        %dma_start3A_240 = tpu.memref_slice %arg6[%add3A_217, %dma_start3A_239] : memref<80x128xi32, #tpu.memory_space<vmem>> -> memref<1x128xi32, #tpu.memory_space<vmem>>
        %dma_start3A_241 = tpu.memref_squeeze %dma_start3A_240 : memref<1x128xi32, #tpu.memory_space<vmem>> -> memref<128xi32, #tpu.memory_space<vmem>>
        %dma_start3A_242 = arith.constant 0 : i32
        %dma_start3A_243 = arith.constant 0 : i32
        %dma_start3A_244 = tpu.memref_slice %arg24[%dma_start3A_242, %dma_start3A_243] : memref<10240x64xf32, #tpu.memory_space<vmem_shared>> -> memref<10240x64xf32, #tpu.memory_space<vmem_shared>>
        tpu.enqueue_indirect_dma source(%arg13 : memref<128x64xf32, #tpu.memory_space<vmem>>) target(%dma_start3A_244 : memref<10240x64xf32, #tpu.memory_space<vmem_shared>>) offsets(%dma_start3A_241 : memref<128xi32, #tpu.memory_space<vmem>>) semaphore(%run_scoped3A : memref<!tpu.dma_semaphore, #tpu.memory_space<semaphore_mem>>) {add = true}
        %dma_wait3A_245 = arith.constant 0 : i32
        %dma_wait3A_246 = tpu.memref_slice %arg6[%add3A_217, %dma_wait3A_245] : memref<80x128xi32, #tpu.memory_space<vmem>> -> memref<1x128xi32, #tpu.memory_space<vmem>>
        %dma_wait3A_247 = tpu.memref_squeeze %dma_wait3A_246 : memref<1x128xi32, #tpu.memory_space<vmem>> -> memref<128xi32, #tpu.memory_space<vmem>>
        %dma_wait3A_248 = arith.constant 0 : i32
        %dma_wait3A_249 = arith.constant 0 : i32
        %dma_wait3A_250 = tpu.memref_slice %arg24[%dma_wait3A_248, %dma_wait3A_249] : memref<10240x64xf32, #tpu.memory_space<vmem_shared>> -> memref<10240x64xf32, #tpu.memory_space<vmem_shared>>
        tpu.wait_indirect_dma semaphore(%run_scoped3A : memref<!tpu.dma_semaphore, #tpu.memory_space<semaphore_mem>>) src(%arg13 : memref<128x64xf32, #tpu.memory_space<vmem>>) dst(%dma_wait3A_250 : memref<10240x64xf32, #tpu.memory_space<vmem_shared>>)
        tpu.yield
      }) : () -> ()
      %lt3A_218 = arith.constant 9 : i32
      %lt3A_219 = arith.cmpi slt, %scan3A_117, %lt3A_218 : i32
      %convert_element_type3A_220 = arith.extui %lt3A_219 : i1 to i32
      %cond3A_221 = arith.constant 0 : i32
      %cond3A_222 = arith.cmpi ne, %convert_element_type3A_220, %cond3A_221 : i32
      scf.if %cond3A_222 {
        %add3A_239 = arith.constant 8 : i32
        %add3A_240 = arith.addi %mul3A_120, %add3A_239 : i32
        %add3A_241 = arith.constant 6 : i32
        %add3A_242 = arith.addi %add3A_240, %add3A_241 : i32
        %dma_start3A_243 = arith.constant 0 : i32
        %dma_start3A_244 = tpu.memref_slice %arg5[%add3A_242, %dma_start3A_243] : memref<80x128xi32, #tpu.memory_space<vmem>> -> memref<1x128xi32, #tpu.memory_space<vmem>>
        %dma_start3A_245 = tpu.memref_squeeze %dma_start3A_244 : memref<1x128xi32, #tpu.memory_space<vmem>> -> memref<128xi32, #tpu.memory_space<vmem>>
        %dma_start3A_246 = arith.constant 0 : i32
        %dma_start3A_247 = arith.constant 0 : i32
        %dma_start3A_248 = tpu.memref_slice %arg2[%dma_start3A_246, %dma_start3A_247] : memref<10240x64xf32, #tpu.memory_space<hbm>> -> memref<10240x64xf32, #tpu.memory_space<hbm>>
        tpu.enqueue_indirect_dma source(%dma_start3A_248 : memref<10240x64xf32, #tpu.memory_space<hbm>>) target(%arg13 : memref<128x64xf32, #tpu.memory_space<vmem>>) offsets(%dma_start3A_245 : memref<128xi32, #tpu.memory_space<vmem>>) semaphore(%arg21 : memref<!tpu.dma_semaphore, #tpu.memory_space<semaphore_mem>>)
      } else {
      }
      %add3A_223 = arith.constant 7 : i32
      %add3A_224 = arith.addi %mul3A_120, %add3A_223 : i32
      %dma_wait3A_225 = arith.constant 0 : i32
      %dma_wait3A_226 = tpu.memref_slice %arg5[%add3A_224, %dma_wait3A_225] : memref<80x128xi32, #tpu.memory_space<vmem>> -> memref<1x128xi32, #tpu.memory_space<vmem>>
      %dma_wait3A_227 = tpu.memref_squeeze %dma_wait3A_226 : memref<1x128xi32, #tpu.memory_space<vmem>> -> memref<128xi32, #tpu.memory_space<vmem>>
      %dma_wait3A_228 = arith.constant 0 : i32
      %dma_wait3A_229 = arith.constant 0 : i32
      %dma_wait3A_230 = tpu.memref_slice %arg2[%dma_wait3A_228, %dma_wait3A_229] : memref<10240x64xf32, #tpu.memory_space<hbm>> -> memref<10240x64xf32, #tpu.memory_space<hbm>>
      tpu.wait_indirect_dma semaphore(%arg22 : memref<!tpu.dma_semaphore, #tpu.memory_space<semaphore_mem>>) src(%dma_wait3A_230 : memref<10240x64xf32, #tpu.memory_space<hbm>>) dst(%arg14 : memref<128x64xf32, #tpu.memory_space<vmem>>)
      %add3A_231 = arith.constant 7 : i32
      %add3A_232 = arith.addi %mul3A_120, %add3A_231 : i32
      "tpu.region"() ({
        %run_scoped3A = tpu.sem_alloc : memref<!tpu.dma_semaphore, #tpu.memory_space<semaphore_mem>>
        %dma_start3A_239 = arith.constant 0 : i32
        %dma_start3A_240 = tpu.memref_slice %arg6[%add3A_232, %dma_start3A_239] : memref<80x128xi32, #tpu.memory_space<vmem>> -> memref<1x128xi32, #tpu.memory_space<vmem>>
        %dma_start3A_241 = tpu.memref_squeeze %dma_start3A_240 : memref<1x128xi32, #tpu.memory_space<vmem>> -> memref<128xi32, #tpu.memory_space<vmem>>
        %dma_start3A_242 = arith.constant 0 : i32
        %dma_start3A_243 = arith.constant 0 : i32
        %dma_start3A_244 = tpu.memref_slice %arg24[%dma_start3A_242, %dma_start3A_243] : memref<10240x64xf32, #tpu.memory_space<vmem_shared>> -> memref<10240x64xf32, #tpu.memory_space<vmem_shared>>
        tpu.enqueue_indirect_dma source(%arg14 : memref<128x64xf32, #tpu.memory_space<vmem>>) target(%dma_start3A_244 : memref<10240x64xf32, #tpu.memory_space<vmem_shared>>) offsets(%dma_start3A_241 : memref<128xi32, #tpu.memory_space<vmem>>) semaphore(%run_scoped3A : memref<!tpu.dma_semaphore, #tpu.memory_space<semaphore_mem>>) {add = true}
        %dma_wait3A_245 = arith.constant 0 : i32
        %dma_wait3A_246 = tpu.memref_slice %arg6[%add3A_232, %dma_wait3A_245] : memref<80x128xi32, #tpu.memory_space<vmem>> -> memref<1x128xi32, #tpu.memory_space<vmem>>
        %dma_wait3A_247 = tpu.memref_squeeze %dma_wait3A_246 : memref<1x128xi32, #tpu.memory_space<vmem>> -> memref<128xi32, #tpu.memory_space<vmem>>
        %dma_wait3A_248 = arith.constant 0 : i32
        %dma_wait3A_249 = arith.constant 0 : i32
        %dma_wait3A_250 = tpu.memref_slice %arg24[%dma_wait3A_248, %dma_wait3A_249] : memref<10240x64xf32, #tpu.memory_space<vmem_shared>> -> memref<10240x64xf32, #tpu.memory_space<vmem_shared>>
        tpu.wait_indirect_dma semaphore(%run_scoped3A : memref<!tpu.dma_semaphore, #tpu.memory_space<semaphore_mem>>) src(%arg14 : memref<128x64xf32, #tpu.memory_space<vmem>>) dst(%dma_wait3A_250 : memref<10240x64xf32, #tpu.memory_space<vmem_shared>>)
        tpu.yield
      }) : () -> ()
      %lt3A_233 = arith.constant 9 : i32
      %lt3A_234 = arith.cmpi slt, %scan3A_117, %lt3A_233 : i32
      %convert_element_type3A_235 = arith.extui %lt3A_234 : i1 to i32
      %cond3A_236 = arith.constant 0 : i32
      %cond3A_237 = arith.cmpi ne, %convert_element_type3A_235, %cond3A_236 : i32
      scf.if %cond3A_237 {
        %add3A_239 = arith.constant 8 : i32
        %add3A_240 = arith.addi %mul3A_120, %add3A_239 : i32
        %add3A_241 = arith.constant 7 : i32
        %add3A_242 = arith.addi %add3A_240, %add3A_241 : i32
        %dma_start3A_243 = arith.constant 0 : i32
        %dma_start3A_244 = tpu.memref_slice %arg5[%add3A_242, %dma_start3A_243] : memref<80x128xi32, #tpu.memory_space<vmem>> -> memref<1x128xi32, #tpu.memory_space<vmem>>
        %dma_start3A_245 = tpu.memref_squeeze %dma_start3A_244 : memref<1x128xi32, #tpu.memory_space<vmem>> -> memref<128xi32, #tpu.memory_space<vmem>>
        %dma_start3A_246 = arith.constant 0 : i32
        %dma_start3A_247 = arith.constant 0 : i32
        %dma_start3A_248 = tpu.memref_slice %arg2[%dma_start3A_246, %dma_start3A_247] : memref<10240x64xf32, #tpu.memory_space<hbm>> -> memref<10240x64xf32, #tpu.memory_space<hbm>>
        tpu.enqueue_indirect_dma source(%dma_start3A_248 : memref<10240x64xf32, #tpu.memory_space<hbm>>) target(%arg14 : memref<128x64xf32, #tpu.memory_space<vmem>>) offsets(%dma_start3A_245 : memref<128xi32, #tpu.memory_space<vmem>>) semaphore(%arg22 : memref<!tpu.dma_semaphore, #tpu.memory_space<semaphore_mem>>)
      } else {
      }
      %scan3A_238 = arith.constant 0 : i32
      scf.yield %scan3A_238 : i32
    }
    %scan3A_115 = arith.constant 10 : i32
    %barrier3A_116 = arith.constant 0 : index
    tpu.barrier barrier_id(%barrier3A_116)
    "tpu.region"() ({
      %run_scoped3A = tpu.sem_alloc : memref<!tpu.dma_semaphore, #tpu.memory_space<semaphore_mem>>
      %dma_start3A_117 = arith.constant 0 : i32
      %dma_start3A_118 = tpu.memref_slice %arg4[%arg0, %mul3A_25, %dma_start3A_117] : memref<2x10240x64xf32, #tpu.memory_space<hbm>> -> memref<1x640x64xf32, #tpu.memory_space<hbm>>
      %dma_start3A_119 = tpu.memref_squeeze %dma_start3A_118 : memref<1x640x64xf32, #tpu.memory_space<hbm>> -> memref<640x64xf32, #tpu.memory_space<hbm>>
      %dma_start3A_120 = arith.constant 0 : i32
      %dma_start3A_121 = tpu.memref_slice %arg24[%mul3A_25, %dma_start3A_120] : memref<10240x64xf32, #tpu.memory_space<vmem_shared>> -> memref<640x64xf32, #tpu.memory_space<vmem_shared>>
      tpu.enqueue_dma source(%dma_start3A_121 : memref<640x64xf32, #tpu.memory_space<vmem_shared>>) target(%dma_start3A_119 : memref<640x64xf32, #tpu.memory_space<hbm>>) target_semaphore(%run_scoped3A : memref<!tpu.dma_semaphore, #tpu.memory_space<semaphore_mem>>)
      %dma_wait3A_122 = arith.constant 0 : i32
      %dma_wait3A_123 = tpu.memref_slice %arg4[%arg0, %mul3A_25, %dma_wait3A_122] : memref<2x10240x64xf32, #tpu.memory_space<hbm>> -> memref<1x640x64xf32, #tpu.memory_space<hbm>>
      %dma_wait3A_124 = tpu.memref_squeeze %dma_wait3A_123 : memref<1x640x64xf32, #tpu.memory_space<hbm>> -> memref<640x64xf32, #tpu.memory_space<hbm>>
      %dma_wait3A_125 = arith.constant 0 : i32
      %dma_wait3A_126 = tpu.memref_slice %arg24[%mul3A_25, %dma_wait3A_125] : memref<10240x64xf32, #tpu.memory_space<vmem_shared>> -> memref<640x64xf32, #tpu.memory_space<vmem_shared>>
      tpu.wait_dma2 semaphore(%run_scoped3A : memref<!tpu.dma_semaphore, #tpu.memory_space<semaphore_mem>>) src(%dma_wait3A_126 : memref<640x64xf32, #tpu.memory_space<vmem_shared>>) dst(%dma_wait3A_124 : memref<640x64xf32, #tpu.memory_space<hbm>>)
      tpu.yield
    }) : () -> ()
    return
  }
}

#map = affine_map<(d0, d1) -> (0, 0)>
#map1 = affine_map<(d0, d1) -> (0, 0, 0)>
module attributes {stable_mosaic.version = 14 : i64} {
  func.func @_agg_kernel(%arg0: i32, %arg1: i32, %arg2: memref<10240x48xf32, #tpu.memory_space<hbm>>, %arg3: memref<2x2560x128xi32, #tpu.memory_space<hbm>>, %arg4: memref<2x10240x48xf32, #tpu.memory_space<hbm>>, %arg5: memref<80x128xi32, #tpu.memory_space<vmem>>, %arg6: memref<80x128xi32, #tpu.memory_space<vmem>>, %arg7: memref<128x48xf32, #tpu.memory_space<vmem>>, %arg8: memref<128x48xf32, #tpu.memory_space<vmem>>, %arg9: memref<128x48xf32, #tpu.memory_space<vmem>>, %arg10: memref<128x48xf32, #tpu.memory_space<vmem>>, %arg11: memref<128x48xf32, #tpu.memory_space<vmem>>, %arg12: memref<128x48xf32, #tpu.memory_space<vmem>>, %arg13: memref<128x48xf32, #tpu.memory_space<vmem>>, %arg14: memref<128x48xf32, #tpu.memory_space<vmem>>, %arg15: memref<!tpu.dma_semaphore, #tpu.memory_space<semaphore_mem>>, %arg16: memref<!tpu.dma_semaphore, #tpu.memory_space<semaphore_mem>>, %arg17: memref<!tpu.dma_semaphore, #tpu.memory_space<semaphore_mem>>, %arg18: memref<!tpu.dma_semaphore, #tpu.memory_space<semaphore_mem>>, %arg19: memref<!tpu.dma_semaphore, #tpu.memory_space<semaphore_mem>>, %arg20: memref<!tpu.dma_semaphore, #tpu.memory_space<semaphore_mem>>, %arg21: memref<!tpu.dma_semaphore, #tpu.memory_space<semaphore_mem>>, %arg22: memref<!tpu.dma_semaphore, #tpu.memory_space<semaphore_mem>>, %arg23: memref<!tpu.dma_semaphore, #tpu.memory_space<semaphore_mem>>, %arg24: memref<10240x48xf32, #tpu.memory_space<vmem_shared>>) attributes {dimension_semantics = [#tpu.dimension_semantics<core_parallel>, #tpu.dimension_semantics<subcore_parallel>], iteration_bounds = array<i64: 2, 16>, scalar_prefetch = 0 : i64, scratch_operands = 20 : i64, tpu.core_type = #tpu.core_type<sc_vector_subcore>, window_params = [{transform_indices = #map}, {transform_indices = #map1}, {transform_indices = #map1}]} {
    %mul3A = arith.constant 2 : i32
    %mul3A_0 = arith.muli %arg1, %mul3A : i32
    %add3A = arith.addi %mul3A_0, %arg0 : i32
    %mul3A_1 = arith.constant 80 : i32
    %mul3A_2 = arith.muli %add3A, %mul3A_1 : i32
    %dma_start3A = arith.constant 0 : i32
    %dma_start3A_3 = arith.constant 0 : i32
    %dma_start3A_4 = tpu.memref_slice %arg3[%dma_start3A, %mul3A_2, %dma_start3A_3] : memref<2x2560x128xi32, #tpu.memory_space<hbm>> -> memref<1x80x128xi32, #tpu.memory_space<hbm>>
    %dma_start3A_5 = tpu.memref_squeeze %dma_start3A_4 : memref<1x80x128xi32, #tpu.memory_space<hbm>> -> memref<80x128xi32, #tpu.memory_space<hbm>>
    %dma_start3A_6 = arith.constant 0 : i32
    %dma_start3A_7 = tpu.memref_slice %arg3[%dma_start3A, %mul3A_2, %dma_start3A_6] : memref<2x2560x128xi32, #tpu.memory_space<hbm>> -> memref<1x80x128xi32, #tpu.memory_space<hbm>>
    %dma_start3A_8 = tpu.memref_squeeze %dma_start3A_7 : memref<1x80x128xi32, #tpu.memory_space<hbm>> -> memref<80x128xi32, #tpu.memory_space<hbm>>
    tpu.enqueue_dma source(%dma_start3A_8 : memref<80x128xi32, #tpu.memory_space<hbm>>) target(%arg5 : memref<80x128xi32, #tpu.memory_space<vmem>>) target_semaphore(%arg23 : memref<!tpu.dma_semaphore, #tpu.memory_space<semaphore_mem>>)
    %mul3A_9 = arith.constant 80 : i32
    %mul3A_10 = arith.muli %add3A, %mul3A_9 : i32
    %dma_start3A_11 = arith.constant 1 : i32
    %dma_start3A_12 = arith.constant 0 : i32
    %dma_start3A_13 = tpu.memref_slice %arg3[%dma_start3A_11, %mul3A_10, %dma_start3A_12] : memref<2x2560x128xi32, #tpu.memory_space<hbm>> -> memref<1x80x128xi32, #tpu.memory_space<hbm>>
    %dma_start3A_14 = tpu.memref_squeeze %dma_start3A_13 : memref<1x80x128xi32, #tpu.memory_space<hbm>> -> memref<80x128xi32, #tpu.memory_space<hbm>>
    %dma_start3A_15 = arith.constant 0 : i32
    %dma_start3A_16 = tpu.memref_slice %arg3[%dma_start3A_11, %mul3A_10, %dma_start3A_15] : memref<2x2560x128xi32, #tpu.memory_space<hbm>> -> memref<1x80x128xi32, #tpu.memory_space<hbm>>
    %dma_start3A_17 = tpu.memref_squeeze %dma_start3A_16 : memref<1x80x128xi32, #tpu.memory_space<hbm>> -> memref<80x128xi32, #tpu.memory_space<hbm>>
    tpu.enqueue_dma source(%dma_start3A_17 : memref<80x128xi32, #tpu.memory_space<hbm>>) target(%arg6 : memref<80x128xi32, #tpu.memory_space<vmem>>) target_semaphore(%arg23 : memref<!tpu.dma_semaphore, #tpu.memory_space<semaphore_mem>>)
    %scan3A = arith.constant 0 : i32
    %scan3A_18 = arith.constant 0 : i32
    %scan3A_19 = arith.constant 128 : i32
    %scan3A_20 = arith.addi %scan3A_18, %scan3A_19 : i32
    %scan3A_21 = arith.constant 1 : i32
    %scan3A_22 = scf.for %scan3A_117 = %scan3A_18 to %scan3A_20 step %scan3A_21 iter_args(%scan3A_118 = %scan3A) -> (i32)  : i32 {
      %broadcast_in_dim3A = arith.constant 0.000000e+00 : f32
      %broadcast_in_dim3A_119 = vector.broadcast %broadcast_in_dim3A : f32 to vector<16xf32>
      %swap3A = arith.index_cast %scan3A_117 : i32 to index
      %swap3A_120 = arith.constant 0 : index
      %swap3A_121 = tpu.vector_load %arg7[%swap3A, %swap3A_120] {strides = array<i32>} : memref<128x48xf32, #tpu.memory_space<vmem>>, vector<1x16xf32>,
      %swap3A_122 = vector.shape_cast %swap3A_121 : vector<1x16xf32> to vector<16xf32>
      %swap3A_123 = vector.shape_cast %broadcast_in_dim3A_119 : vector<16xf32> to vector<1x16xf32>
      tpu.vector_store %arg7[%swap3A, %swap3A_120], %swap3A_123 {strides = array<i32>} : memref<128x48xf32, #tpu.memory_space<vmem>>, vector<1x16xf32>,
      %broadcast_in_dim3A_124 = arith.constant 0.000000e+00 : f32
      %broadcast_in_dim3A_125 = vector.broadcast %broadcast_in_dim3A_124 : f32 to vector<16xf32>
      %swap3A_126 = arith.index_cast %scan3A_117 : i32 to index
      %swap3A_127 = arith.constant 16 : index
      %swap3A_128 = tpu.vector_load %arg7[%swap3A_126, %swap3A_127] {strides = array<i32>} : memref<128x48xf32, #tpu.memory_space<vmem>>, vector<1x16xf32>,
      %swap3A_129 = vector.shape_cast %swap3A_128 : vector<1x16xf32> to vector<16xf32>
      %swap3A_130 = vector.shape_cast %broadcast_in_dim3A_125 : vector<16xf32> to vector<1x16xf32>
      tpu.vector_store %arg7[%swap3A_126, %swap3A_127], %swap3A_130 {strides = array<i32>} : memref<128x48xf32, #tpu.memory_space<vmem>>, vector<1x16xf32>,
      %broadcast_in_dim3A_131 = arith.constant 0.000000e+00 : f32
      %broadcast_in_dim3A_132 = vector.broadcast %broadcast_in_dim3A_131 : f32 to vector<16xf32>
      %swap3A_133 = arith.index_cast %scan3A_117 : i32 to index
      %swap3A_134 = arith.constant 32 : index
      %swap3A_135 = tpu.vector_load %arg7[%swap3A_133, %swap3A_134] {strides = array<i32>} : memref<128x48xf32, #tpu.memory_space<vmem>>, vector<1x16xf32>,
      %swap3A_136 = vector.shape_cast %swap3A_135 : vector<1x16xf32> to vector<16xf32>
      %swap3A_137 = vector.shape_cast %broadcast_in_dim3A_132 : vector<16xf32> to vector<1x16xf32>
      tpu.vector_store %arg7[%swap3A_133, %swap3A_134], %swap3A_137 {strides = array<i32>} : memref<128x48xf32, #tpu.memory_space<vmem>>, vector<1x16xf32>,
      %scan3A_138 = arith.constant 0 : i32
      scf.yield %scan3A_138 : i32
    }
    %scan3A_23 = arith.constant 128 : i32
    %mul3A_24 = arith.constant 640 : i32
    %mul3A_25 = arith.muli %arg1, %mul3A_24 : i32
    %add3A_26 = arith.constant 0 : i32
    %add3A_27 = arith.addi %mul3A_25, %add3A_26 : i32
    "tpu.region"() ({
      %run_scoped3A = tpu.sem_alloc : memref<!tpu.dma_semaphore, #tpu.memory_space<semaphore_mem>>
      %dma_start3A_117 = arith.constant 0 : i32
      %dma_start3A_118 = tpu.memref_slice %arg24[%add3A_27, %dma_start3A_117] : memref<10240x48xf32, #tpu.memory_space<vmem_shared>> -> memref<128x48xf32, #tpu.memory_space<vmem_shared>>
      %dma_start3A_119 = arith.constant 0 : i32
      %dma_start3A_120 = tpu.memref_slice %arg24[%add3A_27, %dma_start3A_119] : memref<10240x48xf32, #tpu.memory_space<vmem_shared>> -> memref<128x48xf32, #tpu.memory_space<vmem_shared>>
      tpu.enqueue_dma source(%arg7 : memref<128x48xf32, #tpu.memory_space<vmem>>) target(%dma_start3A_120 : memref<128x48xf32, #tpu.memory_space<vmem_shared>>) target_semaphore(%run_scoped3A : memref<!tpu.dma_semaphore, #tpu.memory_space<semaphore_mem>>)
      %dma_wait3A_121 = arith.constant 0 : i32
      %dma_wait3A_122 = tpu.memref_slice %arg24[%add3A_27, %dma_wait3A_121] : memref<10240x48xf32, #tpu.memory_space<vmem_shared>> -> memref<128x48xf32, #tpu.memory_space<vmem_shared>>
      %dma_wait3A_123 = arith.constant 0 : i32
      %dma_wait3A_124 = tpu.memref_slice %arg24[%add3A_27, %dma_wait3A_123] : memref<10240x48xf32, #tpu.memory_space<vmem_shared>> -> memref<128x48xf32, #tpu.memory_space<vmem_shared>>
      tpu.wait_dma2 semaphore(%run_scoped3A : memref<!tpu.dma_semaphore, #tpu.memory_space<semaphore_mem>>) src(%arg7 : memref<128x48xf32, #tpu.memory_space<vmem>>) dst(%dma_wait3A_124 : memref<128x48xf32, #tpu.memory_space<vmem_shared>>)
      tpu.yield
    }) : () -> ()
    %add3A_28 = arith.constant 128 : i32
    %add3A_29 = arith.addi %mul3A_25, %add3A_28 : i32
    "tpu.region"() ({
      %run_scoped3A = tpu.sem_alloc : memref<!tpu.dma_semaphore, #tpu.memory_space<semaphore_mem>>
      %dma_start3A_117 = arith.constant 0 : i32
      %dma_start3A_118 = tpu.memref_slice %arg24[%add3A_29, %dma_start3A_117] : memref<10240x48xf32, #tpu.memory_space<vmem_shared>> -> memref<128x48xf32, #tpu.memory_space<vmem_shared>>
      %dma_start3A_119 = arith.constant 0 : i32
      %dma_start3A_120 = tpu.memref_slice %arg24[%add3A_29, %dma_start3A_119] : memref<10240x48xf32, #tpu.memory_space<vmem_shared>> -> memref<128x48xf32, #tpu.memory_space<vmem_shared>>
      tpu.enqueue_dma source(%arg7 : memref<128x48xf32, #tpu.memory_space<vmem>>) target(%dma_start3A_120 : memref<128x48xf32, #tpu.memory_space<vmem_shared>>) target_semaphore(%run_scoped3A : memref<!tpu.dma_semaphore, #tpu.memory_space<semaphore_mem>>)
      %dma_wait3A_121 = arith.constant 0 : i32
      %dma_wait3A_122 = tpu.memref_slice %arg24[%add3A_29, %dma_wait3A_121] : memref<10240x48xf32, #tpu.memory_space<vmem_shared>> -> memref<128x48xf32, #tpu.memory_space<vmem_shared>>
      %dma_wait3A_123 = arith.constant 0 : i32
      %dma_wait3A_124 = tpu.memref_slice %arg24[%add3A_29, %dma_wait3A_123] : memref<10240x48xf32, #tpu.memory_space<vmem_shared>> -> memref<128x48xf32, #tpu.memory_space<vmem_shared>>
      tpu.wait_dma2 semaphore(%run_scoped3A : memref<!tpu.dma_semaphore, #tpu.memory_space<semaphore_mem>>) src(%arg7 : memref<128x48xf32, #tpu.memory_space<vmem>>) dst(%dma_wait3A_124 : memref<128x48xf32, #tpu.memory_space<vmem_shared>>)
      tpu.yield
    }) : () -> ()
    %add3A_30 = arith.constant 256 : i32
    %add3A_31 = arith.addi %mul3A_25, %add3A_30 : i32
    "tpu.region"() ({
      %run_scoped3A = tpu.sem_alloc : memref<!tpu.dma_semaphore, #tpu.memory_space<semaphore_mem>>
      %dma_start3A_117 = arith.constant 0 : i32
      %dma_start3A_118 = tpu.memref_slice %arg24[%add3A_31, %dma_start3A_117] : memref<10240x48xf32, #tpu.memory_space<vmem_shared>> -> memref<128x48xf32, #tpu.memory_space<vmem_shared>>
      %dma_start3A_119 = arith.constant 0 : i32
      %dma_start3A_120 = tpu.memref_slice %arg24[%add3A_31, %dma_start3A_119] : memref<10240x48xf32, #tpu.memory_space<vmem_shared>> -> memref<128x48xf32, #tpu.memory_space<vmem_shared>>
      tpu.enqueue_dma source(%arg7 : memref<128x48xf32, #tpu.memory_space<vmem>>) target(%dma_start3A_120 : memref<128x48xf32, #tpu.memory_space<vmem_shared>>) target_semaphore(%run_scoped3A : memref<!tpu.dma_semaphore, #tpu.memory_space<semaphore_mem>>)
      %dma_wait3A_121 = arith.constant 0 : i32
      %dma_wait3A_122 = tpu.memref_slice %arg24[%add3A_31, %dma_wait3A_121] : memref<10240x48xf32, #tpu.memory_space<vmem_shared>> -> memref<128x48xf32, #tpu.memory_space<vmem_shared>>
      %dma_wait3A_123 = arith.constant 0 : i32
      %dma_wait3A_124 = tpu.memref_slice %arg24[%add3A_31, %dma_wait3A_123] : memref<10240x48xf32, #tpu.memory_space<vmem_shared>> -> memref<128x48xf32, #tpu.memory_space<vmem_shared>>
      tpu.wait_dma2 semaphore(%run_scoped3A : memref<!tpu.dma_semaphore, #tpu.memory_space<semaphore_mem>>) src(%arg7 : memref<128x48xf32, #tpu.memory_space<vmem>>) dst(%dma_wait3A_124 : memref<128x48xf32, #tpu.memory_space<vmem_shared>>)
      tpu.yield
    }) : () -> ()
    %add3A_32 = arith.constant 384 : i32
    %add3A_33 = arith.addi %mul3A_25, %add3A_32 : i32
    "tpu.region"() ({
      %run_scoped3A = tpu.sem_alloc : memref<!tpu.dma_semaphore, #tpu.memory_space<semaphore_mem>>
      %dma_start3A_117 = arith.constant 0 : i32
      %dma_start3A_118 = tpu.memref_slice %arg24[%add3A_33, %dma_start3A_117] : memref<10240x48xf32, #tpu.memory_space<vmem_shared>> -> memref<128x48xf32, #tpu.memory_space<vmem_shared>>
      %dma_start3A_119 = arith.constant 0 : i32
      %dma_start3A_120 = tpu.memref_slice %arg24[%add3A_33, %dma_start3A_119] : memref<10240x48xf32, #tpu.memory_space<vmem_shared>> -> memref<128x48xf32, #tpu.memory_space<vmem_shared>>
      tpu.enqueue_dma source(%arg7 : memref<128x48xf32, #tpu.memory_space<vmem>>) target(%dma_start3A_120 : memref<128x48xf32, #tpu.memory_space<vmem_shared>>) target_semaphore(%run_scoped3A : memref<!tpu.dma_semaphore, #tpu.memory_space<semaphore_mem>>)
      %dma_wait3A_121 = arith.constant 0 : i32
      %dma_wait3A_122 = tpu.memref_slice %arg24[%add3A_33, %dma_wait3A_121] : memref<10240x48xf32, #tpu.memory_space<vmem_shared>> -> memref<128x48xf32, #tpu.memory_space<vmem_shared>>
      %dma_wait3A_123 = arith.constant 0 : i32
      %dma_wait3A_124 = tpu.memref_slice %arg24[%add3A_33, %dma_wait3A_123] : memref<10240x48xf32, #tpu.memory_space<vmem_shared>> -> memref<128x48xf32, #tpu.memory_space<vmem_shared>>
      tpu.wait_dma2 semaphore(%run_scoped3A : memref<!tpu.dma_semaphore, #tpu.memory_space<semaphore_mem>>) src(%arg7 : memref<128x48xf32, #tpu.memory_space<vmem>>) dst(%dma_wait3A_124 : memref<128x48xf32, #tpu.memory_space<vmem_shared>>)
      tpu.yield
    }) : () -> ()
    %add3A_34 = arith.constant 512 : i32
    %add3A_35 = arith.addi %mul3A_25, %add3A_34 : i32
    "tpu.region"() ({
      %run_scoped3A = tpu.sem_alloc : memref<!tpu.dma_semaphore, #tpu.memory_space<semaphore_mem>>
      %dma_start3A_117 = arith.constant 0 : i32
      %dma_start3A_118 = tpu.memref_slice %arg24[%add3A_35, %dma_start3A_117] : memref<10240x48xf32, #tpu.memory_space<vmem_shared>> -> memref<128x48xf32, #tpu.memory_space<vmem_shared>>
      %dma_start3A_119 = arith.constant 0 : i32
      %dma_start3A_120 = tpu.memref_slice %arg24[%add3A_35, %dma_start3A_119] : memref<10240x48xf32, #tpu.memory_space<vmem_shared>> -> memref<128x48xf32, #tpu.memory_space<vmem_shared>>
      tpu.enqueue_dma source(%arg7 : memref<128x48xf32, #tpu.memory_space<vmem>>) target(%dma_start3A_120 : memref<128x48xf32, #tpu.memory_space<vmem_shared>>) target_semaphore(%run_scoped3A : memref<!tpu.dma_semaphore, #tpu.memory_space<semaphore_mem>>)
      %dma_wait3A_121 = arith.constant 0 : i32
      %dma_wait3A_122 = tpu.memref_slice %arg24[%add3A_35, %dma_wait3A_121] : memref<10240x48xf32, #tpu.memory_space<vmem_shared>> -> memref<128x48xf32, #tpu.memory_space<vmem_shared>>
      %dma_wait3A_123 = arith.constant 0 : i32
      %dma_wait3A_124 = tpu.memref_slice %arg24[%add3A_35, %dma_wait3A_123] : memref<10240x48xf32, #tpu.memory_space<vmem_shared>> -> memref<128x48xf32, #tpu.memory_space<vmem_shared>>
      tpu.wait_dma2 semaphore(%run_scoped3A : memref<!tpu.dma_semaphore, #tpu.memory_space<semaphore_mem>>) src(%arg7 : memref<128x48xf32, #tpu.memory_space<vmem>>) dst(%dma_wait3A_124 : memref<128x48xf32, #tpu.memory_space<vmem_shared>>)
      tpu.yield
    }) : () -> ()
    %dma_wait3A = arith.constant 0 : i32
    %dma_wait3A_36 = arith.constant 0 : i32
    %dma_wait3A_37 = arith.constant 0 : i32
    %dma_wait3A_38 = tpu.memref_slice %arg3[%dma_wait3A, %dma_wait3A_36, %dma_wait3A_37] : memref<2x2560x128xi32, #tpu.memory_space<hbm>> -> memref<1x80x128xi32, #tpu.memory_space<hbm>>
    %dma_wait3A_39 = tpu.memref_squeeze %dma_wait3A_38 : memref<1x80x128xi32, #tpu.memory_space<hbm>> -> memref<80x128xi32, #tpu.memory_space<hbm>>
    %dma_wait3A_40 = arith.constant 0 : i32
    %dma_wait3A_41 = arith.constant 0 : i32
    %dma_wait3A_42 = tpu.memref_slice %arg3[%dma_wait3A, %dma_wait3A_40, %dma_wait3A_41] : memref<2x2560x128xi32, #tpu.memory_space<hbm>> -> memref<1x80x128xi32, #tpu.memory_space<hbm>>
    %dma_wait3A_43 = tpu.memref_squeeze %dma_wait3A_42 : memref<1x80x128xi32, #tpu.memory_space<hbm>> -> memref<80x128xi32, #tpu.memory_space<hbm>>
    tpu.wait_dma2 semaphore(%arg23 : memref<!tpu.dma_semaphore, #tpu.memory_space<semaphore_mem>>) src(%dma_wait3A_43 : memref<80x128xi32, #tpu.memory_space<hbm>>) dst(%arg5 : memref<80x128xi32, #tpu.memory_space<vmem>>)
    %dma_wait3A_44 = arith.constant 1 : i32
    %dma_wait3A_45 = arith.constant 0 : i32
    %dma_wait3A_46 = arith.constant 0 : i32
    %dma_wait3A_47 = tpu.memref_slice %arg3[%dma_wait3A_44, %dma_wait3A_45, %dma_wait3A_46] : memref<2x2560x128xi32, #tpu.memory_space<hbm>> -> memref<1x80x128xi32, #tpu.memory_space<hbm>>
    %dma_wait3A_48 = tpu.memref_squeeze %dma_wait3A_47 : memref<1x80x128xi32, #tpu.memory_space<hbm>> -> memref<80x128xi32, #tpu.memory_space<hbm>>
    %dma_wait3A_49 = arith.constant 0 : i32
    %dma_wait3A_50 = arith.constant 0 : i32
    %dma_wait3A_51 = tpu.memref_slice %arg3[%dma_wait3A_44, %dma_wait3A_49, %dma_wait3A_50] : memref<2x2560x128xi32, #tpu.memory_space<hbm>> -> memref<1x80x128xi32, #tpu.memory_space<hbm>>
    %dma_wait3A_52 = tpu.memref_squeeze %dma_wait3A_51 : memref<1x80x128xi32, #tpu.memory_space<hbm>> -> memref<80x128xi32, #tpu.memory_space<hbm>>
    tpu.wait_dma2 semaphore(%arg23 : memref<!tpu.dma_semaphore, #tpu.memory_space<semaphore_mem>>) src(%dma_wait3A_52 : memref<80x128xi32, #tpu.memory_space<hbm>>) dst(%arg6 : memref<80x128xi32, #tpu.memory_space<vmem>>)
    %barrier3A = arith.constant 0 : index
    tpu.barrier barrier_id(%barrier3A)
    %dma_start3A_53 = arith.constant 0 : i32
    %dma_start3A_54 = arith.constant 0 : i32
    %dma_start3A_55 = tpu.memref_slice %arg5[%dma_start3A_53, %dma_start3A_54] : memref<80x128xi32, #tpu.memory_space<vmem>> -> memref<1x128xi32, #tpu.memory_space<vmem>>
    %dma_start3A_56 = tpu.memref_squeeze %dma_start3A_55 : memref<1x128xi32, #tpu.memory_space<vmem>> -> memref<128xi32, #tpu.memory_space<vmem>>
    %dma_start3A_57 = arith.constant 0 : i32
    %dma_start3A_58 = arith.constant 0 : i32
    %dma_start3A_59 = tpu.memref_slice %arg2[%dma_start3A_57, %dma_start3A_58] : memref<10240x48xf32, #tpu.memory_space<hbm>> -> memref<10240x48xf32, #tpu.memory_space<hbm>>
    tpu.enqueue_indirect_dma source(%dma_start3A_59 : memref<10240x48xf32, #tpu.memory_space<hbm>>) target(%arg7 : memref<128x48xf32, #tpu.memory_space<vmem>>) offsets(%dma_start3A_56 : memref<128xi32, #tpu.memory_space<vmem>>) semaphore(%arg15 : memref<!tpu.dma_semaphore, #tpu.memory_space<semaphore_mem>>)
    %dma_start3A_60 = arith.constant 1 : i32
    %dma_start3A_61 = arith.constant 0 : i32
    %dma_start3A_62 = tpu.memref_slice %arg5[%dma_start3A_60, %dma_start3A_61] : memref<80x128xi32, #tpu.memory_space<vmem>> -> memref<1x128xi32, #tpu.memory_space<vmem>>
    %dma_start3A_63 = tpu.memref_squeeze %dma_start3A_62 : memref<1x128xi32, #tpu.memory_space<vmem>> -> memref<128xi32, #tpu.memory_space<vmem>>
    %dma_start3A_64 = arith.constant 0 : i32
    %dma_start3A_65 = arith.constant 0 : i32
    %dma_start3A_66 = tpu.memref_slice %arg2[%dma_start3A_64, %dma_start3A_65] : memref<10240x48xf32, #tpu.memory_space<hbm>> -> memref<10240x48xf32, #tpu.memory_space<hbm>>
    tpu.enqueue_indirect_dma source(%dma_start3A_66 : memref<10240x48xf32, #tpu.memory_space<hbm>>) target(%arg8 : memref<128x48xf32, #tpu.memory_space<vmem>>) offsets(%dma_start3A_63 : memref<128xi32, #tpu.memory_space<vmem>>) semaphore(%arg16 : memref<!tpu.dma_semaphore, #tpu.memory_space<semaphore_mem>>)
    %dma_start3A_67 = arith.constant 2 : i32
    %dma_start3A_68 = arith.constant 0 : i32
    %dma_start3A_69 = tpu.memref_slice %arg5[%dma_start3A_67, %dma_start3A_68] : memref<80x128xi32, #tpu.memory_space<vmem>> -> memref<1x128xi32, #tpu.memory_space<vmem>>
    %dma_start3A_70 = tpu.memref_squeeze %dma_start3A_69 : memref<1x128xi32, #tpu.memory_space<vmem>> -> memref<128xi32, #tpu.memory_space<vmem>>
    %dma_start3A_71 = arith.constant 0 : i32
    %dma_start3A_72 = arith.constant 0 : i32
    %dma_start3A_73 = tpu.memref_slice %arg2[%dma_start3A_71, %dma_start3A_72] : memref<10240x48xf32, #tpu.memory_space<hbm>> -> memref<10240x48xf32, #tpu.memory_space<hbm>>
    tpu.enqueue_indirect_dma source(%dma_start3A_73 : memref<10240x48xf32, #tpu.memory_space<hbm>>) target(%arg9 : memref<128x48xf32, #tpu.memory_space<vmem>>) offsets(%dma_start3A_70 : memref<128xi32, #tpu.memory_space<vmem>>) semaphore(%arg17 : memref<!tpu.dma_semaphore, #tpu.memory_space<semaphore_mem>>)
    %dma_start3A_74 = arith.constant 3 : i32
    %dma_start3A_75 = arith.constant 0 : i32
    %dma_start3A_76 = tpu.memref_slice %arg5[%dma_start3A_74, %dma_start3A_75] : memref<80x128xi32, #tpu.memory_space<vmem>> -> memref<1x128xi32, #tpu.memory_space<vmem>>
    %dma_start3A_77 = tpu.memref_squeeze %dma_start3A_76 : memref<1x128xi32, #tpu.memory_space<vmem>> -> memref<128xi32, #tpu.memory_space<vmem>>
    %dma_start3A_78 = arith.constant 0 : i32
    %dma_start3A_79 = arith.constant 0 : i32
    %dma_start3A_80 = tpu.memref_slice %arg2[%dma_start3A_78, %dma_start3A_79] : memref<10240x48xf32, #tpu.memory_space<hbm>> -> memref<10240x48xf32, #tpu.memory_space<hbm>>
    tpu.enqueue_indirect_dma source(%dma_start3A_80 : memref<10240x48xf32, #tpu.memory_space<hbm>>) target(%arg10 : memref<128x48xf32, #tpu.memory_space<vmem>>) offsets(%dma_start3A_77 : memref<128xi32, #tpu.memory_space<vmem>>) semaphore(%arg18 : memref<!tpu.dma_semaphore, #tpu.memory_space<semaphore_mem>>)
    %dma_start3A_81 = arith.constant 4 : i32
    %dma_start3A_82 = arith.constant 0 : i32
    %dma_start3A_83 = tpu.memref_slice %arg5[%dma_start3A_81, %dma_start3A_82] : memref<80x128xi32, #tpu.memory_space<vmem>> -> memref<1x128xi32, #tpu.memory_space<vmem>>
    %dma_start3A_84 = tpu.memref_squeeze %dma_start3A_83 : memref<1x128xi32, #tpu.memory_space<vmem>> -> memref<128xi32, #tpu.memory_space<vmem>>
    %dma_start3A_85 = arith.constant 0 : i32
    %dma_start3A_86 = arith.constant 0 : i32
    %dma_start3A_87 = tpu.memref_slice %arg2[%dma_start3A_85, %dma_start3A_86] : memref<10240x48xf32, #tpu.memory_space<hbm>> -> memref<10240x48xf32, #tpu.memory_space<hbm>>
    tpu.enqueue_indirect_dma source(%dma_start3A_87 : memref<10240x48xf32, #tpu.memory_space<hbm>>) target(%arg11 : memref<128x48xf32, #tpu.memory_space<vmem>>) offsets(%dma_start3A_84 : memref<128xi32, #tpu.memory_space<vmem>>) semaphore(%arg19 : memref<!tpu.dma_semaphore, #tpu.memory_space<semaphore_mem>>)
    %dma_start3A_88 = arith.constant 5 : i32
    %dma_start3A_89 = arith.constant 0 : i32
    %dma_start3A_90 = tpu.memref_slice %arg5[%dma_start3A_88, %dma_start3A_89] : memref<80x128xi32, #tpu.memory_space<vmem>> -> memref<1x128xi32, #tpu.memory_space<vmem>>
    %dma_start3A_91 = tpu.memref_squeeze %dma_start3A_90 : memref<1x128xi32, #tpu.memory_space<vmem>> -> memref<128xi32, #tpu.memory_space<vmem>>
    %dma_start3A_92 = arith.constant 0 : i32
    %dma_start3A_93 = arith.constant 0 : i32
    %dma_start3A_94 = tpu.memref_slice %arg2[%dma_start3A_92, %dma_start3A_93] : memref<10240x48xf32, #tpu.memory_space<hbm>> -> memref<10240x48xf32, #tpu.memory_space<hbm>>
    tpu.enqueue_indirect_dma source(%dma_start3A_94 : memref<10240x48xf32, #tpu.memory_space<hbm>>) target(%arg12 : memref<128x48xf32, #tpu.memory_space<vmem>>) offsets(%dma_start3A_91 : memref<128xi32, #tpu.memory_space<vmem>>) semaphore(%arg20 : memref<!tpu.dma_semaphore, #tpu.memory_space<semaphore_mem>>)
    %dma_start3A_95 = arith.constant 6 : i32
    %dma_start3A_96 = arith.constant 0 : i32
    %dma_start3A_97 = tpu.memref_slice %arg5[%dma_start3A_95, %dma_start3A_96] : memref<80x128xi32, #tpu.memory_space<vmem>> -> memref<1x128xi32, #tpu.memory_space<vmem>>
    %dma_start3A_98 = tpu.memref_squeeze %dma_start3A_97 : memref<1x128xi32, #tpu.memory_space<vmem>> -> memref<128xi32, #tpu.memory_space<vmem>>
    %dma_start3A_99 = arith.constant 0 : i32
    %dma_start3A_100 = arith.constant 0 : i32
    %dma_start3A_101 = tpu.memref_slice %arg2[%dma_start3A_99, %dma_start3A_100] : memref<10240x48xf32, #tpu.memory_space<hbm>> -> memref<10240x48xf32, #tpu.memory_space<hbm>>
    tpu.enqueue_indirect_dma source(%dma_start3A_101 : memref<10240x48xf32, #tpu.memory_space<hbm>>) target(%arg13 : memref<128x48xf32, #tpu.memory_space<vmem>>) offsets(%dma_start3A_98 : memref<128xi32, #tpu.memory_space<vmem>>) semaphore(%arg21 : memref<!tpu.dma_semaphore, #tpu.memory_space<semaphore_mem>>)
    %dma_start3A_102 = arith.constant 7 : i32
    %dma_start3A_103 = arith.constant 0 : i32
    %dma_start3A_104 = tpu.memref_slice %arg5[%dma_start3A_102, %dma_start3A_103] : memref<80x128xi32, #tpu.memory_space<vmem>> -> memref<1x128xi32, #tpu.memory_space<vmem>>
    %dma_start3A_105 = tpu.memref_squeeze %dma_start3A_104 : memref<1x128xi32, #tpu.memory_space<vmem>> -> memref<128xi32, #tpu.memory_space<vmem>>
    %dma_start3A_106 = arith.constant 0 : i32
    %dma_start3A_107 = arith.constant 0 : i32
    %dma_start3A_108 = tpu.memref_slice %arg2[%dma_start3A_106, %dma_start3A_107] : memref<10240x48xf32, #tpu.memory_space<hbm>> -> memref<10240x48xf32, #tpu.memory_space<hbm>>
    tpu.enqueue_indirect_dma source(%dma_start3A_108 : memref<10240x48xf32, #tpu.memory_space<hbm>>) target(%arg14 : memref<128x48xf32, #tpu.memory_space<vmem>>) offsets(%dma_start3A_105 : memref<128xi32, #tpu.memory_space<vmem>>) semaphore(%arg22 : memref<!tpu.dma_semaphore, #tpu.memory_space<semaphore_mem>>)
    %scan3A_109 = arith.constant 0 : i32
    %scan3A_110 = arith.constant 0 : i32
    %scan3A_111 = arith.constant 10 : i32
    %scan3A_112 = arith.addi %scan3A_110, %scan3A_111 : i32
    %scan3A_113 = arith.constant 1 : i32
    %scan3A_114 = scf.for %scan3A_117 = %scan3A_110 to %scan3A_112 step %scan3A_113 iter_args(%scan3A_118 = %scan3A_109) -> (i32)  : i32 {
      %mul3A_119 = arith.constant 8 : i32
      %mul3A_120 = arith.muli %scan3A_117, %mul3A_119 : i32
      %add3A_121 = arith.constant 0 : i32
      %add3A_122 = arith.addi %mul3A_120, %add3A_121 : i32
      %dma_wait3A_123 = arith.constant 0 : i32
      %dma_wait3A_124 = tpu.memref_slice %arg5[%add3A_122, %dma_wait3A_123] : memref<80x128xi32, #tpu.memory_space<vmem>> -> memref<1x128xi32, #tpu.memory_space<vmem>>
      %dma_wait3A_125 = tpu.memref_squeeze %dma_wait3A_124 : memref<1x128xi32, #tpu.memory_space<vmem>> -> memref<128xi32, #tpu.memory_space<vmem>>
      %dma_wait3A_126 = arith.constant 0 : i32
      %dma_wait3A_127 = arith.constant 0 : i32
      %dma_wait3A_128 = tpu.memref_slice %arg2[%dma_wait3A_126, %dma_wait3A_127] : memref<10240x48xf32, #tpu.memory_space<hbm>> -> memref<10240x48xf32, #tpu.memory_space<hbm>>
      tpu.wait_indirect_dma semaphore(%arg15 : memref<!tpu.dma_semaphore, #tpu.memory_space<semaphore_mem>>) src(%dma_wait3A_128 : memref<10240x48xf32, #tpu.memory_space<hbm>>) dst(%arg7 : memref<128x48xf32, #tpu.memory_space<vmem>>)
      %add3A_129 = arith.constant 0 : i32
      %add3A_130 = arith.addi %mul3A_120, %add3A_129 : i32
      "tpu.region"() ({
        %run_scoped3A = tpu.sem_alloc : memref<!tpu.dma_semaphore, #tpu.memory_space<semaphore_mem>>
        %dma_start3A_239 = arith.constant 0 : i32
        %dma_start3A_240 = tpu.memref_slice %arg6[%add3A_130, %dma_start3A_239] : memref<80x128xi32, #tpu.memory_space<vmem>> -> memref<1x128xi32, #tpu.memory_space<vmem>>
        %dma_start3A_241 = tpu.memref_squeeze %dma_start3A_240 : memref<1x128xi32, #tpu.memory_space<vmem>> -> memref<128xi32, #tpu.memory_space<vmem>>
        %dma_start3A_242 = arith.constant 0 : i32
        %dma_start3A_243 = arith.constant 0 : i32
        %dma_start3A_244 = tpu.memref_slice %arg24[%dma_start3A_242, %dma_start3A_243] : memref<10240x48xf32, #tpu.memory_space<vmem_shared>> -> memref<10240x48xf32, #tpu.memory_space<vmem_shared>>
        tpu.enqueue_indirect_dma source(%arg7 : memref<128x48xf32, #tpu.memory_space<vmem>>) target(%dma_start3A_244 : memref<10240x48xf32, #tpu.memory_space<vmem_shared>>) offsets(%dma_start3A_241 : memref<128xi32, #tpu.memory_space<vmem>>) semaphore(%run_scoped3A : memref<!tpu.dma_semaphore, #tpu.memory_space<semaphore_mem>>) {add = true}
        %dma_wait3A_245 = arith.constant 0 : i32
        %dma_wait3A_246 = tpu.memref_slice %arg6[%add3A_130, %dma_wait3A_245] : memref<80x128xi32, #tpu.memory_space<vmem>> -> memref<1x128xi32, #tpu.memory_space<vmem>>
        %dma_wait3A_247 = tpu.memref_squeeze %dma_wait3A_246 : memref<1x128xi32, #tpu.memory_space<vmem>> -> memref<128xi32, #tpu.memory_space<vmem>>
        %dma_wait3A_248 = arith.constant 0 : i32
        %dma_wait3A_249 = arith.constant 0 : i32
        %dma_wait3A_250 = tpu.memref_slice %arg24[%dma_wait3A_248, %dma_wait3A_249] : memref<10240x48xf32, #tpu.memory_space<vmem_shared>> -> memref<10240x48xf32, #tpu.memory_space<vmem_shared>>
        tpu.wait_indirect_dma semaphore(%run_scoped3A : memref<!tpu.dma_semaphore, #tpu.memory_space<semaphore_mem>>) src(%arg7 : memref<128x48xf32, #tpu.memory_space<vmem>>) dst(%dma_wait3A_250 : memref<10240x48xf32, #tpu.memory_space<vmem_shared>>)
        tpu.yield
      }) : () -> ()
      %lt3A = arith.constant 9 : i32
      %lt3A_131 = arith.cmpi slt, %scan3A_117, %lt3A : i32
      %convert_element_type3A = arith.extui %lt3A_131 : i1 to i32
      %cond3A = arith.constant 0 : i32
      %cond3A_132 = arith.cmpi ne, %convert_element_type3A, %cond3A : i32
      scf.if %cond3A_132 {
        %add3A_239 = arith.constant 8 : i32
        %add3A_240 = arith.addi %mul3A_120, %add3A_239 : i32
        %add3A_241 = arith.constant 0 : i32
        %add3A_242 = arith.addi %add3A_240, %add3A_241 : i32
        %dma_start3A_243 = arith.constant 0 : i32
        %dma_start3A_244 = tpu.memref_slice %arg5[%add3A_242, %dma_start3A_243] : memref<80x128xi32, #tpu.memory_space<vmem>> -> memref<1x128xi32, #tpu.memory_space<vmem>>
        %dma_start3A_245 = tpu.memref_squeeze %dma_start3A_244 : memref<1x128xi32, #tpu.memory_space<vmem>> -> memref<128xi32, #tpu.memory_space<vmem>>
        %dma_start3A_246 = arith.constant 0 : i32
        %dma_start3A_247 = arith.constant 0 : i32
        %dma_start3A_248 = tpu.memref_slice %arg2[%dma_start3A_246, %dma_start3A_247] : memref<10240x48xf32, #tpu.memory_space<hbm>> -> memref<10240x48xf32, #tpu.memory_space<hbm>>
        tpu.enqueue_indirect_dma source(%dma_start3A_248 : memref<10240x48xf32, #tpu.memory_space<hbm>>) target(%arg7 : memref<128x48xf32, #tpu.memory_space<vmem>>) offsets(%dma_start3A_245 : memref<128xi32, #tpu.memory_space<vmem>>) semaphore(%arg15 : memref<!tpu.dma_semaphore, #tpu.memory_space<semaphore_mem>>)
      } else {
      }
      %add3A_133 = arith.constant 1 : i32
      %add3A_134 = arith.addi %mul3A_120, %add3A_133 : i32
      %dma_wait3A_135 = arith.constant 0 : i32
      %dma_wait3A_136 = tpu.memref_slice %arg5[%add3A_134, %dma_wait3A_135] : memref<80x128xi32, #tpu.memory_space<vmem>> -> memref<1x128xi32, #tpu.memory_space<vmem>>
      %dma_wait3A_137 = tpu.memref_squeeze %dma_wait3A_136 : memref<1x128xi32, #tpu.memory_space<vmem>> -> memref<128xi32, #tpu.memory_space<vmem>>
      %dma_wait3A_138 = arith.constant 0 : i32
      %dma_wait3A_139 = arith.constant 0 : i32
      %dma_wait3A_140 = tpu.memref_slice %arg2[%dma_wait3A_138, %dma_wait3A_139] : memref<10240x48xf32, #tpu.memory_space<hbm>> -> memref<10240x48xf32, #tpu.memory_space<hbm>>
      tpu.wait_indirect_dma semaphore(%arg16 : memref<!tpu.dma_semaphore, #tpu.memory_space<semaphore_mem>>) src(%dma_wait3A_140 : memref<10240x48xf32, #tpu.memory_space<hbm>>) dst(%arg8 : memref<128x48xf32, #tpu.memory_space<vmem>>)
      %add3A_141 = arith.constant 1 : i32
      %add3A_142 = arith.addi %mul3A_120, %add3A_141 : i32
      "tpu.region"() ({
        %run_scoped3A = tpu.sem_alloc : memref<!tpu.dma_semaphore, #tpu.memory_space<semaphore_mem>>
        %dma_start3A_239 = arith.constant 0 : i32
        %dma_start3A_240 = tpu.memref_slice %arg6[%add3A_142, %dma_start3A_239] : memref<80x128xi32, #tpu.memory_space<vmem>> -> memref<1x128xi32, #tpu.memory_space<vmem>>
        %dma_start3A_241 = tpu.memref_squeeze %dma_start3A_240 : memref<1x128xi32, #tpu.memory_space<vmem>> -> memref<128xi32, #tpu.memory_space<vmem>>
        %dma_start3A_242 = arith.constant 0 : i32
        %dma_start3A_243 = arith.constant 0 : i32
        %dma_start3A_244 = tpu.memref_slice %arg24[%dma_start3A_242, %dma_start3A_243] : memref<10240x48xf32, #tpu.memory_space<vmem_shared>> -> memref<10240x48xf32, #tpu.memory_space<vmem_shared>>
        tpu.enqueue_indirect_dma source(%arg8 : memref<128x48xf32, #tpu.memory_space<vmem>>) target(%dma_start3A_244 : memref<10240x48xf32, #tpu.memory_space<vmem_shared>>) offsets(%dma_start3A_241 : memref<128xi32, #tpu.memory_space<vmem>>) semaphore(%run_scoped3A : memref<!tpu.dma_semaphore, #tpu.memory_space<semaphore_mem>>) {add = true}
        %dma_wait3A_245 = arith.constant 0 : i32
        %dma_wait3A_246 = tpu.memref_slice %arg6[%add3A_142, %dma_wait3A_245] : memref<80x128xi32, #tpu.memory_space<vmem>> -> memref<1x128xi32, #tpu.memory_space<vmem>>
        %dma_wait3A_247 = tpu.memref_squeeze %dma_wait3A_246 : memref<1x128xi32, #tpu.memory_space<vmem>> -> memref<128xi32, #tpu.memory_space<vmem>>
        %dma_wait3A_248 = arith.constant 0 : i32
        %dma_wait3A_249 = arith.constant 0 : i32
        %dma_wait3A_250 = tpu.memref_slice %arg24[%dma_wait3A_248, %dma_wait3A_249] : memref<10240x48xf32, #tpu.memory_space<vmem_shared>> -> memref<10240x48xf32, #tpu.memory_space<vmem_shared>>
        tpu.wait_indirect_dma semaphore(%run_scoped3A : memref<!tpu.dma_semaphore, #tpu.memory_space<semaphore_mem>>) src(%arg8 : memref<128x48xf32, #tpu.memory_space<vmem>>) dst(%dma_wait3A_250 : memref<10240x48xf32, #tpu.memory_space<vmem_shared>>)
        tpu.yield
      }) : () -> ()
      %lt3A_143 = arith.constant 9 : i32
      %lt3A_144 = arith.cmpi slt, %scan3A_117, %lt3A_143 : i32
      %convert_element_type3A_145 = arith.extui %lt3A_144 : i1 to i32
      %cond3A_146 = arith.constant 0 : i32
      %cond3A_147 = arith.cmpi ne, %convert_element_type3A_145, %cond3A_146 : i32
      scf.if %cond3A_147 {
        %add3A_239 = arith.constant 8 : i32
        %add3A_240 = arith.addi %mul3A_120, %add3A_239 : i32
        %add3A_241 = arith.constant 1 : i32
        %add3A_242 = arith.addi %add3A_240, %add3A_241 : i32
        %dma_start3A_243 = arith.constant 0 : i32
        %dma_start3A_244 = tpu.memref_slice %arg5[%add3A_242, %dma_start3A_243] : memref<80x128xi32, #tpu.memory_space<vmem>> -> memref<1x128xi32, #tpu.memory_space<vmem>>
        %dma_start3A_245 = tpu.memref_squeeze %dma_start3A_244 : memref<1x128xi32, #tpu.memory_space<vmem>> -> memref<128xi32, #tpu.memory_space<vmem>>
        %dma_start3A_246 = arith.constant 0 : i32
        %dma_start3A_247 = arith.constant 0 : i32
        %dma_start3A_248 = tpu.memref_slice %arg2[%dma_start3A_246, %dma_start3A_247] : memref<10240x48xf32, #tpu.memory_space<hbm>> -> memref<10240x48xf32, #tpu.memory_space<hbm>>
        tpu.enqueue_indirect_dma source(%dma_start3A_248 : memref<10240x48xf32, #tpu.memory_space<hbm>>) target(%arg8 : memref<128x48xf32, #tpu.memory_space<vmem>>) offsets(%dma_start3A_245 : memref<128xi32, #tpu.memory_space<vmem>>) semaphore(%arg16 : memref<!tpu.dma_semaphore, #tpu.memory_space<semaphore_mem>>)
      } else {
      }
      %add3A_148 = arith.constant 2 : i32
      %add3A_149 = arith.addi %mul3A_120, %add3A_148 : i32
      %dma_wait3A_150 = arith.constant 0 : i32
      %dma_wait3A_151 = tpu.memref_slice %arg5[%add3A_149, %dma_wait3A_150] : memref<80x128xi32, #tpu.memory_space<vmem>> -> memref<1x128xi32, #tpu.memory_space<vmem>>
      %dma_wait3A_152 = tpu.memref_squeeze %dma_wait3A_151 : memref<1x128xi32, #tpu.memory_space<vmem>> -> memref<128xi32, #tpu.memory_space<vmem>>
      %dma_wait3A_153 = arith.constant 0 : i32
      %dma_wait3A_154 = arith.constant 0 : i32
      %dma_wait3A_155 = tpu.memref_slice %arg2[%dma_wait3A_153, %dma_wait3A_154] : memref<10240x48xf32, #tpu.memory_space<hbm>> -> memref<10240x48xf32, #tpu.memory_space<hbm>>
      tpu.wait_indirect_dma semaphore(%arg17 : memref<!tpu.dma_semaphore, #tpu.memory_space<semaphore_mem>>) src(%dma_wait3A_155 : memref<10240x48xf32, #tpu.memory_space<hbm>>) dst(%arg9 : memref<128x48xf32, #tpu.memory_space<vmem>>)
      %add3A_156 = arith.constant 2 : i32
      %add3A_157 = arith.addi %mul3A_120, %add3A_156 : i32
      "tpu.region"() ({
        %run_scoped3A = tpu.sem_alloc : memref<!tpu.dma_semaphore, #tpu.memory_space<semaphore_mem>>
        %dma_start3A_239 = arith.constant 0 : i32
        %dma_start3A_240 = tpu.memref_slice %arg6[%add3A_157, %dma_start3A_239] : memref<80x128xi32, #tpu.memory_space<vmem>> -> memref<1x128xi32, #tpu.memory_space<vmem>>
        %dma_start3A_241 = tpu.memref_squeeze %dma_start3A_240 : memref<1x128xi32, #tpu.memory_space<vmem>> -> memref<128xi32, #tpu.memory_space<vmem>>
        %dma_start3A_242 = arith.constant 0 : i32
        %dma_start3A_243 = arith.constant 0 : i32
        %dma_start3A_244 = tpu.memref_slice %arg24[%dma_start3A_242, %dma_start3A_243] : memref<10240x48xf32, #tpu.memory_space<vmem_shared>> -> memref<10240x48xf32, #tpu.memory_space<vmem_shared>>
        tpu.enqueue_indirect_dma source(%arg9 : memref<128x48xf32, #tpu.memory_space<vmem>>) target(%dma_start3A_244 : memref<10240x48xf32, #tpu.memory_space<vmem_shared>>) offsets(%dma_start3A_241 : memref<128xi32, #tpu.memory_space<vmem>>) semaphore(%run_scoped3A : memref<!tpu.dma_semaphore, #tpu.memory_space<semaphore_mem>>) {add = true}
        %dma_wait3A_245 = arith.constant 0 : i32
        %dma_wait3A_246 = tpu.memref_slice %arg6[%add3A_157, %dma_wait3A_245] : memref<80x128xi32, #tpu.memory_space<vmem>> -> memref<1x128xi32, #tpu.memory_space<vmem>>
        %dma_wait3A_247 = tpu.memref_squeeze %dma_wait3A_246 : memref<1x128xi32, #tpu.memory_space<vmem>> -> memref<128xi32, #tpu.memory_space<vmem>>
        %dma_wait3A_248 = arith.constant 0 : i32
        %dma_wait3A_249 = arith.constant 0 : i32
        %dma_wait3A_250 = tpu.memref_slice %arg24[%dma_wait3A_248, %dma_wait3A_249] : memref<10240x48xf32, #tpu.memory_space<vmem_shared>> -> memref<10240x48xf32, #tpu.memory_space<vmem_shared>>
        tpu.wait_indirect_dma semaphore(%run_scoped3A : memref<!tpu.dma_semaphore, #tpu.memory_space<semaphore_mem>>) src(%arg9 : memref<128x48xf32, #tpu.memory_space<vmem>>) dst(%dma_wait3A_250 : memref<10240x48xf32, #tpu.memory_space<vmem_shared>>)
        tpu.yield
      }) : () -> ()
      %lt3A_158 = arith.constant 9 : i32
      %lt3A_159 = arith.cmpi slt, %scan3A_117, %lt3A_158 : i32
      %convert_element_type3A_160 = arith.extui %lt3A_159 : i1 to i32
      %cond3A_161 = arith.constant 0 : i32
      %cond3A_162 = arith.cmpi ne, %convert_element_type3A_160, %cond3A_161 : i32
      scf.if %cond3A_162 {
        %add3A_239 = arith.constant 8 : i32
        %add3A_240 = arith.addi %mul3A_120, %add3A_239 : i32
        %add3A_241 = arith.constant 2 : i32
        %add3A_242 = arith.addi %add3A_240, %add3A_241 : i32
        %dma_start3A_243 = arith.constant 0 : i32
        %dma_start3A_244 = tpu.memref_slice %arg5[%add3A_242, %dma_start3A_243] : memref<80x128xi32, #tpu.memory_space<vmem>> -> memref<1x128xi32, #tpu.memory_space<vmem>>
        %dma_start3A_245 = tpu.memref_squeeze %dma_start3A_244 : memref<1x128xi32, #tpu.memory_space<vmem>> -> memref<128xi32, #tpu.memory_space<vmem>>
        %dma_start3A_246 = arith.constant 0 : i32
        %dma_start3A_247 = arith.constant 0 : i32
        %dma_start3A_248 = tpu.memref_slice %arg2[%dma_start3A_246, %dma_start3A_247] : memref<10240x48xf32, #tpu.memory_space<hbm>> -> memref<10240x48xf32, #tpu.memory_space<hbm>>
        tpu.enqueue_indirect_dma source(%dma_start3A_248 : memref<10240x48xf32, #tpu.memory_space<hbm>>) target(%arg9 : memref<128x48xf32, #tpu.memory_space<vmem>>) offsets(%dma_start3A_245 : memref<128xi32, #tpu.memory_space<vmem>>) semaphore(%arg17 : memref<!tpu.dma_semaphore, #tpu.memory_space<semaphore_mem>>)
      } else {
      }
      %add3A_163 = arith.constant 3 : i32
      %add3A_164 = arith.addi %mul3A_120, %add3A_163 : i32
      %dma_wait3A_165 = arith.constant 0 : i32
      %dma_wait3A_166 = tpu.memref_slice %arg5[%add3A_164, %dma_wait3A_165] : memref<80x128xi32, #tpu.memory_space<vmem>> -> memref<1x128xi32, #tpu.memory_space<vmem>>
      %dma_wait3A_167 = tpu.memref_squeeze %dma_wait3A_166 : memref<1x128xi32, #tpu.memory_space<vmem>> -> memref<128xi32, #tpu.memory_space<vmem>>
      %dma_wait3A_168 = arith.constant 0 : i32
      %dma_wait3A_169 = arith.constant 0 : i32
      %dma_wait3A_170 = tpu.memref_slice %arg2[%dma_wait3A_168, %dma_wait3A_169] : memref<10240x48xf32, #tpu.memory_space<hbm>> -> memref<10240x48xf32, #tpu.memory_space<hbm>>
      tpu.wait_indirect_dma semaphore(%arg18 : memref<!tpu.dma_semaphore, #tpu.memory_space<semaphore_mem>>) src(%dma_wait3A_170 : memref<10240x48xf32, #tpu.memory_space<hbm>>) dst(%arg10 : memref<128x48xf32, #tpu.memory_space<vmem>>)
      %add3A_171 = arith.constant 3 : i32
      %add3A_172 = arith.addi %mul3A_120, %add3A_171 : i32
      "tpu.region"() ({
        %run_scoped3A = tpu.sem_alloc : memref<!tpu.dma_semaphore, #tpu.memory_space<semaphore_mem>>
        %dma_start3A_239 = arith.constant 0 : i32
        %dma_start3A_240 = tpu.memref_slice %arg6[%add3A_172, %dma_start3A_239] : memref<80x128xi32, #tpu.memory_space<vmem>> -> memref<1x128xi32, #tpu.memory_space<vmem>>
        %dma_start3A_241 = tpu.memref_squeeze %dma_start3A_240 : memref<1x128xi32, #tpu.memory_space<vmem>> -> memref<128xi32, #tpu.memory_space<vmem>>
        %dma_start3A_242 = arith.constant 0 : i32
        %dma_start3A_243 = arith.constant 0 : i32
        %dma_start3A_244 = tpu.memref_slice %arg24[%dma_start3A_242, %dma_start3A_243] : memref<10240x48xf32, #tpu.memory_space<vmem_shared>> -> memref<10240x48xf32, #tpu.memory_space<vmem_shared>>
        tpu.enqueue_indirect_dma source(%arg10 : memref<128x48xf32, #tpu.memory_space<vmem>>) target(%dma_start3A_244 : memref<10240x48xf32, #tpu.memory_space<vmem_shared>>) offsets(%dma_start3A_241 : memref<128xi32, #tpu.memory_space<vmem>>) semaphore(%run_scoped3A : memref<!tpu.dma_semaphore, #tpu.memory_space<semaphore_mem>>) {add = true}
        %dma_wait3A_245 = arith.constant 0 : i32
        %dma_wait3A_246 = tpu.memref_slice %arg6[%add3A_172, %dma_wait3A_245] : memref<80x128xi32, #tpu.memory_space<vmem>> -> memref<1x128xi32, #tpu.memory_space<vmem>>
        %dma_wait3A_247 = tpu.memref_squeeze %dma_wait3A_246 : memref<1x128xi32, #tpu.memory_space<vmem>> -> memref<128xi32, #tpu.memory_space<vmem>>
        %dma_wait3A_248 = arith.constant 0 : i32
        %dma_wait3A_249 = arith.constant 0 : i32
        %dma_wait3A_250 = tpu.memref_slice %arg24[%dma_wait3A_248, %dma_wait3A_249] : memref<10240x48xf32, #tpu.memory_space<vmem_shared>> -> memref<10240x48xf32, #tpu.memory_space<vmem_shared>>
        tpu.wait_indirect_dma semaphore(%run_scoped3A : memref<!tpu.dma_semaphore, #tpu.memory_space<semaphore_mem>>) src(%arg10 : memref<128x48xf32, #tpu.memory_space<vmem>>) dst(%dma_wait3A_250 : memref<10240x48xf32, #tpu.memory_space<vmem_shared>>)
        tpu.yield
      }) : () -> ()
      %lt3A_173 = arith.constant 9 : i32
      %lt3A_174 = arith.cmpi slt, %scan3A_117, %lt3A_173 : i32
      %convert_element_type3A_175 = arith.extui %lt3A_174 : i1 to i32
      %cond3A_176 = arith.constant 0 : i32
      %cond3A_177 = arith.cmpi ne, %convert_element_type3A_175, %cond3A_176 : i32
      scf.if %cond3A_177 {
        %add3A_239 = arith.constant 8 : i32
        %add3A_240 = arith.addi %mul3A_120, %add3A_239 : i32
        %add3A_241 = arith.constant 3 : i32
        %add3A_242 = arith.addi %add3A_240, %add3A_241 : i32
        %dma_start3A_243 = arith.constant 0 : i32
        %dma_start3A_244 = tpu.memref_slice %arg5[%add3A_242, %dma_start3A_243] : memref<80x128xi32, #tpu.memory_space<vmem>> -> memref<1x128xi32, #tpu.memory_space<vmem>>
        %dma_start3A_245 = tpu.memref_squeeze %dma_start3A_244 : memref<1x128xi32, #tpu.memory_space<vmem>> -> memref<128xi32, #tpu.memory_space<vmem>>
        %dma_start3A_246 = arith.constant 0 : i32
        %dma_start3A_247 = arith.constant 0 : i32
        %dma_start3A_248 = tpu.memref_slice %arg2[%dma_start3A_246, %dma_start3A_247] : memref<10240x48xf32, #tpu.memory_space<hbm>> -> memref<10240x48xf32, #tpu.memory_space<hbm>>
        tpu.enqueue_indirect_dma source(%dma_start3A_248 : memref<10240x48xf32, #tpu.memory_space<hbm>>) target(%arg10 : memref<128x48xf32, #tpu.memory_space<vmem>>) offsets(%dma_start3A_245 : memref<128xi32, #tpu.memory_space<vmem>>) semaphore(%arg18 : memref<!tpu.dma_semaphore, #tpu.memory_space<semaphore_mem>>)
      } else {
      }
      %add3A_178 = arith.constant 4 : i32
      %add3A_179 = arith.addi %mul3A_120, %add3A_178 : i32
      %dma_wait3A_180 = arith.constant 0 : i32
      %dma_wait3A_181 = tpu.memref_slice %arg5[%add3A_179, %dma_wait3A_180] : memref<80x128xi32, #tpu.memory_space<vmem>> -> memref<1x128xi32, #tpu.memory_space<vmem>>
      %dma_wait3A_182 = tpu.memref_squeeze %dma_wait3A_181 : memref<1x128xi32, #tpu.memory_space<vmem>> -> memref<128xi32, #tpu.memory_space<vmem>>
      %dma_wait3A_183 = arith.constant 0 : i32
      %dma_wait3A_184 = arith.constant 0 : i32
      %dma_wait3A_185 = tpu.memref_slice %arg2[%dma_wait3A_183, %dma_wait3A_184] : memref<10240x48xf32, #tpu.memory_space<hbm>> -> memref<10240x48xf32, #tpu.memory_space<hbm>>
      tpu.wait_indirect_dma semaphore(%arg19 : memref<!tpu.dma_semaphore, #tpu.memory_space<semaphore_mem>>) src(%dma_wait3A_185 : memref<10240x48xf32, #tpu.memory_space<hbm>>) dst(%arg11 : memref<128x48xf32, #tpu.memory_space<vmem>>)
      %add3A_186 = arith.constant 4 : i32
      %add3A_187 = arith.addi %mul3A_120, %add3A_186 : i32
      "tpu.region"() ({
        %run_scoped3A = tpu.sem_alloc : memref<!tpu.dma_semaphore, #tpu.memory_space<semaphore_mem>>
        %dma_start3A_239 = arith.constant 0 : i32
        %dma_start3A_240 = tpu.memref_slice %arg6[%add3A_187, %dma_start3A_239] : memref<80x128xi32, #tpu.memory_space<vmem>> -> memref<1x128xi32, #tpu.memory_space<vmem>>
        %dma_start3A_241 = tpu.memref_squeeze %dma_start3A_240 : memref<1x128xi32, #tpu.memory_space<vmem>> -> memref<128xi32, #tpu.memory_space<vmem>>
        %dma_start3A_242 = arith.constant 0 : i32
        %dma_start3A_243 = arith.constant 0 : i32
        %dma_start3A_244 = tpu.memref_slice %arg24[%dma_start3A_242, %dma_start3A_243] : memref<10240x48xf32, #tpu.memory_space<vmem_shared>> -> memref<10240x48xf32, #tpu.memory_space<vmem_shared>>
        tpu.enqueue_indirect_dma source(%arg11 : memref<128x48xf32, #tpu.memory_space<vmem>>) target(%dma_start3A_244 : memref<10240x48xf32, #tpu.memory_space<vmem_shared>>) offsets(%dma_start3A_241 : memref<128xi32, #tpu.memory_space<vmem>>) semaphore(%run_scoped3A : memref<!tpu.dma_semaphore, #tpu.memory_space<semaphore_mem>>) {add = true}
        %dma_wait3A_245 = arith.constant 0 : i32
        %dma_wait3A_246 = tpu.memref_slice %arg6[%add3A_187, %dma_wait3A_245] : memref<80x128xi32, #tpu.memory_space<vmem>> -> memref<1x128xi32, #tpu.memory_space<vmem>>
        %dma_wait3A_247 = tpu.memref_squeeze %dma_wait3A_246 : memref<1x128xi32, #tpu.memory_space<vmem>> -> memref<128xi32, #tpu.memory_space<vmem>>
        %dma_wait3A_248 = arith.constant 0 : i32
        %dma_wait3A_249 = arith.constant 0 : i32
        %dma_wait3A_250 = tpu.memref_slice %arg24[%dma_wait3A_248, %dma_wait3A_249] : memref<10240x48xf32, #tpu.memory_space<vmem_shared>> -> memref<10240x48xf32, #tpu.memory_space<vmem_shared>>
        tpu.wait_indirect_dma semaphore(%run_scoped3A : memref<!tpu.dma_semaphore, #tpu.memory_space<semaphore_mem>>) src(%arg11 : memref<128x48xf32, #tpu.memory_space<vmem>>) dst(%dma_wait3A_250 : memref<10240x48xf32, #tpu.memory_space<vmem_shared>>)
        tpu.yield
      }) : () -> ()
      %lt3A_188 = arith.constant 9 : i32
      %lt3A_189 = arith.cmpi slt, %scan3A_117, %lt3A_188 : i32
      %convert_element_type3A_190 = arith.extui %lt3A_189 : i1 to i32
      %cond3A_191 = arith.constant 0 : i32
      %cond3A_192 = arith.cmpi ne, %convert_element_type3A_190, %cond3A_191 : i32
      scf.if %cond3A_192 {
        %add3A_239 = arith.constant 8 : i32
        %add3A_240 = arith.addi %mul3A_120, %add3A_239 : i32
        %add3A_241 = arith.constant 4 : i32
        %add3A_242 = arith.addi %add3A_240, %add3A_241 : i32
        %dma_start3A_243 = arith.constant 0 : i32
        %dma_start3A_244 = tpu.memref_slice %arg5[%add3A_242, %dma_start3A_243] : memref<80x128xi32, #tpu.memory_space<vmem>> -> memref<1x128xi32, #tpu.memory_space<vmem>>
        %dma_start3A_245 = tpu.memref_squeeze %dma_start3A_244 : memref<1x128xi32, #tpu.memory_space<vmem>> -> memref<128xi32, #tpu.memory_space<vmem>>
        %dma_start3A_246 = arith.constant 0 : i32
        %dma_start3A_247 = arith.constant 0 : i32
        %dma_start3A_248 = tpu.memref_slice %arg2[%dma_start3A_246, %dma_start3A_247] : memref<10240x48xf32, #tpu.memory_space<hbm>> -> memref<10240x48xf32, #tpu.memory_space<hbm>>
        tpu.enqueue_indirect_dma source(%dma_start3A_248 : memref<10240x48xf32, #tpu.memory_space<hbm>>) target(%arg11 : memref<128x48xf32, #tpu.memory_space<vmem>>) offsets(%dma_start3A_245 : memref<128xi32, #tpu.memory_space<vmem>>) semaphore(%arg19 : memref<!tpu.dma_semaphore, #tpu.memory_space<semaphore_mem>>)
      } else {
      }
      %add3A_193 = arith.constant 5 : i32
      %add3A_194 = arith.addi %mul3A_120, %add3A_193 : i32
      %dma_wait3A_195 = arith.constant 0 : i32
      %dma_wait3A_196 = tpu.memref_slice %arg5[%add3A_194, %dma_wait3A_195] : memref<80x128xi32, #tpu.memory_space<vmem>> -> memref<1x128xi32, #tpu.memory_space<vmem>>
      %dma_wait3A_197 = tpu.memref_squeeze %dma_wait3A_196 : memref<1x128xi32, #tpu.memory_space<vmem>> -> memref<128xi32, #tpu.memory_space<vmem>>
      %dma_wait3A_198 = arith.constant 0 : i32
      %dma_wait3A_199 = arith.constant 0 : i32
      %dma_wait3A_200 = tpu.memref_slice %arg2[%dma_wait3A_198, %dma_wait3A_199] : memref<10240x48xf32, #tpu.memory_space<hbm>> -> memref<10240x48xf32, #tpu.memory_space<hbm>>
      tpu.wait_indirect_dma semaphore(%arg20 : memref<!tpu.dma_semaphore, #tpu.memory_space<semaphore_mem>>) src(%dma_wait3A_200 : memref<10240x48xf32, #tpu.memory_space<hbm>>) dst(%arg12 : memref<128x48xf32, #tpu.memory_space<vmem>>)
      %add3A_201 = arith.constant 5 : i32
      %add3A_202 = arith.addi %mul3A_120, %add3A_201 : i32
      "tpu.region"() ({
        %run_scoped3A = tpu.sem_alloc : memref<!tpu.dma_semaphore, #tpu.memory_space<semaphore_mem>>
        %dma_start3A_239 = arith.constant 0 : i32
        %dma_start3A_240 = tpu.memref_slice %arg6[%add3A_202, %dma_start3A_239] : memref<80x128xi32, #tpu.memory_space<vmem>> -> memref<1x128xi32, #tpu.memory_space<vmem>>
        %dma_start3A_241 = tpu.memref_squeeze %dma_start3A_240 : memref<1x128xi32, #tpu.memory_space<vmem>> -> memref<128xi32, #tpu.memory_space<vmem>>
        %dma_start3A_242 = arith.constant 0 : i32
        %dma_start3A_243 = arith.constant 0 : i32
        %dma_start3A_244 = tpu.memref_slice %arg24[%dma_start3A_242, %dma_start3A_243] : memref<10240x48xf32, #tpu.memory_space<vmem_shared>> -> memref<10240x48xf32, #tpu.memory_space<vmem_shared>>
        tpu.enqueue_indirect_dma source(%arg12 : memref<128x48xf32, #tpu.memory_space<vmem>>) target(%dma_start3A_244 : memref<10240x48xf32, #tpu.memory_space<vmem_shared>>) offsets(%dma_start3A_241 : memref<128xi32, #tpu.memory_space<vmem>>) semaphore(%run_scoped3A : memref<!tpu.dma_semaphore, #tpu.memory_space<semaphore_mem>>) {add = true}
        %dma_wait3A_245 = arith.constant 0 : i32
        %dma_wait3A_246 = tpu.memref_slice %arg6[%add3A_202, %dma_wait3A_245] : memref<80x128xi32, #tpu.memory_space<vmem>> -> memref<1x128xi32, #tpu.memory_space<vmem>>
        %dma_wait3A_247 = tpu.memref_squeeze %dma_wait3A_246 : memref<1x128xi32, #tpu.memory_space<vmem>> -> memref<128xi32, #tpu.memory_space<vmem>>
        %dma_wait3A_248 = arith.constant 0 : i32
        %dma_wait3A_249 = arith.constant 0 : i32
        %dma_wait3A_250 = tpu.memref_slice %arg24[%dma_wait3A_248, %dma_wait3A_249] : memref<10240x48xf32, #tpu.memory_space<vmem_shared>> -> memref<10240x48xf32, #tpu.memory_space<vmem_shared>>
        tpu.wait_indirect_dma semaphore(%run_scoped3A : memref<!tpu.dma_semaphore, #tpu.memory_space<semaphore_mem>>) src(%arg12 : memref<128x48xf32, #tpu.memory_space<vmem>>) dst(%dma_wait3A_250 : memref<10240x48xf32, #tpu.memory_space<vmem_shared>>)
        tpu.yield
      }) : () -> ()
      %lt3A_203 = arith.constant 9 : i32
      %lt3A_204 = arith.cmpi slt, %scan3A_117, %lt3A_203 : i32
      %convert_element_type3A_205 = arith.extui %lt3A_204 : i1 to i32
      %cond3A_206 = arith.constant 0 : i32
      %cond3A_207 = arith.cmpi ne, %convert_element_type3A_205, %cond3A_206 : i32
      scf.if %cond3A_207 {
        %add3A_239 = arith.constant 8 : i32
        %add3A_240 = arith.addi %mul3A_120, %add3A_239 : i32
        %add3A_241 = arith.constant 5 : i32
        %add3A_242 = arith.addi %add3A_240, %add3A_241 : i32
        %dma_start3A_243 = arith.constant 0 : i32
        %dma_start3A_244 = tpu.memref_slice %arg5[%add3A_242, %dma_start3A_243] : memref<80x128xi32, #tpu.memory_space<vmem>> -> memref<1x128xi32, #tpu.memory_space<vmem>>
        %dma_start3A_245 = tpu.memref_squeeze %dma_start3A_244 : memref<1x128xi32, #tpu.memory_space<vmem>> -> memref<128xi32, #tpu.memory_space<vmem>>
        %dma_start3A_246 = arith.constant 0 : i32
        %dma_start3A_247 = arith.constant 0 : i32
        %dma_start3A_248 = tpu.memref_slice %arg2[%dma_start3A_246, %dma_start3A_247] : memref<10240x48xf32, #tpu.memory_space<hbm>> -> memref<10240x48xf32, #tpu.memory_space<hbm>>
        tpu.enqueue_indirect_dma source(%dma_start3A_248 : memref<10240x48xf32, #tpu.memory_space<hbm>>) target(%arg12 : memref<128x48xf32, #tpu.memory_space<vmem>>) offsets(%dma_start3A_245 : memref<128xi32, #tpu.memory_space<vmem>>) semaphore(%arg20 : memref<!tpu.dma_semaphore, #tpu.memory_space<semaphore_mem>>)
      } else {
      }
      %add3A_208 = arith.constant 6 : i32
      %add3A_209 = arith.addi %mul3A_120, %add3A_208 : i32
      %dma_wait3A_210 = arith.constant 0 : i32
      %dma_wait3A_211 = tpu.memref_slice %arg5[%add3A_209, %dma_wait3A_210] : memref<80x128xi32, #tpu.memory_space<vmem>> -> memref<1x128xi32, #tpu.memory_space<vmem>>
      %dma_wait3A_212 = tpu.memref_squeeze %dma_wait3A_211 : memref<1x128xi32, #tpu.memory_space<vmem>> -> memref<128xi32, #tpu.memory_space<vmem>>
      %dma_wait3A_213 = arith.constant 0 : i32
      %dma_wait3A_214 = arith.constant 0 : i32
      %dma_wait3A_215 = tpu.memref_slice %arg2[%dma_wait3A_213, %dma_wait3A_214] : memref<10240x48xf32, #tpu.memory_space<hbm>> -> memref<10240x48xf32, #tpu.memory_space<hbm>>
      tpu.wait_indirect_dma semaphore(%arg21 : memref<!tpu.dma_semaphore, #tpu.memory_space<semaphore_mem>>) src(%dma_wait3A_215 : memref<10240x48xf32, #tpu.memory_space<hbm>>) dst(%arg13 : memref<128x48xf32, #tpu.memory_space<vmem>>)
      %add3A_216 = arith.constant 6 : i32
      %add3A_217 = arith.addi %mul3A_120, %add3A_216 : i32
      "tpu.region"() ({
        %run_scoped3A = tpu.sem_alloc : memref<!tpu.dma_semaphore, #tpu.memory_space<semaphore_mem>>
        %dma_start3A_239 = arith.constant 0 : i32
        %dma_start3A_240 = tpu.memref_slice %arg6[%add3A_217, %dma_start3A_239] : memref<80x128xi32, #tpu.memory_space<vmem>> -> memref<1x128xi32, #tpu.memory_space<vmem>>
        %dma_start3A_241 = tpu.memref_squeeze %dma_start3A_240 : memref<1x128xi32, #tpu.memory_space<vmem>> -> memref<128xi32, #tpu.memory_space<vmem>>
        %dma_start3A_242 = arith.constant 0 : i32
        %dma_start3A_243 = arith.constant 0 : i32
        %dma_start3A_244 = tpu.memref_slice %arg24[%dma_start3A_242, %dma_start3A_243] : memref<10240x48xf32, #tpu.memory_space<vmem_shared>> -> memref<10240x48xf32, #tpu.memory_space<vmem_shared>>
        tpu.enqueue_indirect_dma source(%arg13 : memref<128x48xf32, #tpu.memory_space<vmem>>) target(%dma_start3A_244 : memref<10240x48xf32, #tpu.memory_space<vmem_shared>>) offsets(%dma_start3A_241 : memref<128xi32, #tpu.memory_space<vmem>>) semaphore(%run_scoped3A : memref<!tpu.dma_semaphore, #tpu.memory_space<semaphore_mem>>) {add = true}
        %dma_wait3A_245 = arith.constant 0 : i32
        %dma_wait3A_246 = tpu.memref_slice %arg6[%add3A_217, %dma_wait3A_245] : memref<80x128xi32, #tpu.memory_space<vmem>> -> memref<1x128xi32, #tpu.memory_space<vmem>>
        %dma_wait3A_247 = tpu.memref_squeeze %dma_wait3A_246 : memref<1x128xi32, #tpu.memory_space<vmem>> -> memref<128xi32, #tpu.memory_space<vmem>>
        %dma_wait3A_248 = arith.constant 0 : i32
        %dma_wait3A_249 = arith.constant 0 : i32
        %dma_wait3A_250 = tpu.memref_slice %arg24[%dma_wait3A_248, %dma_wait3A_249] : memref<10240x48xf32, #tpu.memory_space<vmem_shared>> -> memref<10240x48xf32, #tpu.memory_space<vmem_shared>>
        tpu.wait_indirect_dma semaphore(%run_scoped3A : memref<!tpu.dma_semaphore, #tpu.memory_space<semaphore_mem>>) src(%arg13 : memref<128x48xf32, #tpu.memory_space<vmem>>) dst(%dma_wait3A_250 : memref<10240x48xf32, #tpu.memory_space<vmem_shared>>)
        tpu.yield
      }) : () -> ()
      %lt3A_218 = arith.constant 9 : i32
      %lt3A_219 = arith.cmpi slt, %scan3A_117, %lt3A_218 : i32
      %convert_element_type3A_220 = arith.extui %lt3A_219 : i1 to i32
      %cond3A_221 = arith.constant 0 : i32
      %cond3A_222 = arith.cmpi ne, %convert_element_type3A_220, %cond3A_221 : i32
      scf.if %cond3A_222 {
        %add3A_239 = arith.constant 8 : i32
        %add3A_240 = arith.addi %mul3A_120, %add3A_239 : i32
        %add3A_241 = arith.constant 6 : i32
        %add3A_242 = arith.addi %add3A_240, %add3A_241 : i32
        %dma_start3A_243 = arith.constant 0 : i32
        %dma_start3A_244 = tpu.memref_slice %arg5[%add3A_242, %dma_start3A_243] : memref<80x128xi32, #tpu.memory_space<vmem>> -> memref<1x128xi32, #tpu.memory_space<vmem>>
        %dma_start3A_245 = tpu.memref_squeeze %dma_start3A_244 : memref<1x128xi32, #tpu.memory_space<vmem>> -> memref<128xi32, #tpu.memory_space<vmem>>
        %dma_start3A_246 = arith.constant 0 : i32
        %dma_start3A_247 = arith.constant 0 : i32
        %dma_start3A_248 = tpu.memref_slice %arg2[%dma_start3A_246, %dma_start3A_247] : memref<10240x48xf32, #tpu.memory_space<hbm>> -> memref<10240x48xf32, #tpu.memory_space<hbm>>
        tpu.enqueue_indirect_dma source(%dma_start3A_248 : memref<10240x48xf32, #tpu.memory_space<hbm>>) target(%arg13 : memref<128x48xf32, #tpu.memory_space<vmem>>) offsets(%dma_start3A_245 : memref<128xi32, #tpu.memory_space<vmem>>) semaphore(%arg21 : memref<!tpu.dma_semaphore, #tpu.memory_space<semaphore_mem>>)
      } else {
      }
      %add3A_223 = arith.constant 7 : i32
      %add3A_224 = arith.addi %mul3A_120, %add3A_223 : i32
      %dma_wait3A_225 = arith.constant 0 : i32
      %dma_wait3A_226 = tpu.memref_slice %arg5[%add3A_224, %dma_wait3A_225] : memref<80x128xi32, #tpu.memory_space<vmem>> -> memref<1x128xi32, #tpu.memory_space<vmem>>
      %dma_wait3A_227 = tpu.memref_squeeze %dma_wait3A_226 : memref<1x128xi32, #tpu.memory_space<vmem>> -> memref<128xi32, #tpu.memory_space<vmem>>
      %dma_wait3A_228 = arith.constant 0 : i32
      %dma_wait3A_229 = arith.constant 0 : i32
      %dma_wait3A_230 = tpu.memref_slice %arg2[%dma_wait3A_228, %dma_wait3A_229] : memref<10240x48xf32, #tpu.memory_space<hbm>> -> memref<10240x48xf32, #tpu.memory_space<hbm>>
      tpu.wait_indirect_dma semaphore(%arg22 : memref<!tpu.dma_semaphore, #tpu.memory_space<semaphore_mem>>) src(%dma_wait3A_230 : memref<10240x48xf32, #tpu.memory_space<hbm>>) dst(%arg14 : memref<128x48xf32, #tpu.memory_space<vmem>>)
      %add3A_231 = arith.constant 7 : i32
      %add3A_232 = arith.addi %mul3A_120, %add3A_231 : i32
      "tpu.region"() ({
        %run_scoped3A = tpu.sem_alloc : memref<!tpu.dma_semaphore, #tpu.memory_space<semaphore_mem>>
        %dma_start3A_239 = arith.constant 0 : i32
        %dma_start3A_240 = tpu.memref_slice %arg6[%add3A_232, %dma_start3A_239] : memref<80x128xi32, #tpu.memory_space<vmem>> -> memref<1x128xi32, #tpu.memory_space<vmem>>
        %dma_start3A_241 = tpu.memref_squeeze %dma_start3A_240 : memref<1x128xi32, #tpu.memory_space<vmem>> -> memref<128xi32, #tpu.memory_space<vmem>>
        %dma_start3A_242 = arith.constant 0 : i32
        %dma_start3A_243 = arith.constant 0 : i32
        %dma_start3A_244 = tpu.memref_slice %arg24[%dma_start3A_242, %dma_start3A_243] : memref<10240x48xf32, #tpu.memory_space<vmem_shared>> -> memref<10240x48xf32, #tpu.memory_space<vmem_shared>>
        tpu.enqueue_indirect_dma source(%arg14 : memref<128x48xf32, #tpu.memory_space<vmem>>) target(%dma_start3A_244 : memref<10240x48xf32, #tpu.memory_space<vmem_shared>>) offsets(%dma_start3A_241 : memref<128xi32, #tpu.memory_space<vmem>>) semaphore(%run_scoped3A : memref<!tpu.dma_semaphore, #tpu.memory_space<semaphore_mem>>) {add = true}
        %dma_wait3A_245 = arith.constant 0 : i32
        %dma_wait3A_246 = tpu.memref_slice %arg6[%add3A_232, %dma_wait3A_245] : memref<80x128xi32, #tpu.memory_space<vmem>> -> memref<1x128xi32, #tpu.memory_space<vmem>>
        %dma_wait3A_247 = tpu.memref_squeeze %dma_wait3A_246 : memref<1x128xi32, #tpu.memory_space<vmem>> -> memref<128xi32, #tpu.memory_space<vmem>>
        %dma_wait3A_248 = arith.constant 0 : i32
        %dma_wait3A_249 = arith.constant 0 : i32
        %dma_wait3A_250 = tpu.memref_slice %arg24[%dma_wait3A_248, %dma_wait3A_249] : memref<10240x48xf32, #tpu.memory_space<vmem_shared>> -> memref<10240x48xf32, #tpu.memory_space<vmem_shared>>
        tpu.wait_indirect_dma semaphore(%run_scoped3A : memref<!tpu.dma_semaphore, #tpu.memory_space<semaphore_mem>>) src(%arg14 : memref<128x48xf32, #tpu.memory_space<vmem>>) dst(%dma_wait3A_250 : memref<10240x48xf32, #tpu.memory_space<vmem_shared>>)
        tpu.yield
      }) : () -> ()
      %lt3A_233 = arith.constant 9 : i32
      %lt3A_234 = arith.cmpi slt, %scan3A_117, %lt3A_233 : i32
      %convert_element_type3A_235 = arith.extui %lt3A_234 : i1 to i32
      %cond3A_236 = arith.constant 0 : i32
      %cond3A_237 = arith.cmpi ne, %convert_element_type3A_235, %cond3A_236 : i32
      scf.if %cond3A_237 {
        %add3A_239 = arith.constant 8 : i32
        %add3A_240 = arith.addi %mul3A_120, %add3A_239 : i32
        %add3A_241 = arith.constant 7 : i32
        %add3A_242 = arith.addi %add3A_240, %add3A_241 : i32
        %dma_start3A_243 = arith.constant 0 : i32
        %dma_start3A_244 = tpu.memref_slice %arg5[%add3A_242, %dma_start3A_243] : memref<80x128xi32, #tpu.memory_space<vmem>> -> memref<1x128xi32, #tpu.memory_space<vmem>>
        %dma_start3A_245 = tpu.memref_squeeze %dma_start3A_244 : memref<1x128xi32, #tpu.memory_space<vmem>> -> memref<128xi32, #tpu.memory_space<vmem>>
        %dma_start3A_246 = arith.constant 0 : i32
        %dma_start3A_247 = arith.constant 0 : i32
        %dma_start3A_248 = tpu.memref_slice %arg2[%dma_start3A_246, %dma_start3A_247] : memref<10240x48xf32, #tpu.memory_space<hbm>> -> memref<10240x48xf32, #tpu.memory_space<hbm>>
        tpu.enqueue_indirect_dma source(%dma_start3A_248 : memref<10240x48xf32, #tpu.memory_space<hbm>>) target(%arg14 : memref<128x48xf32, #tpu.memory_space<vmem>>) offsets(%dma_start3A_245 : memref<128xi32, #tpu.memory_space<vmem>>) semaphore(%arg22 : memref<!tpu.dma_semaphore, #tpu.memory_space<semaphore_mem>>)
      } else {
      }
      %scan3A_238 = arith.constant 0 : i32
      scf.yield %scan3A_238 : i32
    }
    %scan3A_115 = arith.constant 10 : i32
    %barrier3A_116 = arith.constant 0 : index
    tpu.barrier barrier_id(%barrier3A_116)
    "tpu.region"() ({
      %run_scoped3A = tpu.sem_alloc : memref<!tpu.dma_semaphore, #tpu.memory_space<semaphore_mem>>
      %dma_start3A_117 = arith.constant 0 : i32
      %dma_start3A_118 = tpu.memref_slice %arg4[%arg0, %mul3A_25, %dma_start3A_117] : memref<2x10240x48xf32, #tpu.memory_space<hbm>> -> memref<1x640x48xf32, #tpu.memory_space<hbm>>
      %dma_start3A_119 = tpu.memref_squeeze %dma_start3A_118 : memref<1x640x48xf32, #tpu.memory_space<hbm>> -> memref<640x48xf32, #tpu.memory_space<hbm>>
      %dma_start3A_120 = arith.constant 0 : i32
      %dma_start3A_121 = tpu.memref_slice %arg24[%mul3A_25, %dma_start3A_120] : memref<10240x48xf32, #tpu.memory_space<vmem_shared>> -> memref<640x48xf32, #tpu.memory_space<vmem_shared>>
      tpu.enqueue_dma source(%dma_start3A_121 : memref<640x48xf32, #tpu.memory_space<vmem_shared>>) target(%dma_start3A_119 : memref<640x48xf32, #tpu.memory_space<hbm>>) target_semaphore(%run_scoped3A : memref<!tpu.dma_semaphore, #tpu.memory_space<semaphore_mem>>)
      %dma_wait3A_122 = arith.constant 0 : i32
      %dma_wait3A_123 = tpu.memref_slice %arg4[%arg0, %mul3A_25, %dma_wait3A_122] : memref<2x10240x48xf32, #tpu.memory_space<hbm>> -> memref<1x640x48xf32, #tpu.memory_space<hbm>>
      %dma_wait3A_124 = tpu.memref_squeeze %dma_wait3A_123 : memref<1x640x48xf32, #tpu.memory_space<hbm>> -> memref<640x48xf32, #tpu.memory_space<hbm>>
      %dma_wait3A_125 = arith.constant 0 : i32
      %dma_wait3A_126 = tpu.memref_slice %arg24[%mul3A_25, %dma_wait3A_125] : memref<10240x48xf32, #tpu.memory_space<vmem_shared>> -> memref<640x48xf32, #tpu.memory_space<vmem_shared>>
      tpu.wait_dma2 semaphore(%run_scoped3A : memref<!tpu.dma_semaphore, #tpu.memory_space<semaphore_mem>>) src(%dma_wait3A_126 : memref<640x48xf32, #tpu.memory_space<vmem_shared>>) dst(%dma_wait3A_124 : memref<640x48xf32, #tpu.memory_space<hbm>>)
      tpu.yield
    }) : () -> ()
    return
  }
}

#map = affine_map<(d0, d1) -> (0, 0)>
#map1 = affine_map<(d0, d1) -> (0, 0, 0)>
module attributes {stable_mosaic.version = 14 : i64} {
  func.func @_deg_kernel(%arg0: i32, %arg1: i32, %arg2: memref<2x320000xi32, #tpu.memory_space<hbm>>, %arg3: memref<2x2x10240xf32, #tpu.memory_space<hbm>>, %arg4: memref<79x128xi32, #tpu.memory_space<vmem>>, %arg5: memref<79x128xi32, #tpu.memory_space<vmem>>, %arg6: memref<128xf32, #tpu.memory_space<vmem>>, %arg7: memref<640xf32, #tpu.memory_space<vmem>>, %arg8: memref<!tpu.dma_semaphore, #tpu.memory_space<semaphore_mem>>, %arg9: memref<!tpu.dma_semaphore, #tpu.memory_space<semaphore_mem>>, %arg10: memref<10240xf32, #tpu.memory_space<vmem_shared>>, %arg11: memref<10240xf32, #tpu.memory_space<vmem_shared>>) attributes {dimension_semantics = [#tpu.dimension_semantics<core_parallel>, #tpu.dimension_semantics<subcore_parallel>], iteration_bounds = array<i64: 2, 16>, scalar_prefetch = 0 : i64, scratch_operands = 8 : i64, tpu.core_type = #tpu.core_type<sc_vector_subcore>, window_params = [{transform_indices = #map}, {transform_indices = #map1}]} {
    %mul3A = arith.constant 2 : i32
    %mul3A_0 = arith.muli %arg1, %mul3A : i32
    %add3A = arith.addi %mul3A_0, %arg0 : i32
    %mul3A_1 = arith.constant 78 : i32
    %mul3A_2 = arith.muli %add3A, %mul3A_1 : i32
    %min3A = arith.constant 4 : i32
    %min3A_3 = arith.minsi %add3A, %min3A : i32
    %add3A_4 = arith.addi %mul3A_2, %min3A_3 : i32
    %lt3A = arith.constant 4 : i32
    %lt3A_5 = arith.cmpi slt, %add3A, %lt3A : i32
    %jit3A = arith.constant 1 : i32
    %jit3A_6 = arith.constant 0 : i32
    %select_n3A = arith.select %lt3A_5, %jit3A, %jit3A_6 : i32
    %add3A_7 = arith.constant 78 : i32
    %add3A_8 = arith.addi %add3A_7, %select_n3A : i32
    %scan3A = arith.constant 0 : i32
    %scan3A_9 = arith.constant 0 : i32
    %scan3A_10 = arith.constant 79 : i32
    %scan3A_11 = arith.addi %scan3A_9, %scan3A_10 : i32
    %scan3A_12 = arith.constant 1 : i32
    %scan3A_13 = scf.for %scan3A_60 = %scan3A_9 to %scan3A_11 step %scan3A_12 iter_args(%scan3A_61 = %scan3A) -> (i32)  : i32 {
      %lt3A_62 = arith.cmpi slt, %scan3A_60, %add3A_8 : i32
      %convert_element_type3A_63 = arith.extui %lt3A_62 : i1 to i32
      %cond3A_64 = arith.constant 0 : i32
      %cond3A_65 = arith.cmpi ne, %convert_element_type3A_63, %cond3A_64 : i32
      scf.if %cond3A_65 {
        %add3A_67 = arith.addi %add3A_4, %scan3A_60 : i32
        %mul3A_68 = arith.constant 128 : i32
        %mul3A_69 = arith.muli %add3A_67, %mul3A_68 : i32
        %dma_start3A_70 = arith.constant 0 : i32
        %dma_start3A_71 = arith.constant 0 : i32
        %dma_start3A_72 = tpu.memref_slice %arg4[%scan3A_60, %dma_start3A_71] : memref<79x128xi32, #tpu.memory_space<vmem>> -> memref<1x128xi32, #tpu.memory_space<vmem>>
        %dma_start3A_73 = tpu.memref_squeeze %dma_start3A_72 : memref<1x128xi32, #tpu.memory_space<vmem>> -> memref<128xi32, #tpu.memory_space<vmem>>
        %dma_start3A_74 = tpu.memref_slice %arg2[%dma_start3A_70, %mul3A_69] : memref<2x320000xi32, #tpu.memory_space<hbm>> -> memref<1x128xi32, #tpu.memory_space<hbm>>
        %dma_start3A_75 = tpu.memref_squeeze %dma_start3A_74 : memref<1x128xi32, #tpu.memory_space<hbm>> -> memref<128xi32, #tpu.memory_space<hbm>>
        %dma_start3A_76 = arith.constant 0 : i32
        %dma_start3A_77 = tpu.memref_slice %arg4[%scan3A_60, %dma_start3A_76] : memref<79x128xi32, #tpu.memory_space<vmem>> -> memref<1x128xi32, #tpu.memory_space<vmem>>
        %dma_start3A_78 = tpu.memref_squeeze %dma_start3A_77 : memref<1x128xi32, #tpu.memory_space<vmem>> -> memref<128xi32, #tpu.memory_space<vmem>>
        %dma_start3A_79 = tpu.memref_slice %arg2[%dma_start3A_70, %mul3A_69] : memref<2x320000xi32, #tpu.memory_space<hbm>> -> memref<1x128xi32, #tpu.memory_space<hbm>>
        %dma_start3A_80 = tpu.memref_squeeze %dma_start3A_79 : memref<1x128xi32, #tpu.memory_space<hbm>> -> memref<128xi32, #tpu.memory_space<hbm>>
        tpu.enqueue_dma source(%dma_start3A_80 : memref<128xi32, #tpu.memory_space<hbm>>) target(%dma_start3A_78 : memref<128xi32, #tpu.memory_space<vmem>>) target_semaphore(%arg8 : memref<!tpu.dma_semaphore, #tpu.memory_space<semaphore_mem>>)
        %add3A_81 = arith.addi %add3A_4, %scan3A_60 : i32
        %mul3A_82 = arith.constant 128 : i32
        %mul3A_83 = arith.muli %add3A_81, %mul3A_82 : i32
        %dma_start3A_84 = arith.constant 1 : i32
        %dma_start3A_85 = arith.constant 0 : i32
        %dma_start3A_86 = tpu.memref_slice %arg5[%scan3A_60, %dma_start3A_85] : memref<79x128xi32, #tpu.memory_space<vmem>> -> memref<1x128xi32, #tpu.memory_space<vmem>>
        %dma_start3A_87 = tpu.memref_squeeze %dma_start3A_86 : memref<1x128xi32, #tpu.memory_space<vmem>> -> memref<128xi32, #tpu.memory_space<vmem>>
        %dma_start3A_88 = tpu.memref_slice %arg2[%dma_start3A_84, %mul3A_83] : memref<2x320000xi32, #tpu.memory_space<hbm>> -> memref<1x128xi32, #tpu.memory_space<hbm>>
        %dma_start3A_89 = tpu.memref_squeeze %dma_start3A_88 : memref<1x128xi32, #tpu.memory_space<hbm>> -> memref<128xi32, #tpu.memory_space<hbm>>
        %dma_start3A_90 = arith.constant 0 : i32
        %dma_start3A_91 = tpu.memref_slice %arg5[%scan3A_60, %dma_start3A_90] : memref<79x128xi32, #tpu.memory_space<vmem>> -> memref<1x128xi32, #tpu.memory_space<vmem>>
        %dma_start3A_92 = tpu.memref_squeeze %dma_start3A_91 : memref<1x128xi32, #tpu.memory_space<vmem>> -> memref<128xi32, #tpu.memory_space<vmem>>
        %dma_start3A_93 = tpu.memref_slice %arg2[%dma_start3A_84, %mul3A_83] : memref<2x320000xi32, #tpu.memory_space<hbm>> -> memref<1x128xi32, #tpu.memory_space<hbm>>
        %dma_start3A_94 = tpu.memref_squeeze %dma_start3A_93 : memref<1x128xi32, #tpu.memory_space<hbm>> -> memref<128xi32, #tpu.memory_space<hbm>>
        tpu.enqueue_dma source(%dma_start3A_94 : memref<128xi32, #tpu.memory_space<hbm>>) target(%dma_start3A_92 : memref<128xi32, #tpu.memory_space<vmem>>) target_semaphore(%arg9 : memref<!tpu.dma_semaphore, #tpu.memory_space<semaphore_mem>>)
      } else {
      }
      %scan3A_66 = arith.constant 0 : i32
      scf.yield %scan3A_66 : i32
    }
    %scan3A_14 = arith.constant 79 : i32
    %scan3A_15 = arith.constant 0 : i32
    %scan3A_16 = arith.constant 0 : i32
    %scan3A_17 = arith.constant 8 : i32
    %scan3A_18 = arith.addi %scan3A_16, %scan3A_17 : i32
    %scan3A_19 = arith.constant 1 : i32
    %scan3A_20 = scf.for %scan3A_60 = %scan3A_16 to %scan3A_18 step %scan3A_19 iter_args(%scan3A_61 = %scan3A_15) -> (i32)  : i32 {
      %broadcast_in_dim3A = arith.constant 1.000000e+00 : f32
      %broadcast_in_dim3A_62 = vector.broadcast %broadcast_in_dim3A : f32 to vector<16xf32>
      %mul3A_63 = arith.constant 16 : i32
      %mul3A_64 = arith.muli %scan3A_60, %mul3A_63 : i32
      %swap3A = arith.index_cast %mul3A_64 : i32 to index
      %swap3A_65 = tpu.vector_load %arg6[%swap3A] {strides = array<i32>} : memref<128xf32, #tpu.memory_space<vmem>>, vector<16xf32>,
      %swap3A_66 = vector.shape_cast %swap3A_65 : vector<16xf32> to vector<16xf32>
      %swap3A_67 = vector.shape_cast %broadcast_in_dim3A_62 : vector<16xf32> to vector<16xf32>
      tpu.vector_store %arg6[%swap3A], %swap3A_67 {strides = array<i32>} : memref<128xf32, #tpu.memory_space<vmem>>, vector<16xf32>,
      %scan3A_68 = arith.constant 0 : i32
      scf.yield %scan3A_68 : i32
    }
    %scan3A_21 = arith.constant 8 : i32
    %scan3A_22 = arith.constant 0 : i32
    %scan3A_23 = arith.constant 0 : i32
    %scan3A_24 = arith.constant 40 : i32
    %scan3A_25 = arith.addi %scan3A_23, %scan3A_24 : i32
    %scan3A_26 = arith.constant 1 : i32
    %scan3A_27 = scf.for %scan3A_60 = %scan3A_23 to %scan3A_25 step %scan3A_26 iter_args(%scan3A_61 = %scan3A_22) -> (i32)  : i32 {
      %broadcast_in_dim3A = arith.constant 0.000000e+00 : f32
      %broadcast_in_dim3A_62 = vector.broadcast %broadcast_in_dim3A : f32 to vector<16xf32>
      %mul3A_63 = arith.constant 16 : i32
      %mul3A_64 = arith.muli %scan3A_60, %mul3A_63 : i32
      %swap3A = arith.index_cast %mul3A_64 : i32 to index
      %swap3A_65 = tpu.vector_load %arg7[%swap3A] {strides = array<i32>} : memref<640xf32, #tpu.memory_space<vmem>>, vector<16xf32>,
      %swap3A_66 = vector.shape_cast %swap3A_65 : vector<16xf32> to vector<16xf32>
      %swap3A_67 = vector.shape_cast %broadcast_in_dim3A_62 : vector<16xf32> to vector<16xf32>
      tpu.vector_store %arg7[%swap3A], %swap3A_67 {strides = array<i32>} : memref<640xf32, #tpu.memory_space<vmem>>, vector<16xf32>,
      %scan3A_68 = arith.constant 0 : i32
      scf.yield %scan3A_68 : i32
    }
    %scan3A_28 = arith.constant 40 : i32
    %mul3A_29 = arith.constant 640 : i32
    %mul3A_30 = arith.muli %arg1, %mul3A_29 : i32
    "tpu.region"() ({
      %run_scoped3A_60 = tpu.sem_alloc : memref<!tpu.dma_semaphore, #tpu.memory_space<semaphore_mem>>
      %dma_start3A_61 = tpu.memref_slice %arg10[%mul3A_30] : memref<10240xf32, #tpu.memory_space<vmem_shared>> -> memref<640xf32, #tpu.memory_space<vmem_shared>>
      %dma_start3A_62 = tpu.memref_slice %arg10[%mul3A_30] : memref<10240xf32, #tpu.memory_space<vmem_shared>> -> memref<640xf32, #tpu.memory_space<vmem_shared>>
      tpu.enqueue_dma source(%arg7 : memref<640xf32, #tpu.memory_space<vmem>>) target(%dma_start3A_62 : memref<640xf32, #tpu.memory_space<vmem_shared>>) target_semaphore(%run_scoped3A_60 : memref<!tpu.dma_semaphore, #tpu.memory_space<semaphore_mem>>)
      %dma_wait3A = tpu.memref_slice %arg10[%mul3A_30] : memref<10240xf32, #tpu.memory_space<vmem_shared>> -> memref<640xf32, #tpu.memory_space<vmem_shared>>
      %dma_wait3A_63 = tpu.memref_slice %arg10[%mul3A_30] : memref<10240xf32, #tpu.memory_space<vmem_shared>> -> memref<640xf32, #tpu.memory_space<vmem_shared>>
      tpu.wait_dma2 semaphore(%run_scoped3A_60 : memref<!tpu.dma_semaphore, #tpu.memory_space<semaphore_mem>>) src(%arg7 : memref<640xf32, #tpu.memory_space<vmem>>) dst(%dma_wait3A_63 : memref<640xf32, #tpu.memory_space<vmem_shared>>)
      tpu.yield
    }) : () -> ()
    "tpu.region"() ({
      %run_scoped3A_60 = tpu.sem_alloc : memref<!tpu.dma_semaphore, #tpu.memory_space<semaphore_mem>>
      %dma_start3A_61 = tpu.memref_slice %arg11[%mul3A_30] : memref<10240xf32, #tpu.memory_space<vmem_shared>> -> memref<640xf32, #tpu.memory_space<vmem_shared>>
      %dma_start3A_62 = tpu.memref_slice %arg11[%mul3A_30] : memref<10240xf32, #tpu.memory_space<vmem_shared>> -> memref<640xf32, #tpu.memory_space<vmem_shared>>
      tpu.enqueue_dma source(%arg7 : memref<640xf32, #tpu.memory_space<vmem>>) target(%dma_start3A_62 : memref<640xf32, #tpu.memory_space<vmem_shared>>) target_semaphore(%run_scoped3A_60 : memref<!tpu.dma_semaphore, #tpu.memory_space<semaphore_mem>>)
      %dma_wait3A = tpu.memref_slice %arg11[%mul3A_30] : memref<10240xf32, #tpu.memory_space<vmem_shared>> -> memref<640xf32, #tpu.memory_space<vmem_shared>>
      %dma_wait3A_63 = tpu.memref_slice %arg11[%mul3A_30] : memref<10240xf32, #tpu.memory_space<vmem_shared>> -> memref<640xf32, #tpu.memory_space<vmem_shared>>
      tpu.wait_dma2 semaphore(%run_scoped3A_60 : memref<!tpu.dma_semaphore, #tpu.memory_space<semaphore_mem>>) src(%arg7 : memref<640xf32, #tpu.memory_space<vmem>>) dst(%dma_wait3A_63 : memref<640xf32, #tpu.memory_space<vmem_shared>>)
      tpu.yield
    }) : () -> ()
    %scan3A_31 = arith.constant 0 : i32
    %scan3A_32 = arith.constant 0 : i32
    %scan3A_33 = arith.constant 79 : i32
    %scan3A_34 = arith.addi %scan3A_32, %scan3A_33 : i32
    %scan3A_35 = arith.constant 1 : i32
    %scan3A_36 = scf.for %scan3A_60 = %scan3A_32 to %scan3A_34 step %scan3A_35 iter_args(%scan3A_61 = %scan3A_31) -> (i32)  : i32 {
      %lt3A_62 = arith.cmpi slt, %scan3A_60, %add3A_8 : i32
      %convert_element_type3A_63 = arith.extui %lt3A_62 : i1 to i32
      %cond3A_64 = arith.constant 0 : i32
      %cond3A_65 = arith.cmpi ne, %convert_element_type3A_63, %cond3A_64 : i32
      scf.if %cond3A_65 {
        %dma_wait3A = arith.constant 0 : i32
        %dma_wait3A_67 = arith.constant 0 : i32
        %dma_wait3A_68 = tpu.memref_slice %arg4[%scan3A_60, %dma_wait3A_67] : memref<79x128xi32, #tpu.memory_space<vmem>> -> memref<1x128xi32, #tpu.memory_space<vmem>>
        %dma_wait3A_69 = tpu.memref_squeeze %dma_wait3A_68 : memref<1x128xi32, #tpu.memory_space<vmem>> -> memref<128xi32, #tpu.memory_space<vmem>>
        %dma_wait3A_70 = arith.constant 0 : i32
        %dma_wait3A_71 = tpu.memref_slice %arg2[%dma_wait3A, %dma_wait3A_70] : memref<2x320000xi32, #tpu.memory_space<hbm>> -> memref<1x128xi32, #tpu.memory_space<hbm>>
        %dma_wait3A_72 = tpu.memref_squeeze %dma_wait3A_71 : memref<1x128xi32, #tpu.memory_space<hbm>> -> memref<128xi32, #tpu.memory_space<hbm>>
        %dma_wait3A_73 = arith.constant 0 : i32
        %dma_wait3A_74 = tpu.memref_slice %arg4[%scan3A_60, %dma_wait3A_73] : memref<79x128xi32, #tpu.memory_space<vmem>> -> memref<1x128xi32, #tpu.memory_space<vmem>>
        %dma_wait3A_75 = tpu.memref_squeeze %dma_wait3A_74 : memref<1x128xi32, #tpu.memory_space<vmem>> -> memref<128xi32, #tpu.memory_space<vmem>>
        %dma_wait3A_76 = arith.constant 0 : i32
        %dma_wait3A_77 = tpu.memref_slice %arg2[%dma_wait3A, %dma_wait3A_76] : memref<2x320000xi32, #tpu.memory_space<hbm>> -> memref<1x128xi32, #tpu.memory_space<hbm>>
        %dma_wait3A_78 = tpu.memref_squeeze %dma_wait3A_77 : memref<1x128xi32, #tpu.memory_space<hbm>> -> memref<128xi32, #tpu.memory_space<hbm>>
        tpu.wait_dma2 semaphore(%arg8 : memref<!tpu.dma_semaphore, #tpu.memory_space<semaphore_mem>>) src(%dma_wait3A_78 : memref<128xi32, #tpu.memory_space<hbm>>) dst(%dma_wait3A_75 : memref<128xi32, #tpu.memory_space<vmem>>)
        %dma_wait3A_79 = arith.constant 1 : i32
        %dma_wait3A_80 = arith.constant 0 : i32
        %dma_wait3A_81 = tpu.memref_slice %arg5[%scan3A_60, %dma_wait3A_80] : memref<79x128xi32, #tpu.memory_space<vmem>> -> memref<1x128xi32, #tpu.memory_space<vmem>>
        %dma_wait3A_82 = tpu.memref_squeeze %dma_wait3A_81 : memref<1x128xi32, #tpu.memory_space<vmem>> -> memref<128xi32, #tpu.memory_space<vmem>>
        %dma_wait3A_83 = arith.constant 0 : i32
        %dma_wait3A_84 = tpu.memref_slice %arg2[%dma_wait3A_79, %dma_wait3A_83] : memref<2x320000xi32, #tpu.memory_space<hbm>> -> memref<1x128xi32, #tpu.memory_space<hbm>>
        %dma_wait3A_85 = tpu.memref_squeeze %dma_wait3A_84 : memref<1x128xi32, #tpu.memory_space<hbm>> -> memref<128xi32, #tpu.memory_space<hbm>>
        %dma_wait3A_86 = arith.constant 0 : i32
        %dma_wait3A_87 = tpu.memref_slice %arg5[%scan3A_60, %dma_wait3A_86] : memref<79x128xi32, #tpu.memory_space<vmem>> -> memref<1x128xi32, #tpu.memory_space<vmem>>
        %dma_wait3A_88 = tpu.memref_squeeze %dma_wait3A_87 : memref<1x128xi32, #tpu.memory_space<vmem>> -> memref<128xi32, #tpu.memory_space<vmem>>
        %dma_wait3A_89 = arith.constant 0 : i32
        %dma_wait3A_90 = tpu.memref_slice %arg2[%dma_wait3A_79, %dma_wait3A_89] : memref<2x320000xi32, #tpu.memory_space<hbm>> -> memref<1x128xi32, #tpu.memory_space<hbm>>
        %dma_wait3A_91 = tpu.memref_squeeze %dma_wait3A_90 : memref<1x128xi32, #tpu.memory_space<hbm>> -> memref<128xi32, #tpu.memory_space<hbm>>
        tpu.wait_dma2 semaphore(%arg9 : memref<!tpu.dma_semaphore, #tpu.memory_space<semaphore_mem>>) src(%dma_wait3A_91 : memref<128xi32, #tpu.memory_space<hbm>>) dst(%dma_wait3A_88 : memref<128xi32, #tpu.memory_space<vmem>>)
      } else {
      }
      %scan3A_66 = arith.constant 0 : i32
      scf.yield %scan3A_66 : i32
    }
    %scan3A_37 = arith.constant 79 : i32
    %barrier3A = arith.constant 0 : index
    tpu.barrier barrier_id(%barrier3A)
    %dma_start3A = arith.constant 0 : i32
    %dma_start3A_38 = arith.constant 0 : i32
    %dma_start3A_39 = tpu.memref_slice %arg4[%dma_start3A, %dma_start3A_38] : memref<79x128xi32, #tpu.memory_space<vmem>> -> memref<1x128xi32, #tpu.memory_space<vmem>>
    %dma_start3A_40 = tpu.memref_squeeze %dma_start3A_39 : memref<1x128xi32, #tpu.memory_space<vmem>> -> memref<128xi32, #tpu.memory_space<vmem>>
    %dma_start3A_41 = arith.constant 0 : i32
    %dma_start3A_42 = tpu.memref_slice %arg10[%dma_start3A_41] : memref<10240xf32, #tpu.memory_space<vmem_shared>> -> memref<10240xf32, #tpu.memory_space<vmem_shared>>
    tpu.enqueue_indirect_dma source(%arg6 : memref<128xf32, #tpu.memory_space<vmem>>) target(%dma_start3A_42 : memref<10240xf32, #tpu.memory_space<vmem_shared>>) offsets(%dma_start3A_40 : memref<128xi32, #tpu.memory_space<vmem>>) semaphore(%arg8 : memref<!tpu.dma_semaphore, #tpu.memory_space<semaphore_mem>>) {add = true}
    %dma_start3A_43 = arith.constant 0 : i32
    %dma_start3A_44 = arith.constant 0 : i32
    %dma_start3A_45 = tpu.memref_slice %arg5[%dma_start3A_43, %dma_start3A_44] : memref<79x128xi32, #tpu.memory_space<vmem>> -> memref<1x128xi32, #tpu.memory_space<vmem>>
    %dma_start3A_46 = tpu.memref_squeeze %dma_start3A_45 : memref<1x128xi32, #tpu.memory_space<vmem>> -> memref<128xi32, #tpu.memory_space<vmem>>
    %dma_start3A_47 = arith.constant 0 : i32
    %dma_start3A_48 = tpu.memref_slice %arg11[%dma_start3A_47] : memref<10240xf32, #tpu.memory_space<vmem_shared>> -> memref<10240xf32, #tpu.memory_space<vmem_shared>>
    tpu.enqueue_indirect_dma source(%arg6 : memref<128xf32, #tpu.memory_space<vmem>>) target(%dma_start3A_48 : memref<10240xf32, #tpu.memory_space<vmem_shared>>) offsets(%dma_start3A_46 : memref<128xi32, #tpu.memory_space<vmem>>) semaphore(%arg9 : memref<!tpu.dma_semaphore, #tpu.memory_space<semaphore_mem>>) {add = true}
    %scan3A_49 = arith.constant 0 : i32
    %scan3A_50 = arith.constant 1 : i32
    %scan3A_51 = arith.constant 78 : i32
    %scan3A_52 = arith.addi %scan3A_50, %scan3A_51 : i32
    %scan3A_53 = arith.constant 1 : i32
    %scan3A_54 = scf.for %scan3A_60 = %scan3A_50 to %scan3A_52 step %scan3A_53 iter_args(%scan3A_61 = %scan3A_49) -> (i32)  : i32 {
      %lt3A_62 = arith.cmpi slt, %scan3A_60, %add3A_8 : i32
      %convert_element_type3A_63 = arith.extui %lt3A_62 : i1 to i32
      %cond3A_64 = arith.constant 0 : i32
      %cond3A_65 = arith.cmpi ne, %convert_element_type3A_63, %cond3A_64 : i32
      scf.if %cond3A_65 {
        %dma_start3A_70 = arith.constant 0 : i32
        %dma_start3A_71 = tpu.memref_slice %arg4[%scan3A_60, %dma_start3A_70] : memref<79x128xi32, #tpu.memory_space<vmem>> -> memref<1x128xi32, #tpu.memory_space<vmem>>
        %dma_start3A_72 = tpu.memref_squeeze %dma_start3A_71 : memref<1x128xi32, #tpu.memory_space<vmem>> -> memref<128xi32, #tpu.memory_space<vmem>>
        %dma_start3A_73 = arith.constant 0 : i32
        %dma_start3A_74 = tpu.memref_slice %arg10[%dma_start3A_73] : memref<10240xf32, #tpu.memory_space<vmem_shared>> -> memref<10240xf32, #tpu.memory_space<vmem_shared>>
        tpu.enqueue_indirect_dma source(%arg6 : memref<128xf32, #tpu.memory_space<vmem>>) target(%dma_start3A_74 : memref<10240xf32, #tpu.memory_space<vmem_shared>>) offsets(%dma_start3A_72 : memref<128xi32, #tpu.memory_space<vmem>>) semaphore(%arg8 : memref<!tpu.dma_semaphore, #tpu.memory_space<semaphore_mem>>) {add = true}
        %dma_start3A_75 = arith.constant 0 : i32
        %dma_start3A_76 = tpu.memref_slice %arg5[%scan3A_60, %dma_start3A_75] : memref<79x128xi32, #tpu.memory_space<vmem>> -> memref<1x128xi32, #tpu.memory_space<vmem>>
        %dma_start3A_77 = tpu.memref_squeeze %dma_start3A_76 : memref<1x128xi32, #tpu.memory_space<vmem>> -> memref<128xi32, #tpu.memory_space<vmem>>
        %dma_start3A_78 = arith.constant 0 : i32
        %dma_start3A_79 = tpu.memref_slice %arg11[%dma_start3A_78] : memref<10240xf32, #tpu.memory_space<vmem_shared>> -> memref<10240xf32, #tpu.memory_space<vmem_shared>>
        tpu.enqueue_indirect_dma source(%arg6 : memref<128xf32, #tpu.memory_space<vmem>>) target(%dma_start3A_79 : memref<10240xf32, #tpu.memory_space<vmem_shared>>) offsets(%dma_start3A_77 : memref<128xi32, #tpu.memory_space<vmem>>) semaphore(%arg9 : memref<!tpu.dma_semaphore, #tpu.memory_space<semaphore_mem>>) {add = true}
      } else {
      }
      %le3A = arith.cmpi sle, %scan3A_60, %add3A_8 : i32
      %convert_element_type3A_66 = arith.extui %le3A : i1 to i32
      %cond3A_67 = arith.constant 0 : i32
      %cond3A_68 = arith.cmpi ne, %convert_element_type3A_66, %cond3A_67 : i32
      scf.if %cond3A_68 {
        %dma_wait3A = arith.constant 0 : i32
        %dma_wait3A_70 = arith.constant 0 : i32
        %dma_wait3A_71 = tpu.memref_slice %arg4[%dma_wait3A, %dma_wait3A_70] : memref<79x128xi32, #tpu.memory_space<vmem>> -> memref<1x128xi32, #tpu.memory_space<vmem>>
        %dma_wait3A_72 = tpu.memref_squeeze %dma_wait3A_71 : memref<1x128xi32, #tpu.memory_space<vmem>> -> memref<128xi32, #tpu.memory_space<vmem>>
        %dma_wait3A_73 = arith.constant 0 : i32
        %dma_wait3A_74 = tpu.memref_slice %arg10[%dma_wait3A_73] : memref<10240xf32, #tpu.memory_space<vmem_shared>> -> memref<10240xf32, #tpu.memory_space<vmem_shared>>
        tpu.wait_indirect_dma semaphore(%arg8 : memref<!tpu.dma_semaphore, #tpu.memory_space<semaphore_mem>>) src(%arg6 : memref<128xf32, #tpu.memory_space<vmem>>) dst(%dma_wait3A_74 : memref<10240xf32, #tpu.memory_space<vmem_shared>>)
        %dma_wait3A_75 = arith.constant 0 : i32
        %dma_wait3A_76 = arith.constant 0 : i32
        %dma_wait3A_77 = tpu.memref_slice %arg5[%dma_wait3A_75, %dma_wait3A_76] : memref<79x128xi32, #tpu.memory_space<vmem>> -> memref<1x128xi32, #tpu.memory_space<vmem>>
        %dma_wait3A_78 = tpu.memref_squeeze %dma_wait3A_77 : memref<1x128xi32, #tpu.memory_space<vmem>> -> memref<128xi32, #tpu.memory_space<vmem>>
        %dma_wait3A_79 = arith.constant 0 : i32
        %dma_wait3A_80 = tpu.memref_slice %arg11[%dma_wait3A_79] : memref<10240xf32, #tpu.memory_space<vmem_shared>> -> memref<10240xf32, #tpu.memory_space<vmem_shared>>
        tpu.wait_indirect_dma semaphore(%arg9 : memref<!tpu.dma_semaphore, #tpu.memory_space<semaphore_mem>>) src(%arg6 : memref<128xf32, #tpu.memory_space<vmem>>) dst(%dma_wait3A_80 : memref<10240xf32, #tpu.memory_space<vmem_shared>>)
      } else {
      }
      %scan3A_69 = arith.constant 0 : i32
      scf.yield %scan3A_69 : i32
    }
    %scan3A_55 = arith.constant 78 : i32
    %gt3A = arith.constant 78 : i32
    %gt3A_56 = arith.cmpi sgt, %add3A_8, %gt3A : i32
    %convert_element_type3A = arith.extui %gt3A_56 : i1 to i32
    %cond3A = arith.constant 0 : i32
    %cond3A_57 = arith.cmpi ne, %convert_element_type3A, %cond3A : i32
    scf.if %cond3A_57 {
      %dma_wait3A = arith.constant 0 : i32
      %dma_wait3A_60 = arith.constant 0 : i32
      %dma_wait3A_61 = tpu.memref_slice %arg4[%dma_wait3A, %dma_wait3A_60] : memref<79x128xi32, #tpu.memory_space<vmem>> -> memref<1x128xi32, #tpu.memory_space<vmem>>
      %dma_wait3A_62 = tpu.memref_squeeze %dma_wait3A_61 : memref<1x128xi32, #tpu.memory_space<vmem>> -> memref<128xi32, #tpu.memory_space<vmem>>
      %dma_wait3A_63 = arith.constant 0 : i32
      %dma_wait3A_64 = tpu.memref_slice %arg10[%dma_wait3A_63] : memref<10240xf32, #tpu.memory_space<vmem_shared>> -> memref<10240xf32, #tpu.memory_space<vmem_shared>>
      tpu.wait_indirect_dma semaphore(%arg8 : memref<!tpu.dma_semaphore, #tpu.memory_space<semaphore_mem>>) src(%arg6 : memref<128xf32, #tpu.memory_space<vmem>>) dst(%dma_wait3A_64 : memref<10240xf32, #tpu.memory_space<vmem_shared>>)
      %dma_wait3A_65 = arith.constant 0 : i32
      %dma_wait3A_66 = arith.constant 0 : i32
      %dma_wait3A_67 = tpu.memref_slice %arg5[%dma_wait3A_65, %dma_wait3A_66] : memref<79x128xi32, #tpu.memory_space<vmem>> -> memref<1x128xi32, #tpu.memory_space<vmem>>
      %dma_wait3A_68 = tpu.memref_squeeze %dma_wait3A_67 : memref<1x128xi32, #tpu.memory_space<vmem>> -> memref<128xi32, #tpu.memory_space<vmem>>
      %dma_wait3A_69 = arith.constant 0 : i32
      %dma_wait3A_70 = tpu.memref_slice %arg11[%dma_wait3A_69] : memref<10240xf32, #tpu.memory_space<vmem_shared>> -> memref<10240xf32, #tpu.memory_space<vmem_shared>>
      tpu.wait_indirect_dma semaphore(%arg9 : memref<!tpu.dma_semaphore, #tpu.memory_space<semaphore_mem>>) src(%arg6 : memref<128xf32, #tpu.memory_space<vmem>>) dst(%dma_wait3A_70 : memref<10240xf32, #tpu.memory_space<vmem_shared>>)
    } else {
    }
    %barrier3A_58 = arith.constant 0 : index
    tpu.barrier barrier_id(%barrier3A_58)
    %run_scoped3A = arith.constant 0 : i32
    "tpu.region"() ({
      %run_scoped3A_60 = tpu.sem_alloc : memref<!tpu.dma_semaphore, #tpu.memory_space<semaphore_mem>>
      %dma_start3A_61 = tpu.memref_slice %arg3[%run_scoped3A, %arg0, %mul3A_30] : memref<2x2x10240xf32, #tpu.memory_space<hbm>> -> memref<1x1x640xf32, #tpu.memory_space<hbm>>
      %dma_start3A_62 = tpu.memref_squeeze %dma_start3A_61 : memref<1x1x640xf32, #tpu.memory_space<hbm>> -> memref<640xf32, #tpu.memory_space<hbm>>
      %dma_start3A_63 = tpu.memref_slice %arg10[%mul3A_30] : memref<10240xf32, #tpu.memory_space<vmem_shared>> -> memref<640xf32, #tpu.memory_space<vmem_shared>>
      tpu.enqueue_dma source(%dma_start3A_63 : memref<640xf32, #tpu.memory_space<vmem_shared>>) target(%dma_start3A_62 : memref<640xf32, #tpu.memory_space<hbm>>) target_semaphore(%run_scoped3A_60 : memref<!tpu.dma_semaphore, #tpu.memory_space<semaphore_mem>>)
      %dma_wait3A = tpu.memref_slice %arg3[%run_scoped3A, %arg0, %mul3A_30] : memref<2x2x10240xf32, #tpu.memory_space<hbm>> -> memref<1x1x640xf32, #tpu.memory_space<hbm>>
      %dma_wait3A_64 = tpu.memref_squeeze %dma_wait3A : memref<1x1x640xf32, #tpu.memory_space<hbm>> -> memref<640xf32, #tpu.memory_space<hbm>>
      %dma_wait3A_65 = tpu.memref_slice %arg10[%mul3A_30] : memref<10240xf32, #tpu.memory_space<vmem_shared>> -> memref<640xf32, #tpu.memory_space<vmem_shared>>
      tpu.wait_dma2 semaphore(%run_scoped3A_60 : memref<!tpu.dma_semaphore, #tpu.memory_space<semaphore_mem>>) src(%dma_wait3A_65 : memref<640xf32, #tpu.memory_space<vmem_shared>>) dst(%dma_wait3A_64 : memref<640xf32, #tpu.memory_space<hbm>>)
      tpu.yield
    }) : () -> ()
    %run_scoped3A_59 = arith.constant 1 : i32
    "tpu.region"() ({
      %run_scoped3A_60 = tpu.sem_alloc : memref<!tpu.dma_semaphore, #tpu.memory_space<semaphore_mem>>
      %dma_start3A_61 = tpu.memref_slice %arg3[%run_scoped3A_59, %arg0, %mul3A_30] : memref<2x2x10240xf32, #tpu.memory_space<hbm>> -> memref<1x1x640xf32, #tpu.memory_space<hbm>>
      %dma_start3A_62 = tpu.memref_squeeze %dma_start3A_61 : memref<1x1x640xf32, #tpu.memory_space<hbm>> -> memref<640xf32, #tpu.memory_space<hbm>>
      %dma_start3A_63 = tpu.memref_slice %arg11[%mul3A_30] : memref<10240xf32, #tpu.memory_space<vmem_shared>> -> memref<640xf32, #tpu.memory_space<vmem_shared>>
      tpu.enqueue_dma source(%dma_start3A_63 : memref<640xf32, #tpu.memory_space<vmem_shared>>) target(%dma_start3A_62 : memref<640xf32, #tpu.memory_space<hbm>>) target_semaphore(%run_scoped3A_60 : memref<!tpu.dma_semaphore, #tpu.memory_space<semaphore_mem>>)
      %dma_wait3A = tpu.memref_slice %arg3[%run_scoped3A_59, %arg0, %mul3A_30] : memref<2x2x10240xf32, #tpu.memory_space<hbm>> -> memref<1x1x640xf32, #tpu.memory_space<hbm>>
      %dma_wait3A_64 = tpu.memref_squeeze %dma_wait3A : memref<1x1x640xf32, #tpu.memory_space<hbm>> -> memref<640xf32, #tpu.memory_space<hbm>>
      %dma_wait3A_65 = tpu.memref_slice %arg11[%mul3A_30] : memref<10240xf32, #tpu.memory_space<vmem_shared>> -> memref<640xf32, #tpu.memory_space<vmem_shared>>
      tpu.wait_dma2 semaphore(%run_scoped3A_60 : memref<!tpu.dma_semaphore, #tpu.memory_space<semaphore_mem>>) src(%dma_wait3A_65 : memref<640xf32, #tpu.memory_space<vmem_shared>>) dst(%dma_wait3A_64 : memref<640xf32, #tpu.memory_space<hbm>>)
      tpu.yield
    }) : () -> ()
    return
  }
}

module attributes {stable_mosaic.version = 14 : i64} {
  func.func @_scale1_body(%arg0: memref<10000x64xf32, #tpu.memory_space<vmem>>, %arg1: memref<2x2x10240xf32, #tpu.memory_space<vmem>>, %arg2: memref<10240x64xf32, #tpu.memory_space<vmem>>) attributes {dimension_semantics = [], scalar_prefetch = 0 : i64, scratch_operands = 0 : i64, tpu.core_type = #tpu.core_type<tc>} {
    %get3A = arith.constant 0 : index
    %get3A_0 = arith.constant 0 : index
    %get3A_1 = arith.constant 0 : index
    %get3A_2 = vector.load %arg1[%get3A, %get3A_0, %get3A_1] : memref<2x2x10240xf32, #tpu.memory_space<vmem>>, vector<1x1x10000xf32>
    %get3A_3 = vector.shape_cast %get3A_2 : vector<1x1x10000xf32> to vector<10000xf32>
    %get3A_4 = arith.constant 0 : index
    %get3A_5 = arith.constant 1 : index
    %get3A_6 = arith.constant 0 : index
    %get3A_7 = vector.load %arg1[%get3A_4, %get3A_5, %get3A_6] : memref<2x2x10240xf32, #tpu.memory_space<vmem>>, vector<1x1x10000xf32>
    %get3A_8 = vector.shape_cast %get3A_7 : vector<1x1x10000xf32> to vector<10000xf32>
    %add3A = arith.addf %get3A_3, %get3A_8 : vector<10000xf32>
    %max3A = arith.constant 1.000000e+00 : f32
    %max3A_9 = vector.broadcast %max3A : f32 to vector<10000xf32>
    %max3A_10 = arith.maximumf %add3A, %max3A_9 : vector<10000xf32>
    %rsqrt3A = math.rsqrt %max3A_10 : vector<10000xf32>
    %get3A_11 = arith.constant 0 : index
    %get3A_12 = arith.constant 0 : index
    %get3A_13 = vector.load %arg0[%get3A_11, %get3A_12] : memref<10000x64xf32, #tpu.memory_space<vmem>>, vector<10000x64xf32>
    %broadcast_in_dim3A = vector.shape_cast %rsqrt3A : vector<10000xf32> to vector<10000x1xf32>
    %mul3A = vector.broadcast %broadcast_in_dim3A : vector<10000x1xf32> to vector<10000x64xf32>
    %mul3A_14 = arith.mulf %get3A_13, %mul3A : vector<10000x64xf32>
    %broadcast_in_dim3A_15 = arith.constant 0.000000e+00 : f32
    %broadcast_in_dim3A_16 = vector.broadcast %broadcast_in_dim3A_15 : f32 to vector<240x64xf32>
    %concatenate3A = tpu.concatenate %mul3A_14, %broadcast_in_dim3A_16 in 0 : vector<10000x64xf32>, vector<240x64xf32> -> vector<10240x64xf32>
    %swap3A = arith.constant 0 : index
    %swap3A_17 = arith.constant 0 : index
    %swap3A_18 = vector.load %arg2[%swap3A, %swap3A_17] : memref<10240x64xf32, #tpu.memory_space<vmem>>, vector<10240x64xf32>
    tpu.vector_store %arg2[%swap3A, %swap3A_17], %concatenate3A {strides = array<i32>} : memref<10240x64xf32, #tpu.memory_space<vmem>>, vector<10240x64xf32>,
    return
  }
}

module attributes {stable_mosaic.version = 14 : i64} {
  func.func @_mm1_body(%arg0: memref<10000x128xf32, #tpu.memory_space<vmem>>, %arg1: memref<128x64xf32, #tpu.memory_space<vmem>>, %arg2: memref<10000x64xf32, #tpu.memory_space<vmem>>) attributes {dimension_semantics = [], scalar_prefetch = 0 : i64, scratch_operands = 0 : i64, tpu.core_type = #tpu.core_type<tc>} {
    %get3A = arith.constant 0 : index
    %get3A_0 = arith.constant 0 : index
    %get3A_1 = vector.load %arg0[%get3A, %get3A_0] : memref<10000x128xf32, #tpu.memory_space<vmem>>, vector<10000x128xf32>
    %get3A_2 = arith.constant 0 : index
    %get3A_3 = arith.constant 0 : index
    %get3A_4 = vector.load %arg1[%get3A_2, %get3A_3] : memref<128x64xf32, #tpu.memory_space<vmem>>, vector<128x64xf32>
    %dot_general3A = arith.constant dense<0.000000e+00> : vector<10000x64xf32>
    %dot_general3A_5 = tpu.matmul %get3A_1, %get3A_4, %dot_general3A {dimension_numbers = #tpu.dot_dimension_numbers<[1], [0], [0], [1], [0, 0, 1, 1], [], []>, transpose_lhs_hint = false} : vector<10000x128xf32>, vector<128x64xf32>, vector<10000x64xf32> -> vector<10000x64xf32>
    %swap3A = arith.constant 0 : index
    %swap3A_6 = arith.constant 0 : index
    %swap3A_7 = vector.load %arg2[%swap3A, %swap3A_6] : memref<10000x64xf32, #tpu.memory_space<vmem>>, vector<10000x64xf32>
    tpu.vector_store %arg2[%swap3A, %swap3A_6], %dot_general3A_5 {strides = array<i32>} : memref<10000x64xf32, #tpu.memory_space<vmem>>, vector<10000x64xf32>,
    return
  }
}

module attributes {stable_mosaic.version = 14 : i64} {
  func.func @_mid_body(%arg0: memref<2x10240x64xf32, #tpu.memory_space<vmem>>, %arg1: memref<2x2x10240xf32, #tpu.memory_space<vmem>>, %arg2: memref<1x64xf32, #tpu.memory_space<vmem>>, %arg3: memref<64x48xf32, #tpu.memory_space<vmem>>, %arg4: memref<10240x48xf32, #tpu.memory_space<vmem>>) attributes {dimension_semantics = [], scalar_prefetch = 0 : i64, scratch_operands = 0 : i64, tpu.core_type = #tpu.core_type<tc>} {
    %get3A = arith.constant 0 : index
    %get3A_0 = arith.constant 0 : index
    %get3A_1 = arith.constant 0 : index
    %get3A_2 = vector.load %arg0[%get3A, %get3A_0, %get3A_1] : memref<2x10240x64xf32, #tpu.memory_space<vmem>>, vector<1x10000x64xf32>
    %get3A_3 = vector.shape_cast %get3A_2 : vector<1x10000x64xf32> to vector<10000x64xf32>
    %get3A_4 = arith.constant 1 : index
    %get3A_5 = arith.constant 0 : index
    %get3A_6 = arith.constant 0 : index
    %get3A_7 = vector.load %arg0[%get3A_4, %get3A_5, %get3A_6] : memref<2x10240x64xf32, #tpu.memory_space<vmem>>, vector<1x10000x64xf32>
    %get3A_8 = vector.shape_cast %get3A_7 : vector<1x10000x64xf32> to vector<10000x64xf32>
    %add3A = arith.addf %get3A_3, %get3A_8 : vector<10000x64xf32>
    %get3A_9 = arith.constant 1 : index
    %get3A_10 = arith.constant 0 : index
    %get3A_11 = arith.constant 0 : index
    %get3A_12 = vector.load %arg1[%get3A_9, %get3A_10, %get3A_11] : memref<2x2x10240xf32, #tpu.memory_space<vmem>>, vector<1x1x10000xf32>
    %get3A_13 = vector.shape_cast %get3A_12 : vector<1x1x10000xf32> to vector<10000xf32>
    %get3A_14 = arith.constant 1 : index
    %get3A_15 = arith.constant 1 : index
    %get3A_16 = arith.constant 0 : index
    %get3A_17 = vector.load %arg1[%get3A_14, %get3A_15, %get3A_16] : memref<2x2x10240xf32, #tpu.memory_space<vmem>>, vector<1x1x10000xf32>
    %get3A_18 = vector.shape_cast %get3A_17 : vector<1x1x10000xf32> to vector<10000xf32>
    %add3A_19 = arith.addf %get3A_13, %get3A_18 : vector<10000xf32>
    %get3A_20 = arith.constant 0 : index
    %get3A_21 = arith.constant 0 : index
    %get3A_22 = arith.constant 0 : index
    %get3A_23 = vector.load %arg1[%get3A_20, %get3A_21, %get3A_22] : memref<2x2x10240xf32, #tpu.memory_space<vmem>>, vector<1x1x10000xf32>
    %get3A_24 = vector.shape_cast %get3A_23 : vector<1x1x10000xf32> to vector<10000xf32>
    %get3A_25 = arith.constant 0 : index
    %get3A_26 = arith.constant 1 : index
    %get3A_27 = arith.constant 0 : index
    %get3A_28 = vector.load %arg1[%get3A_25, %get3A_26, %get3A_27] : memref<2x2x10240xf32, #tpu.memory_space<vmem>>, vector<1x1x10000xf32>
    %get3A_29 = vector.shape_cast %get3A_28 : vector<1x1x10000xf32> to vector<10000xf32>
    %add3A_30 = arith.addf %get3A_24, %get3A_29 : vector<10000xf32>
    %max3A = arith.constant 1.000000e+00 : f32
    %max3A_31 = vector.broadcast %max3A : f32 to vector<10000xf32>
    %max3A_32 = arith.maximumf %add3A_19, %max3A_31 : vector<10000xf32>
    %rsqrt3A = math.rsqrt %max3A_32 : vector<10000xf32>
    %max3A_33 = arith.constant 1.000000e+00 : f32
    %max3A_34 = vector.broadcast %max3A_33 : f32 to vector<10000xf32>
    %max3A_35 = arith.maximumf %add3A_30, %max3A_34 : vector<10000xf32>
    %rsqrt3A_36 = math.rsqrt %max3A_35 : vector<10000xf32>
    %broadcast_in_dim3A = vector.shape_cast %rsqrt3A : vector<10000xf32> to vector<10000x1xf32>
    %mul3A = vector.broadcast %broadcast_in_dim3A : vector<10000x1xf32> to vector<10000x64xf32>
    %mul3A_37 = arith.mulf %add3A, %mul3A : vector<10000x64xf32>
    %get3A_38 = arith.constant 0 : index
    %get3A_39 = arith.constant 0 : index
    %get3A_40 = vector.load %arg2[%get3A_38, %get3A_39] : memref<1x64xf32, #tpu.memory_space<vmem>>, vector<1x64xf32>
    %get3A_41 = vector.shape_cast %get3A_40 : vector<1x64xf32> to vector<64xf32>
    %broadcast_in_dim3A_42 = vector.shape_cast %get3A_41 : vector<64xf32> to vector<1x64xf32>
    %add3A_43 = vector.broadcast %broadcast_in_dim3A_42 : vector<1x64xf32> to vector<10000x64xf32>
    %add3A_44 = arith.addf %mul3A_37, %add3A_43 : vector<10000x64xf32>
    %max3A_45 = arith.constant 0.000000e+00 : f32
    %max3A_46 = vector.broadcast %max3A_45 : f32 to vector<10000x64xf32>
    %max3A_47 = arith.maximumf %add3A_44, %max3A_46 : vector<10000x64xf32>
    %get3A_48 = arith.constant 0 : index
    %get3A_49 = arith.constant 0 : index
    %get3A_50 = vector.load %arg3[%get3A_48, %get3A_49] : memref<64x48xf32, #tpu.memory_space<vmem>>, vector<64x48xf32>
    %dot_general3A = arith.constant dense<0.000000e+00> : vector<10000x48xf32>
    %dot_general3A_51 = tpu.matmul %max3A_47, %get3A_50, %dot_general3A {dimension_numbers = #tpu.dot_dimension_numbers<[1], [0], [0], [1], [0, 0, 1, 1], [], []>, transpose_lhs_hint = false} : vector<10000x64xf32>, vector<64x48xf32>, vector<10000x48xf32> -> vector<10000x48xf32>
    %broadcast_in_dim3A_52 = vector.shape_cast %rsqrt3A_36 : vector<10000xf32> to vector<10000x1xf32>
    %mul3A_53 = vector.broadcast %broadcast_in_dim3A_52 : vector<10000x1xf32> to vector<10000x48xf32>
    %mul3A_54 = arith.mulf %dot_general3A_51, %mul3A_53 : vector<10000x48xf32>
    %broadcast_in_dim3A_55 = arith.constant 0.000000e+00 : f32
    %broadcast_in_dim3A_56 = vector.broadcast %broadcast_in_dim3A_55 : f32 to vector<240x48xf32>
    %concatenate3A = tpu.concatenate %mul3A_54, %broadcast_in_dim3A_56 in 0 : vector<10000x48xf32>, vector<240x48xf32> -> vector<10240x48xf32>
    %swap3A = arith.constant 0 : index
    %swap3A_57 = arith.constant 0 : index
    %swap3A_58 = vector.load %arg4[%swap3A, %swap3A_57] : memref<10240x48xf32, #tpu.memory_space<vmem>>, vector<10240x48xf32>
    tpu.vector_store %arg4[%swap3A, %swap3A_57], %concatenate3A {strides = array<i32>} : memref<10240x48xf32, #tpu.memory_space<vmem>>, vector<10240x48xf32>,
    return
  }
}

module attributes {stable_mosaic.version = 14 : i64} {
  func.func @_out_body(%arg0: memref<2x10240x48xf32, #tpu.memory_space<vmem>>, %arg1: memref<2x2x10240xf32, #tpu.memory_space<vmem>>, %arg2: memref<1x40xf32, #tpu.memory_space<vmem>>, %arg3: memref<10000x40xf32, #tpu.memory_space<vmem>>) attributes {dimension_semantics = [], scalar_prefetch = 0 : i64, scratch_operands = 0 : i64, tpu.core_type = #tpu.core_type<tc>} {
    %get3A = arith.constant 0 : index
    %get3A_0 = arith.constant 0 : index
    %get3A_1 = arith.constant 0 : index
    %get3A_2 = vector.load %arg0[%get3A, %get3A_0, %get3A_1] : memref<2x10240x48xf32, #tpu.memory_space<vmem>>, vector<1x10000x40xf32>
    %get3A_3 = vector.shape_cast %get3A_2 : vector<1x10000x40xf32> to vector<10000x40xf32>
    %get3A_4 = arith.constant 1 : index
    %get3A_5 = arith.constant 0 : index
    %get3A_6 = arith.constant 0 : index
    %get3A_7 = vector.load %arg0[%get3A_4, %get3A_5, %get3A_6] : memref<2x10240x48xf32, #tpu.memory_space<vmem>>, vector<1x10000x40xf32>
    %get3A_8 = vector.shape_cast %get3A_7 : vector<1x10000x40xf32> to vector<10000x40xf32>
    %add3A = arith.addf %get3A_3, %get3A_8 : vector<10000x40xf32>
    %get3A_9 = arith.constant 1 : index
    %get3A_10 = arith.constant 0 : index
    %get3A_11 = arith.constant 0 : index
    %get3A_12 = vector.load %arg1[%get3A_9, %get3A_10, %get3A_11] : memref<2x2x10240xf32, #tpu.memory_space<vmem>>, vector<1x1x10000xf32>
    %get3A_13 = vector.shape_cast %get3A_12 : vector<1x1x10000xf32> to vector<10000xf32>
    %get3A_14 = arith.constant 1 : index
    %get3A_15 = arith.constant 1 : index
    %get3A_16 = arith.constant 0 : index
    %get3A_17 = vector.load %arg1[%get3A_14, %get3A_15, %get3A_16] : memref<2x2x10240xf32, #tpu.memory_space<vmem>>, vector<1x1x10000xf32>
    %get3A_18 = vector.shape_cast %get3A_17 : vector<1x1x10000xf32> to vector<10000xf32>
    %add3A_19 = arith.addf %get3A_13, %get3A_18 : vector<10000xf32>
    %max3A = arith.constant 1.000000e+00 : f32
    %max3A_20 = vector.broadcast %max3A : f32 to vector<10000xf32>
    %max3A_21 = arith.maximumf %add3A_19, %max3A_20 : vector<10000xf32>
    %rsqrt3A = math.rsqrt %max3A_21 : vector<10000xf32>
    %broadcast_in_dim3A = vector.shape_cast %rsqrt3A : vector<10000xf32> to vector<10000x1xf32>
    %mul3A = vector.broadcast %broadcast_in_dim3A : vector<10000x1xf32> to vector<10000x40xf32>
    %mul3A_22 = arith.mulf %add3A, %mul3A : vector<10000x40xf32>
    %get3A_23 = arith.constant 0 : index
    %get3A_24 = arith.constant 0 : index
    %get3A_25 = vector.load %arg2[%get3A_23, %get3A_24] : memref<1x40xf32, #tpu.memory_space<vmem>>, vector<1x40xf32>
    %get3A_26 = vector.shape_cast %get3A_25 : vector<1x40xf32> to vector<40xf32>
    %broadcast_in_dim3A_27 = vector.shape_cast %get3A_26 : vector<40xf32> to vector<1x40xf32>
    %add3A_28 = vector.broadcast %broadcast_in_dim3A_27 : vector<1x40xf32> to vector<10000x40xf32>
    %add3A_29 = arith.addf %mul3A_22, %add3A_28 : vector<10000x40xf32>
    %swap3A = arith.constant 0 : index
    %swap3A_30 = arith.constant 0 : index
    %swap3A_31 = vector.load %arg3[%swap3A, %swap3A_30] : memref<10000x40xf32, #tpu.memory_space<vmem>>, vector<10000x40xf32>
    tpu.vector_store %arg3[%swap3A, %swap3A_30], %add3A_29 {strides = array<i32>} : memref<10000x40xf32, #tpu.memory_space<vmem>>, vector<10000x40xf32>,
    return
  }
}

</mosaic_0001>

<sc_bundles>
// kernel: kernel.12.cloned.1.call-start
scs
__scs_entry_jumppad:
0x0: {  	(pc) =	sbr.rel $0x88, $3  }
0x1: {  	(tag) =	ssettag $0x0;
	lr =	simm.s32 $0x1  }
0x2: {  	[smem:$0x3F9B] =	sst lr;
	_ =	strace $0xD0000000  }
0x3: {  	_ = 	snop  }
0x4: {  	_ = 	snop  }
0x5: {  	_ = 	snop  }
0x6: {  	_ = 	snop  }
0x7: {  	_ = 	snop  }
__scs_overlays_trampoline_lowered:
0x8: {  	[smem:$0x3FAA] =	sst s0  }
0x9: {  	[smem:$0x3FAB] =	sst s1  }
0xa: {  	[smem:$0x3FAC] =	sst s2  }
0xb: {  	[smem:$0x3FAD] =	sst s3  }
0xc: {  	[smem:$0x3FAE] =	sst s4  }
0xd: {  	[smem:$0x3FAF] =	sst s5  }
0xe: {  	[smem:$0x3FB0] =	sst s6  }
0xf: {  	[smem:$0x3FB1] =	sst s7  }
0x10: {  	[smem:$0x3FB2] =	sst s8  }
0x11: {  	[smem:$0x3FB3] =	sst s9;
	s0 =	simm.s32 @!p0 $0x0  }
0x12: {  	s1 =	sld [smem:$0x3F99];
	s0 =	simm.s32 @p0 $0x1  }
0x13: {  	[smem:$0x3FB4] =	sst s0;
	s0 =	simm.s32 @!p1 $0x0  }
0x14: {  	s2 =	sld [smem:$0x3F98];
	s0 =	simm.s32 @p1 $0x1  }
0x15: {  	[smem:$0x3FB5] =	sst s0;
	s0 =	simm.s32 @!p2 $0x0  }
0x16: {  	s3 =	sld [smem:$0x3FDB];
	s0 =	simm.s32 @p2 $0x1  }
0x17: {  	s4 =	simm.s32 $0x1BF5;
	[smem:$0x3FB7] =	sst s0  }
0x18: {  	s0 =	sld [smem:$0x3F9A];
	_ =	swait.ge [sflag:s4], $0x0  }
0x19: {  	s7 =	sld [smem:$0x3F9B]  }
0x1a: {  	s8 =	sadd.s32 $0xFFFFE003, lr  }
0x1b: {  	s9 =	sadd.s32 $0xFFFFFEF7, lr;
	s5 =	simm.s32 $0xFFFFFFFF;
	p2 =	slt.u32 s8, $0xFFFFF086  }
0x1c: {  	p1 =	slt.u32 s9, $0xF7A;
	s5 =	simm.s32 @!p2 $0x0  }
0x1d: {  	s5 =	simm.s32 @p1 $0x1;
	p0 =	seq.s32 s7, s2  }
0x1e: {  	s7 =	smul.u32 @!p0 $0xF7A, s2;
	p2 =	seq.s32 @!p0 s5, $0x0  }
0x1f: {  	s9 =	smul.u32 $0xF7A, s1;
	s8 =	simm.s32 @!p0 $0x1BF5;
	p2 =	por !p2, p0  }
0x20: {  	[sflag:s8] =	ssyncset.s32 @!p0 $0xFFFFF086;
	s6 =	sadd.s32 @!p0 s3, s7;
	s7 =	simm.s32 @!p0 $0x108  }
0x21: {  	s3 =	sadd.s32 s3, s9;
	s6 =	sadd.s32 @!p0 $0x88, s6;
	s7 =	simm.s32 @p2 $0x1082  }
0x22: {  	[simem:s7], [sflag:s8] =	dma.local @!p0 [hbm:s6], $0xF7A  }
0x23: {  	s9 =	sor.u32 $0xD0000000, s2;
	s6 =	simm.s32 $0x108;
	_ =	swait.ge @!p0 [sflag:s8], $0x0  }
0x24: {  	s3 =	sadd.s32 $0x88, s3;
	s6 =	simm.s32 @!p1 $0x1082;
	[sflag:s4] =	ssyncset.s32 $0xFFFFF086  }
0x25: {  	[simem:s6], [sflag:s4] =	dma.local [hbm:s3], $0xF7A  }
0x26: {  	[smem:$0x3F9B] =	sst s1;
	(tag) =	ssettag s2;
	_ =	strace s9  }
0x27: {  	s1 =	sld [smem:$0x3FAB]  }
0x28: {  	s2 =	sld [smem:$0x3FAC]  }
0x29: {  	s4 =	sld [smem:$0x3FAE]  }
0x2a: {  	p0 =	seq.s32 s5, $0x0;
	s5 =	sld [smem:$0x3FAF]  }
0x2b: {  	s6 =	sld [smem:$0x3FB0]  }
0x2c: {  	s7 =	sld [smem:$0x3FB1]  }
0x2d: {  	s3 =	simm.s32 $0x108;
	s8 =	sld [smem:$0x3FB2]  }
0x2e: {  	s3 =	simm.s32 @!p0 $0x1082;
	s9 =	sld [smem:$0x3FB3]  }
0x2f: {  	lr =	sadd.s32 s0, s3;
	s0 =	sld [smem:$0x3FAA]  }
0x30: {  	s3 =	sld [smem:$0x3FAD]  }
0x31: {  	[smem:$0x3FB6] =	sst s10  }
0x32: {  	s10 =	sld [smem:$0x3FB4];
	_ =	sdelay $0x3  }
0x33: {  	p0 =	seq.s32 s10, $0x1;
	s10 =	sld [smem:$0x3FB6];
	_ =	sdelay $0x3  }
0x34: {  	[smem:$0x3FB6] =	sst s10  }
0x35: {  	s10 =	sld [smem:$0x3FB5];
	_ =	sdelay $0x3  }
0x36: {  	p1 =	seq.s32 s10, $0x1;
	s10 =	sld [smem:$0x3FB6];
	_ =	sdelay $0x3  }
0x37: {  	[smem:$0x3FB6] =	sst s10  }
0x38: {  	s10 =	sld [smem:$0x3FB7]  }
0x39: {  	_ = 	snop;
	(pc) =	sbr.ind lr, $3  }
0x3a: {  	_ = 	snop  }
0x3b: {  	_ = 	snop  }
0x3c: {  	p2 =	seq.s32 s10, $0x1;
	s10 =	sld [smem:$0x3FB6]  }
0x3d: {  	_ =	shalt  }
0x3e: {  	_ =	shalt  }
0x3f: {  	_ =	shalt  }
0x40: {  	_ =	shalt  }
0x41: {  	_ =	shalt  }
0x42: {  	_ =	shalt  }
0x43: {  	_ =	shalt  }
0x44: {  	_ =	shalt  }
0x45: {  	_ =	shalt  }
0x46: {  	_ =	shalt  }
0x47: {  	_ =	shalt  }
0x48: {  	_ =	shalt  }
0x49: {  	_ =	shalt  }
0x4a: {  	_ =	shalt  }
0x4b: {  	_ =	shalt  }
0x4c: {  	_ =	shalt  }
0x4d: {  	_ =	shalt  }
0x4e: {  	_ =	shalt  }
0x4f: {  	_ =	shalt  }
0x50: {  	_ =	shalt  }
0x51: {  	_ =	shalt  }
0x52: {  	_ =	shalt  }
0x53: {  	_ =	shalt  }
0x54: {  	_ =	shalt  }
0x55: {  	_ =	shalt  }
0x56: {  	_ =	shalt  }
0x57: {  	_ =	shalt  }
0x58: {  	_ =	shalt  }
0x59: {  	_ =	shalt  }
0x5a: {  	_ =	shalt  }
0x5b: {  	_ =	shalt  }
0x5c: {  	_ =	shalt  }
0x5d: {  	_ =	shalt  }
0x5e: {  	_ =	shalt  }
0x5f: {  	_ =	shalt  }
0x60: {  	_ =	shalt  }
0x61: {  	_ =	shalt  }
0x62: {  	_ =	shalt  }
0x63: {  	_ =	shalt  }
0x64: {  	_ =	shalt  }
0x65: {  	_ =	shalt  }
0x66: {  	_ =	shalt  }
0x67: {  	_ =	shalt  }
0x68: {  	_ =	shalt  }
0x69: {  	_ =	shalt  }
0x6a: {  	_ =	shalt  }
0x6b: {  	_ =	shalt  }
0x6c: {  	_ =	shalt  }
0x6d: {  	_ =	shalt  }
0x6e: {  	_ =	shalt  }
0x6f: {  	_ =	shalt  }
0x70: {  	_ =	shalt  }
0x71: {  	_ =	shalt  }
0x72: {  	_ =	shalt  }
0x73: {  	_ =	shalt  }
0x74: {  	_ =	shalt  }
0x75: {  	_ =	shalt  }
0x76: {  	_ =	shalt  }
0x77: {  	_ =	shalt  }
0x78: {  	_ =	shalt  }
0x79: {  	_ =	shalt  }
0x7a: {  	_ =	shalt  }
0x7b: {  	_ =	shalt  }
0x7c: {  	_ =	shalt  }
0x7d: {  	_ =	shalt  }
0x7e: {  	_ =	shalt  }
0x7f: {  	_ =	shalt  }
0x80: {  	_ =	shalt  }
0x81: {  	_ =	shalt  }
0x82: {  	_ =	shalt  }
0x83: {  	_ =	shalt  }
0x84: {  	_ =	shalt  }
0x85: {  	_ =	shalt  }
0x86: {  	_ =	shalt  }
0x87: {  	_ =	shalt  }
.Lfunc_end0:
.L_simem_size_0:
called_computation.1_lowered:
.L_overlay_start_0:
0x88: {  	s2 =	sld [smem:$0x3FD9]  }
0x89: {  	s3 =	sld [smem:$0x3FFE];
	_ =	sdelay $0x1  }
0x8a: {  	s1 =	srdreg.scid  }
0x8b: {  	s0 =	sand.u32 $0x1, s1  }
0x8c: {  	s16 =	sshll.u32 s0, $0xA;
	s2 =	sadd.s32 s3, s2  }
0x8d: {  	s2 =	sadd.s32 s2, s16  }
0x8e: {  	[smem:$0x3FC2] =	sst s2  }
0x8f: {  	_ = 	snop  }
0x90: {  	(tm) =	ssettm $0x1  }
0x91: {  	s17 =	sld [smem:$0x3FFB];
	_ =	sdelay $0x3  }
0x92: {  	_ =	strace s17  }
0x93: {  	s2 =	sld [smem:$0x3FFC];
	_ =	sdelay $0x3  }
0x94: {  	_ =	strace s2  }
0x95: {  	s2 =	sld [smem:$0x3FFD];
	_ =	sdelay $0x3  }
0x96: {  	_ =	strace s2  }
0x97: {  	_ =	strace $0x8FFFFFFF  }
0x98: {  	s18 =	sld [smem:$0x3FDB];
	_ =	sdelay $0x1  }
0x99: {  	s19 =	simm.s32 $_scs_section_size  }
0x9a: {  	s4 =	simm.s32 $_size__tile_overlayer_lowered;
	s5 =	simm.s32 $_tile_overlayer_lowered  }
0x9b: {  	s22 =	simm.s32 $0x1BFF;
	s21 =	sshll.u32 s5, $0x1;
	s2 =	sadd.s32 s19, s18  }
0x9c: {  	s6 =	simm.s32 $0x0;
	s20 =	sshll.u32 s4, $0x1;
	s4 =	sadd.s32 s21, s2  }
0x9d: {  	[timem:s6], [sflag:s22] =	dma.local [hbm:s4], s20  }
0x9e: {  	_ =	swait.ge [sflag:s22], s20  }
0x9f: {  	s3 =	ssub.s32 $0x0, s20;
	[sflag:s22] =	ssyncset.done $0x0  }
0xa0: {  	[sflag:s22] =	ssyncadd.s32 s3;
	_ =	sdelay $0x1  }
0xa1: {  	s23 =	simm.s32 $0x1B8B  }
0xa2: {  	_ =	swait.ge [sflag:s23], $0x1  }
0xa3: {  	[sflag:s23] =	ssyncset.done $0x0  }
0xa4: {  	s25 =	simm.s32 $0x1B8E;
	s24 =	sld [smem:$0x3FFE];
	[sflag:s23] =	ssyncadd.s32 $0xFFFFFFFF  }
0xa5: {  	s26 =	simm.s32 $execute0_lowered;
	[smem:$0x3FD2] =	sst s25  }
0xa6: {  	s4 =	sshll.u32 s26, $0x1;
	_ =	strace $0x80000049;
	[dreg:$0x1] =	wrdreg $0xFFFFFFFF  }
0xa7: {  	s28 =	simm.s32 $_size_execute0_lowered;
	s2 =	sadd.s32 s2, s4;
	[dreg:$0x0] =	wrdreg $0x0  }
0xa8: {  	s4 =	sshll.u32 s28, $0x1;
	[dreg:$0x2] =	wrdreg s2  }
0xa9: {  	[dreg:$0x3] =	wrdreg s4  }
0xaa: {  	[dreg:$0x4] =	wrdreg $0xC0  }
0xab: {  	_ =	task [dreg:s6], $0x5FFFF  }
0xac: {  	[dreg:$0x1] =	wrdreg $0xFFFFFFFF  }
0xad: {  	[dreg:$0x0] =	wrdreg $0x60  }
0xae: {  	[dreg:$0x2] =	wrdreg s24  }
0xaf: {  	[dreg:$0x3] =	wrdreg $0x150000  }
0xb0: {  	[dreg:$0x4] =	wrdreg $0x9  }
0xb1: {  	_ =	task.clear_ibuf [dreg:s6], $0x5FFFF;
	_ =	strace $0x90000049  }
0xb2: {  	s29 =	simm.s32 $0x9;
	_ =	strace $0x8000004B  }
0xb3: {  	_ =	swait.ge [sflag:s29], $0x1  }
0xb4: {  	[sflag:s29] =	ssyncadd.s32 $0xFFFFFFFF  }
0xb5: {  	_ =	strace $0x9000004B  }
0xb6: {  	_ =	sfence  }
0xb7: {  	s30 =	sld [smem:$0x0];
	_ =	sdelay $0x2  }
0xb8: {  	s31 =	sshll.u32 s1, $0xD;
	s1 =	sshrl.u32 s1, $0x2  }
0xb9: {  	s3 =	sand.u32 $0x4000, s31;
	s1 =	sadd.s32 s1, s30  }
0xba: {  	s0 =	sor.u32 s3, s0;
	s1 =	sshll.u32 s1, $0x11  }
0xbb: {  	s0 =	sor.u32 s1, s0  }
0xbc: {  	s0 =	sadd.s32 $0x8F2B, s0  }
0xbd: {  	[sflag:s0] =	ssyncadd.remote.s32 $0x1  }
0xbe: {  	_ =	sfence.sel $0xFFFF  }
0xbf: {  	[dreg:$0x0] =	wrdreg $0xFFFFFFFF;
	(pc) =	sbr.abs _section_cstart, $3  }
0xc0: {  	[dreg:$0x1] =	wrdreg $0xFFFFFFFF  }
0xc1: {  	_ =	task.clear_ibuf [dreg:s6], $0x2FFFF;
	_ =	strace $0x9FFFFFFF  }
0xc2: {  	(tm) =	ssettm $0x7FFFFFFF  }
0xc3: {  	_ =	shalt  }
tec
execute0_lowered:
.L_overlay_start_1:
0x0: {  	(tag) =	ssettag $0x1  }
0x1: {  	s0 =	srdreg.scid;
	s3 =	rddreg [dreg:$0x0]  }
0x2: {  	s7 =	stileid.u32;
	s2 =	rddreg [dreg:$0x1];
	s4 =	simm.s32 $0x0  }
0x3: {  	s15 =	simm.s32 $0x5000;
	s16 =	simm.s32 $0xA;
	s17 =	simm.s32 $0x9  }
0x4: {  	s18 =	simm.s32 $0x80;
	s21 =	simm.s32 $0x9000;
	s30 =	simm.s32 $0x11000  }
0x5: {  	s14 =	simm.s32 $0x3;
	s19 =	simm.s32 $0x5;
	s20 =	simm.s32 $0x7  }
0x6: {  	s22 =	simm.s32 $0x8;
	s23 =	simm.s32 $0x0;
	s0 =	sand.u32 $0x1, s0  }
0x7: {  	s1 =	sshll.u32 s7, $0x1;
	s5 =	smul.u32 $0xA000, s7;
	[smem:$0x7FF] =	sst s4  }
0x8: {  	s4 =	sadd.s32 $0x16000, s3;
	s7 =	smul.u32 $0x28000, s7;
	s1 =	sor.u32 s0, s1  }
0x9: {  	s6 =	smul.u32 $0xA0000, s0;
	_ =	strace $0x8000004A;
	s0 =	ssub.s32 $0x2, s0  }
0xa: {  	s1 =	smul.u32 $0x2800, s1;
	s24 =	sshrl.u32 s0, $0x1;
	s26 =	sshrl.u32 s7, $0x2  }
0xb: {  	s7 =	sadd.s32 s5, s2;
	s6 =	sadd.s32 s5, s6;
	s0 =	ssub.s32 s0, s24  }
0xc: {  	s28 =	sadd.s32 s26, s2;
	s1 =	sshrl.u32 s1, $0x3;
	s6 =	sshrl.u32 s6, $0x3  }
0xd: {  	s29 =	sadd.s32 $0x2000, s28;
	s31 =	sadd.s32 $0x4000, s28;
	s10 =	sadd.s32 $0x6000, s28  }
.Ltmp0:
0xe: {  	s11 =	sadd.s32 $0x8000, s28;
	s13 =	smax.u32 s0, $0x1;
	(pc) =	sbr.rel .LBB2_1-.Ltmp0, $4  }
0xf: {  	s0 =	simm.s32 $0x1;
	s1 =	sadd.s32 s1, s3;
	[dreg:$0x5] =	wrdreg s29  }
0x10: {  	s3 =	sadd.s32 s6, s3;
	[dreg:$0x6] =	wrdreg s31;
	s25 =	sadd.s32 $0x2000, s1  }
0x11: {  	s1 =	sadd.s32 $0xC000, s1;
	s12 =	sadd.s32 $0x2A000, s3;
	[dreg:$0x3] =	wrdreg s25  }
0x12: {  	v0 =	vimm.f32 $0.0e+00;
	[dreg:$0x4] =	wrdreg s1;
	s25 =	simm.s32 $0xD000;
	s1 =	simm.s32 $0x13000  }
.LBB2_6:
0x13: {  	_ =	swait.ge [sflag:s22], $0x2000  }
0x14: {  	[sflag:s22] =	ssyncset.done $0x0  }
0x15: {  	[sflag:s22] =	ssyncadd.s32 $0xFFFFE000  }
0x16: {  	[spmem:s2] =	stream.indirect.scatter.add.f32 [tilespmem:s1], [sflag:$0xA], $0x40, s3, s18, $0xb8;
	[tilespmem:$0x1F000] =	vst v63  }
0x17: {  	s31 =	stileid.u32;
	_ =	swait.ge [sflag:s16], $0x2000  }
0x18: {  	s5 =	sshrl.u32 s7, $0x3;
	s23 =	sadd.s32 $0x1, s23;
	[sflag:s16] =	ssyncset.done $0x0  }
0x19: {  	p0 =	sne.s32 s23, s13;
	s3 =	sshll.u32 s31, $0x6;
	[sflag:s16] =	ssyncadd.s32 $0xFFFFE000  }
.Ltmp1:
0x1a: {  	s3 =	sor.u32 $0x1C0A, s3;
	[bflag:$0x0] =	sbarrier.arrive $0xFFFF;
	(pc) =	sbr.rel @!p0 .LBB2_7-.Ltmp1, $4  }
0x1b: {  	[hbm:s12], [sflag:s3] =	dma.local [spmem:s5], $0x1400  }
0x1c: {  	_ =	swait.ge [sflag:s16], $0x1400  }
0x1d: {  	[sflag:s16] =	ssyncset.done $0x0  }
0x1e: {  	[sflag:s16] =	ssyncadd.s32 $0xFFFFEC00  }
.LBB2_1:
0x1f: {  	s3 =	simm.s32 $0x0;
	s5 =	rddreg [dreg:$0x3]  }
0x20: {  	[tilespmem:s3], [sflag:$0x9] =	stream.linear.gather [hbm4b:s5+s3], $0x2800, $0x38;
	[tilespmem:$0x1F000] =	vst v63  }
0x21: {  	s31 =	rddreg [dreg:$0x4];
	s6 =	simm.s32 $0x2800  }
0x22: {  	[tilespmem:s6], [sflag:$0x9] =	stream.linear.gather [hbm4b:s31+s3], $0x2800, $0x38;
	[tilespmem:$0x1F000] =	vst v63  }
0x23: {  	s5 =	simm.s32 $0x100;
	s3 =	simm.s32 $0x0  }
.LBB2_2:
0x24: {  	p0 =	sne.s32 s5, $0x7F00;
	[tilespmem:s3+$0x5030] =	vst v0;
	s6 =	smov.u32 s5;
	s5 =	sadd.s32 $0x100, s5  }
.Ltmp2:
0x25: {  	[tilespmem:s3+$0x5020] =	vst v0;
	(pc) =	sbr.rel @p0 .LBB2_2-.Ltmp2, $3  }
0x26: {  	[tilespmem:s3+$0x5000] =	vst v0  }
0x27: {  	[tilespmem:s3+$0x5010] =	vst v0;
	_ =	sdelay $0x1  }
0x28: {  	s3 =	sshra.s32 s6, $0x2  }
0x29: {  	[tilespmem:s3+$0x5030] =	vst v0  }
0x2a: {  	[tilespmem:s3+$0x5020] =	vst v0  }
0x2b: {  	[tilespmem:s3+$0x5000] =	vst v0  }
0x2c: {  	[tilespmem:s3+$0x5010] =	vst v0  }
0x2d: {  	[spmem:s7] =	stream.linear.scatter [tilespmem:s15], [sflag:$0xA], $0x2000, $0x38;
	[tilespmem:$0x1F000] =	vst v63  }
0x2e: {  	_ =	swait.ge [sflag:s16], $0x2000  }
0x2f: {  	[sflag:s16] =	ssyncset.done $0x0  }
0x30: {  	s29 =	rddreg [dreg:$0x5];
	[sflag:s16] =	ssyncadd.s32 $0xFFFFE000  }
0x31: {  	[spmem:s29] =	stream.linear.scatter [tilespmem:s15], [sflag:$0xA], $0x2000, $0x38;
	[tilespmem:$0x1F000] =	vst v63  }
0x32: {  	_ =	swait.ge [sflag:s16], $0x2000  }
0x33: {  	[sflag:s16] =	ssyncset.done $0x0  }
0x34: {  	s31 =	rddreg [dreg:$0x6];
	[sflag:s16] =	ssyncadd.s32 $0xFFFFE000  }
0x35: {  	[spmem:s31] =	stream.linear.scatter [tilespmem:s15], [sflag:$0xA], $0x2000, $0x38;
	[tilespmem:$0x1F000] =	vst v63  }
0x36: {  	_ =	swait.ge [sflag:s16], $0x2000  }
0x37: {  	[sflag:s16] =	ssyncset.done $0x0  }
0x38: {  	[sflag:s16] =	ssyncadd.s32 $0xFFFFE000  }
0x39: {  	[spmem:s10] =	stream.linear.scatter [tilespmem:s15], [sflag:$0xA], $0x2000, $0x38;
	[tilespmem:$0x1F000] =	vst v63  }
0x3a: {  	_ =	swait.ge [sflag:s16], $0x2000  }
0x3b: {  	[sflag:s16] =	ssyncset.done $0x0  }
0x3c: {  	[sflag:s16] =	ssyncadd.s32 $0xFFFFE000  }
0x3d: {  	[spmem:s11] =	stream.linear.scatter [tilespmem:s15], [sflag:$0xA], $0x2000, $0x38;
	[tilespmem:$0x1F000] =	vst v63  }
0x3e: {  	_ =	swait.ge [sflag:s16], $0x2000  }
0x3f: {  	[sflag:s16] =	ssyncset.done $0x0  }
0x40: {  	[sflag:s16] =	ssyncadd.s32 $0xFFFFE000  }
0x41: {  	_ =	swait.ge [sflag:s17], $0x2800  }
0x42: {  	[sflag:s17] =	ssyncset.done $0x0  }
0x43: {  	[sflag:s17] =	ssyncadd.s32 $0xFFFFD800  }
0x44: {  	_ =	swait.ge [sflag:s17], $0x2800  }
0x45: {  	[sflag:s17] =	ssyncset.done $0x0  }
0x46: {  	[sflag:s17] =	ssyncadd.s32 $0xFFFFD800  }
0x47: {  	s24 =	simm.s32 $0x0;
	[bflag:$0x0] =	sbarrier.arrive $0xFFFF  }
0x48: {  	[tilespmem:s15], [sflag:$0x1] =	stream.indirect.gather [hbm4b:s4+s18], $0x40, s24, s18, $0xb8;
	[tilespmem:$0x1F000] =	vst v63  }
0x49: {  	s5 =	simm.s32 $0x7000  }
0x4a: {  	[tilespmem:s5], [sflag:$0x2] =	stream.indirect.gather [hbm4b:s4+s18], $0x40, s18, s18, $0xb8;
	[tilespmem:$0x1F000] =	vst v63  }
0x4b: {  	s6 =	simm.s32 $0x100  }
0x4c: {  	[tilespmem:s21], [sflag:$0x3] =	stream.indirect.gather [hbm4b:s4+s18], $0x40, s6, s18, $0xb8;
	[tilespmem:$0x1F000] =	vst v63  }
0x4d: {  	s8 =	simm.s32 $0x180;
	s5 =	simm.s32 $0xB000  }
0x4e: {  	[tilespmem:s5], [sflag:$0x4] =	stream.indirect.gather [hbm4b:s4+s18], $0x40, s8, s18, $0xb8;
	[tilespmem:$0x1F000] =	vst v63  }
0x4f: {  	s9 =	simm.s32 $0x200  }
0x50: {  	[tilespmem:s25], [sflag:$0x5] =	stream.indirect.gather [hbm4b:s4+s18], $0x40, s9, s18, $0xb8;
	[tilespmem:$0x1F000] =	vst v63  }
0x51: {  	s26 =	simm.s32 $0x280;
	s28 =	simm.s32 $0xF000  }
0x52: {  	[tilespmem:s28], [sflag:$0x6] =	stream.indirect.gather [hbm4b:s4+s18], $0x40, s26, s18, $0xb8;
	[tilespmem:$0x1F000] =	vst v63  }
0x53: {  	s29 =	simm.s32 $0x300  }
0x54: {  	[tilespmem:s30], [sflag:$0x7] =	stream.indirect.gather [hbm4b:s4+s18], $0x40, s29, s18, $0xb8;
	[tilespmem:$0x1F000] =	vst v63  }
0x55: {  	s31 =	simm.s32 $0x380  }
0x56: {  	[tilespmem:s1], [sflag:$0x8] =	stream.indirect.gather [hbm4b:s4+s18], $0x40, s31, s18, $0xb8;
	[tilespmem:$0x1F000] =	vst v63  }
.LBB2_4:
0x57: {  	_ =	swait.ge [sflag:s0], $0x2000  }
0x58: {  	s26 =	sshra.s32 s24, $0x2;
	[sflag:s0] =	ssyncset.done $0x0  }
0x59: {  	s3 =	sadd.s32 $0x2800, s26;
	[sflag:s0] =	ssyncadd.s32 $0xFFFFE000  }
0x5a: {  	[spmem:s2] =	stream.indirect.scatter.add.f32 [tilespmem:s15], [sflag:$0xA], $0x40, s3, s18, $0xb8;
	[tilespmem:$0x1F000] =	vst v63  }
0x5b: {  	_ =	swait.ge [sflag:s16], $0x2000  }
0x5c: {  	p0 =	seq.s32 s24, $0x9000;
	[sflag:s16] =	ssyncset.done $0x0  }
0x5d: {  	s3 =	simm.s32 @p0 $0x2;
	[sflag:s16] =	ssyncadd.s32 $0xFFFFE000  }
0x5e: {  	_ =	swait.ge @p0 [sflag:s3], $0x2000  }
0x5f: {  	s31 =	sshra.s32 @p0 s24, $0x2;
	s6 =	simm.s32 @p0 $0x7000;
	[sflag:s3] =	ssyncset.done @p0 $0x0  }
0x60: {  	s5 =	sadd.s32 @p0 $0x2880, s31;
	[sflag:s3] =	ssyncadd.s32 @p0 $0xFFFFE000;
	s3 =	simm.s32 @p0 $0x80  }
0x61: {  	[spmem:s2] =	stream.indirect.scatter.add.f32 @p0 [tilespmem:s6], [sflag:$0xA], $0x40, s5, s3, $0xb8;
	[tilespmem:$0x1F000] =	vst v63  }
0x62: {  	s5 =	simm.s32 @p0 $0xA  }
0x63: {  	_ =	swait.ge @p0 [sflag:s5], $0x2000  }
0x64: {  	s28 =	sshra.s32 @!p0 s24, $0x2;
	s29 =	simm.s32 @!p0 $0x80;
	[sflag:s5] =	ssyncset.done @p0 $0x0  }
0x65: {  	s8 =	simm.s32 @!p0 $0x5000;
	s6 =	sadd.s32 @!p0 $0x400, s28;
	[sflag:s5] =	ssyncadd.s32 @p0 $0xFFFFE000  }
0x66: {  	[tilespmem:s8], [sflag:$0x1] =	stream.indirect.gather @!p0 [hbm4b:s4+s29], $0x40, s6, s29, $0xb8;
	[tilespmem:$0x1F000] =	vst v63  }
0x67: {  	s6 =	simm.s32 @!p0 $0x2  }
0x68: {  	_ =	swait.ge @!p0 [sflag:s6], $0x2000  }
0x69: {  	[sflag:s6] =	ssyncset.done @!p0 $0x0  }
0x6a: {  	s8 =	simm.s32 @!p0 $0x7000;
	[sflag:s6] =	ssyncadd.s32 @!p0 $0xFFFFE000;
	s6 =	sadd.s32 @!p0 $0x2880, s28  }
0x6b: {  	[spmem:s2] =	stream.indirect.scatter.add.f32 @!p0 [tilespmem:s8], [sflag:$0xA], $0x40, s6, s29, $0xb8;
	[tilespmem:$0x1F000] =	vst v63  }
0x6c: {  	s6 =	simm.s32 @!p0 $0xA  }
0x6d: {  	_ =	swait.ge @!p0 [sflag:s6], $0x2000  }
0x6e: {  	[sflag:s6] =	ssyncset.done @!p0 $0x0  }
0x6f: {  	s9 =	sadd.s32 @!p0 $0x480, s28;
	[sflag:s6] =	ssyncadd.s32 @!p0 $0xFFFFE000  }
0x70: {  	[tilespmem:s8], [sflag:$0x2] =	stream.indirect.gather @!p0 [hbm4b:s4+s29], $0x40, s9, s29, $0xb8;
	[tilespmem:$0x1F000] =	vst v63  }
0x71: {  	_ =	swait.ge [sflag:s14], $0x2000  }
0x72: {  	[sflag:s14] =	ssyncset.done $0x0  }
0x73: {  	s9 =	sadd.s32 $0x2900, s26;
	[sflag:s14] =	ssyncadd.s32 $0xFFFFE000  }
0x74: {  	[spmem:s2] =	stream.indirect.scatter.add.f32 [tilespmem:s21], [sflag:$0xA], $0x40, s9, s18, $0xb8;
	[tilespmem:$0x1F000] =	vst v63  }
0x75: {  	_ =	swait.ge [sflag:s16], $0x2000  }
0x76: {  	[sflag:s16] =	ssyncset.done $0x0  }
0x77: {  	s8 =	simm.s32 @p0 $0x4;
	[sflag:s16] =	ssyncadd.s32 $0xFFFFE000  }
0x78: {  	_ =	swait.ge @p0 [sflag:s8], $0x2000  }
0x79: {  	[sflag:s8] =	ssyncset.done @p0 $0x0  }
0x7a: {  	s9 =	simm.s32 @p0 $0xB000;
	[sflag:s8] =	ssyncadd.s32 @p0 $0xFFFFE000;
	s8 =	sadd.s32 @p0 $0x2980, s31  }
0x7b: {  	[spmem:s2] =	stream.indirect.scatter.add.f32 @p0 [tilespmem:s9], [sflag:$0xA], $0x40, s8, s3, $0xb8;
	[tilespmem:$0x1F000] =	vst v63  }
0x7c: {  	_ =	swait.ge @p0 [sflag:s5], $0x2000  }
0x7d: {  	[sflag:s5] =	ssyncset.done @p0 $0x0  }
0x7e: {  	s8 =	sadd.s32 @!p0 $0x500, s28;
	s9 =	simm.s32 @!p0 $0x9000;
	[sflag:s5] =	ssyncadd.s32 @p0 $0xFFFFE000  }
0x7f: {  	[tilespmem:s9], [sflag:$0x3] =	stream.indirect.gather @!p0 [hbm4b:s4+s29], $0x40, s8, s29, $0xb8;
	[tilespmem:$0x1F000] =	vst v63  }
0x80: {  	s8 =	simm.s32 @!p0 $0x4  }
0x81: {  	_ =	swait.ge @!p0 [sflag:s8], $0x2000  }
0x82: {  	[sflag:s8] =	ssyncset.done @!p0 $0x0  }
0x83: {  	s9 =	simm.s32 @!p0 $0xB000;
	[sflag:s8] =	ssyncadd.s32 @!p0 $0xFFFFE000;
	s8 =	sadd.s32 @!p0 $0x2980, s28  }
0x84: {  	[spmem:s2] =	stream.indirect.scatter.add.f32 @!p0 [tilespmem:s9], [sflag:$0xA], $0x40, s8, s29, $0xb8;
	[tilespmem:$0x1F000] =	vst v63  }
0x85: {  	_ =	swait.ge @!p0 [sflag:s6], $0x2000  }
0x86: {  	[sflag:s6] =	ssyncset.done @!p0 $0x0  }
0x87: {  	s8 =	sadd.s32 @!p0 $0x580, s28;
	[sflag:s6] =	ssyncadd.s32 @!p0 $0xFFFFE000  }
0x88: {  	[tilespmem:s9], [sflag:$0x4] =	stream.indirect.gather @!p0 [hbm4b:s4+s29], $0x40, s8, s29, $0xb8;
	[tilespmem:$0x1F000] =	vst v63  }
0x89: {  	_ =	swait.ge [sflag:s19], $0x2000  }
0x8a: {  	[sflag:s19] =	ssyncset.done $0x0  }
0x8b: {  	s9 =	sadd.s32 $0x2A00, s26;
	[sflag:s19] =	ssyncadd.s32 $0xFFFFE000  }
0x8c: {  	[spmem:s2] =	stream.indirect.scatter.add.f32 [tilespmem:s25], [sflag:$0xA], $0x40, s9, s18, $0xb8;
	[tilespmem:$0x1F000] =	vst v63  }
0x8d: {  	_ =	swait.ge [sflag:s16], $0x2000  }
0x8e: {  	[sflag:s16] =	ssyncset.done $0x0  }
0x8f: {  	s8 =	simm.s32 @p0 $0x6;
	[sflag:s16] =	ssyncadd.s32 $0xFFFFE000  }
0x90: {  	_ =	swait.ge @p0 [sflag:s8], $0x2000  }
0x91: {  	[sflag:s8] =	ssyncset.done @p0 $0x0  }
0x92: {  	s9 =	simm.s32 @p0 $0xF000;
	[sflag:s8] =	ssyncadd.s32 @p0 $0xFFFFE000;
	s8 =	sadd.s32 @p0 $0x2A80, s31  }
0x93: {  	[spmem:s2] =	stream.indirect.scatter.add.f32 @p0 [tilespmem:s9], [sflag:$0xA], $0x40, s8, s3, $0xb8;
	[tilespmem:$0x1F000] =	vst v63  }
0x94: {  	_ =	swait.ge @p0 [sflag:s5], $0x2000  }
0x95: {  	[sflag:s5] =	ssyncset.done @p0 $0x0  }
0x96: {  	s3 =	sadd.s32 @!p0 $0x600, s28;
	[sflag:s5] =	ssyncadd.s32 @p0 $0xFFFFE000;
	s5 =	simm.s32 @!p0 $0xD000  }
0x97: {  	[tilespmem:s5], [sflag:$0x5] =	stream.indirect.gather @!p0 [hbm4b:s4+s29], $0x40, s3, s29, $0xb8;
	[tilespmem:$0x1F000] =	vst v63  }
0x98: {  	s3 =	simm.s32 @!p0 $0x6  }
0x99: {  	_ =	swait.ge @!p0 [sflag:s3], $0x2000  }
0x9a: {  	[sflag:s3] =	ssyncset.done @!p0 $0x0  }
0x9b: {  	s5 =	simm.s32 @!p0 $0xF000;
	[sflag:s3] =	ssyncadd.s32 @!p0 $0xFFFFE000;
	s3 =	sadd.s32 @!p0 $0x2A80, s28  }
0x9c: {  	[spmem:s2] =	stream.indirect.scatter.add.f32 @!p0 [tilespmem:s5], [sflag:$0xA], $0x40, s3, s29, $0xb8;
	[tilespmem:$0x1F000] =	vst v63  }
0x9d: {  	_ =	swait.ge @!p0 [sflag:s6], $0x2000  }
0x9e: {  	[sflag:s6] =	ssyncset.done @!p0 $0x0  }
0x9f: {  	s3 =	sadd.s32 @!p0 $0x680, s28;
	[sflag:s6] =	ssyncadd.s32 @!p0 $0xFFFFE000  }
0xa0: {  	[tilespmem:s5], [sflag:$0x6] =	stream.indirect.gather @!p0 [hbm4b:s4+s29], $0x40, s3, s29, $0xb8;
	[tilespmem:$0x1F000] =	vst v63  }
0xa1: {  	_ =	swait.ge [sflag:s20], $0x2000  }
0xa2: {  	[sflag:s20] =	ssyncset.done $0x0  }
.Ltmp3:
0xa3: {  	s31 =	sadd.s32 $0x2B00, s26;
	[sflag:s20] =	ssyncadd.s32 $0xFFFFE000;
	(pc) =	sbr.rel @p0 .LBB2_6-.Ltmp3, $4  }
0xa4: {  	[spmem:s2] =	stream.indirect.scatter.add.f32 [tilespmem:s30], [sflag:$0xA], $0x40, s31, s18, $0xb8;
	[tilespmem:$0x1F000] =	vst v63  }
0xa5: {  	_ =	swait.ge [sflag:s16], $0x2000  }
0xa6: {  	[sflag:s16] =	ssyncset.done $0x0  }
0xa7: {  	s3 =	sadd.s32 $0x2B80, s26;
	[sflag:s16] =	ssyncadd.s32 $0xFFFFE000  }
0xa8: {  	s5 =	sadd.s32 $0x700, s26  }
0xa9: {  	[tilespmem:s30], [sflag:$0x7] =	stream.indirect.gather [hbm4b:s4+s18], $0x40, s5, s18, $0xb8;
	[tilespmem:$0x1F000] =	vst v63  }
0xaa: {  	_ =	swait.ge [sflag:s22], $0x2000  }
0xab: {  	[sflag:s22] =	ssyncset.done $0x0  }
0xac: {  	[sflag:s22] =	ssyncadd.s32 $0xFFFFE000  }
0xad: {  	[spmem:s2] =	stream.indirect.scatter.add.f32 [tilespmem:s1], [sflag:$0xA], $0x40, s3, s18, $0xb8;
	[tilespmem:$0x1F000] =	vst v63  }
.Ltmp4:
0xae: {  	_ = 	snop;
	(pc) =	sbr.rel .LBB2_4-.Ltmp4, $4  }
0xaf: {  	_ =	swait.ge [sflag:s16], $0x2000  }
0xb0: {  	[sflag:s16] =	ssyncset.done $0x0  }
0xb1: {  	s31 =	sadd.s32 $0x780, s26;
	s24 =	sadd.s32 $0x1000, s24;
	[sflag:s16] =	ssyncadd.s32 $0xFFFFE000  }
0xb2: {  	[tilespmem:s1], [sflag:$0x8] =	stream.indirect.gather [hbm4b:s4+s18], $0x40, s31, s18, $0xb8;
	[tilespmem:$0x1F000] =	vst v63  }
.LBB2_7:
0xb3: {  	_ =	sfence.sel $0x180000  }
0xb4: {  	[bflag:$0x0] =	sbarrier.arrive $0xFFFF  }
0xb5: {  	_ =	strace $0x9000004A  }
0xb6: {  	s0 =	stileid.u32;
	[bflag:$0x2] =	sbarrier.arrive $0xFFFF  }
0xb7: {  	p0 =	sne.s32 s0, $0x0;
	s0 =	rddreg [dreg:$0x2]  }
0xb8: {  	s0 =	sadd.s32 @!p0 $0x100000, s0  }
0xb9: {  	[sflag:s0] =	ssyncadd.tile.s32 @!p0 $0x1;
	_ =	shalt  }
.Lfunc_end2:
_tile_overlayer_lowered:
.L_overlay_start_2:
0xba: {  	(tag) =	ssettag $0x2  }
0xbb: {  	s0 =	rddreg [dreg:$0x0];
	s2 =	stileid.u32  }
0xbc: {  	s1 =	rddreg [dreg:$0x1];
	p0 =	sne.s32 s2, $0x0  }
0xbd: {  	s3 =	rddreg [dreg:$0x2];
	[bflag:$0x3] =	sbarrier.arrive $0xFFFF;
	s2 =	simm.s32 @!p0 $0x1C0A  }
0xbe: {  	[timem:s3], [sflag:s2] =	dma.local @!p0 [hbm:s0], s1  }
0xbf: {  	s0 =	simm.s32 @!p0 $0xA  }
0xc0: {  	_ =	swait.ge @!p0 [sflag:s0], s1  }
0xc1: {  	s1 =	ssub.s32 @!p0 $0x0, s1;
	[sflag:s0] =	ssyncset.done @!p0 $0x0  }
0xc2: {  	[sflag:s0] =	ssyncadd.s32 @!p0 s1  }
0xc3: {  	[bflag:$0x3] =	sbarrier.arrive $0xFFFF  }
0xc4: {  	_ =	shalt  }

// kernel: kernel.15.cloned.1.call-start
scs
__scs_entry_jumppad:
0x0: {  	(pc) =	sbr.rel $0x88, $3  }
0x1: {  	(tag) =	ssettag $0x0;
	lr =	simm.s32 $0x1  }
0x2: {  	[smem:$0x3F9B] =	sst lr;
	_ =	strace $0xD0000000  }
0x3: {  	_ = 	snop  }
0x4: {  	_ = 	snop  }
0x5: {  	_ = 	snop  }
0x6: {  	_ = 	snop  }
0x7: {  	_ = 	snop  }
__scs_overlays_trampoline_lowered:
0x8: {  	[smem:$0x3FAA] =	sst s0  }
0x9: {  	[smem:$0x3FAB] =	sst s1  }
0xa: {  	[smem:$0x3FAC] =	sst s2  }
0xb: {  	[smem:$0x3FAD] =	sst s3  }
0xc: {  	[smem:$0x3FAE] =	sst s4  }
0xd: {  	[smem:$0x3FAF] =	sst s5  }
0xe: {  	[smem:$0x3FB0] =	sst s6  }
0xf: {  	[smem:$0x3FB1] =	sst s7  }
0x10: {  	[smem:$0x3FB2] =	sst s8  }
0x11: {  	[smem:$0x3FB3] =	sst s9;
	s0 =	simm.s32 @!p0 $0x0  }
0x12: {  	s1 =	sld [smem:$0x3F99];
	s0 =	simm.s32 @p0 $0x1  }
0x13: {  	[smem:$0x3FB4] =	sst s0;
	s0 =	simm.s32 @!p1 $0x0  }
0x14: {  	s2 =	sld [smem:$0x3F98];
	s0 =	simm.s32 @p1 $0x1  }
0x15: {  	[smem:$0x3FB5] =	sst s0;
	s0 =	simm.s32 @!p2 $0x0  }
0x16: {  	s3 =	sld [smem:$0x3FDB];
	s0 =	simm.s32 @p2 $0x1  }
0x17: {  	s4 =	simm.s32 $0x1BF5;
	[smem:$0x3FB7] =	sst s0  }
0x18: {  	s0 =	sld [smem:$0x3F9A];
	_ =	swait.ge [sflag:s4], $0x0  }
0x19: {  	s7 =	sld [smem:$0x3F9B]  }
0x1a: {  	s8 =	sadd.s32 $0xFFFFE003, lr  }
0x1b: {  	s9 =	sadd.s32 $0xFFFFFEF7, lr;
	s5 =	simm.s32 $0xFFFFFFFF;
	p2 =	slt.u32 s8, $0xFFFFF086  }
0x1c: {  	p1 =	slt.u32 s9, $0xF7A;
	s5 =	simm.s32 @!p2 $0x0  }
0x1d: {  	s5 =	simm.s32 @p1 $0x1;
	p0 =	seq.s32 s7, s2  }
0x1e: {  	s7 =	smul.u32 @!p0 $0xF7A, s2;
	p2 =	seq.s32 @!p0 s5, $0x0  }
0x1f: {  	s9 =	smul.u32 $0xF7A, s1;
	s8 =	simm.s32 @!p0 $0x1BF5;
	p2 =	por !p2, p0  }
0x20: {  	[sflag:s8] =	ssyncset.s32 @!p0 $0xFFFFF086;
	s6 =	sadd.s32 @!p0 s3, s7;
	s7 =	simm.s32 @!p0 $0x108  }
0x21: {  	s3 =	sadd.s32 s3, s9;
	s6 =	sadd.s32 @!p0 $0x88, s6;
	s7 =	simm.s32 @p2 $0x1082  }
0x22: {  	[simem:s7], [sflag:s8] =	dma.local @!p0 [hbm:s6], $0xF7A  }
0x23: {  	s9 =	sor.u32 $0xD0000000, s2;
	s6 =	simm.s32 $0x108;
	_ =	swait.ge @!p0 [sflag:s8], $0x0  }
0x24: {  	s3 =	sadd.s32 $0x88, s3;
	s6 =	simm.s32 @!p1 $0x1082;
	[sflag:s4] =	ssyncset.s32 $0xFFFFF086  }
0x25: {  	[simem:s6], [sflag:s4] =	dma.local [hbm:s3], $0xF7A  }
0x26: {  	[smem:$0x3F9B] =	sst s1;
	(tag) =	ssettag s2;
	_ =	strace s9  }
0x27: {  	s1 =	sld [smem:$0x3FAB]  }
0x28: {  	s2 =	sld [smem:$0x3FAC]  }
0x29: {  	s4 =	sld [smem:$0x3FAE]  }
0x2a: {  	p0 =	seq.s32 s5, $0x0;
	s5 =	sld [smem:$0x3FAF]  }
0x2b: {  	s6 =	sld [smem:$0x3FB0]  }
0x2c: {  	s7 =	sld [smem:$0x3FB1]  }
0x2d: {  	s3 =	simm.s32 $0x108;
	s8 =	sld [smem:$0x3FB2]  }
0x2e: {  	s3 =	simm.s32 @!p0 $0x1082;
	s9 =	sld [smem:$0x3FB3]  }
0x2f: {  	lr =	sadd.s32 s0, s3;
	s0 =	sld [smem:$0x3FAA]  }
0x30: {  	s3 =	sld [smem:$0x3FAD]  }
0x31: {  	[smem:$0x3FB6] =	sst s10  }
0x32: {  	s10 =	sld [smem:$0x3FB4];
	_ =	sdelay $0x3  }
0x33: {  	p0 =	seq.s32 s10, $0x1;
	s10 =	sld [smem:$0x3FB6];
	_ =	sdelay $0x3  }
0x34: {  	[smem:$0x3FB6] =	sst s10  }
0x35: {  	s10 =	sld [smem:$0x3FB5];
	_ =	sdelay $0x3  }
0x36: {  	p1 =	seq.s32 s10, $0x1;
	s10 =	sld [smem:$0x3FB6];
	_ =	sdelay $0x3  }
0x37: {  	[smem:$0x3FB6] =	sst s10  }
0x38: {  	s10 =	sld [smem:$0x3FB7]  }
0x39: {  	_ = 	snop;
	(pc) =	sbr.ind lr, $3  }
0x3a: {  	_ = 	snop  }
0x3b: {  	_ = 	snop  }
0x3c: {  	p2 =	seq.s32 s10, $0x1;
	s10 =	sld [smem:$0x3FB6]  }
0x3d: {  	_ =	shalt  }
0x3e: {  	_ =	shalt  }
0x3f: {  	_ =	shalt  }
0x40: {  	_ =	shalt  }
0x41: {  	_ =	shalt  }
0x42: {  	_ =	shalt  }
0x43: {  	_ =	shalt  }
0x44: {  	_ =	shalt  }
0x45: {  	_ =	shalt  }
0x46: {  	_ =	shalt  }
0x47: {  	_ =	shalt  }
0x48: {  	_ =	shalt  }
0x49: {  	_ =	shalt  }
0x4a: {  	_ =	shalt  }
0x4b: {  	_ =	shalt  }
0x4c: {  	_ =	shalt  }
0x4d: {  	_ =	shalt  }
0x4e: {  	_ =	shalt  }
0x4f: {  	_ =	shalt  }
0x50: {  	_ =	shalt  }
0x51: {  	_ =	shalt  }
0x52: {  	_ =	shalt  }
0x53: {  	_ =	shalt  }
0x54: {  	_ =	shalt  }
0x55: {  	_ =	shalt  }
0x56: {  	_ =	shalt  }
0x57: {  	_ =	shalt  }
0x58: {  	_ =	shalt  }
0x59: {  	_ =	shalt  }
0x5a: {  	_ =	shalt  }
0x5b: {  	_ =	shalt  }
0x5c: {  	_ =	shalt  }
0x5d: {  	_ =	shalt  }
0x5e: {  	_ =	shalt  }
0x5f: {  	_ =	shalt  }
0x60: {  	_ =	shalt  }
0x61: {  	_ =	shalt  }
0x62: {  	_ =	shalt  }
0x63: {  	_ =	shalt  }
0x64: {  	_ =	shalt  }
0x65: {  	_ =	shalt  }
0x66: {  	_ =	shalt  }
0x67: {  	_ =	shalt  }
0x68: {  	_ =	shalt  }
0x69: {  	_ =	shalt  }
0x6a: {  	_ =	shalt  }
0x6b: {  	_ =	shalt  }
0x6c: {  	_ =	shalt  }
0x6d: {  	_ =	shalt  }
0x6e: {  	_ =	shalt  }
0x6f: {  	_ =	shalt  }
0x70: {  	_ =	shalt  }
0x71: {  	_ =	shalt  }
0x72: {  	_ =	shalt  }
0x73: {  	_ =	shalt  }
0x74: {  	_ =	shalt  }
0x75: {  	_ =	shalt  }
0x76: {  	_ =	shalt  }
0x77: {  	_ =	shalt  }
0x78: {  	_ =	shalt  }
0x79: {  	_ =	shalt  }
0x7a: {  	_ =	shalt  }
0x7b: {  	_ =	shalt  }
0x7c: {  	_ =	shalt  }
0x7d: {  	_ =	shalt  }
0x7e: {  	_ =	shalt  }
0x7f: {  	_ =	shalt  }
0x80: {  	_ =	shalt  }
0x81: {  	_ =	shalt  }
0x82: {  	_ =	shalt  }
0x83: {  	_ =	shalt  }
0x84: {  	_ =	shalt  }
0x85: {  	_ =	shalt  }
0x86: {  	_ =	shalt  }
0x87: {  	_ =	shalt  }
.Lfunc_end0:
.L_simem_size_0:
called_computation.2_lowered:
.L_overlay_start_0:
0x88: {  	s2 =	sld [smem:$0x3FD9]  }
0x89: {  	s3 =	sld [smem:$0x3FFE];
	_ =	sdelay $0x1  }
0x8a: {  	s1 =	srdreg.scid  }
0x8b: {  	s0 =	sand.u32 $0x1, s1  }
0x8c: {  	s16 =	sshll.u32 s0, $0xA;
	s2 =	sadd.s32 s3, s2  }
0x8d: {  	s2 =	sadd.s32 s2, s16  }
0x8e: {  	[smem:$0x3FC2] =	sst s2  }
0x8f: {  	_ = 	snop  }
0x90: {  	(tm) =	ssettm $0x1  }
0x91: {  	s17 =	sld [smem:$0x3FFB];
	_ =	sdelay $0x3  }
0x92: {  	_ =	strace s17  }
0x93: {  	s2 =	sld [smem:$0x3FFC];
	_ =	sdelay $0x3  }
0x94: {  	_ =	strace s2  }
0x95: {  	s2 =	sld [smem:$0x3FFD];
	_ =	sdelay $0x3  }
0x96: {  	_ =	strace s2  }
0x97: {  	_ =	strace $0x8FFFFFFF  }
0x98: {  	s18 =	sld [smem:$0x3FDB];
	_ =	sdelay $0x1  }
0x99: {  	s19 =	simm.s32 $_scs_section_size  }
0x9a: {  	s4 =	simm.s32 $_size__tile_overlayer_lowered;
	s5 =	simm.s32 $_tile_overlayer_lowered  }
0x9b: {  	s22 =	simm.s32 $0x1BFF;
	s21 =	sshll.u32 s5, $0x1;
	s2 =	sadd.s32 s19, s18  }
0x9c: {  	s6 =	simm.s32 $0x0;
	s20 =	sshll.u32 s4, $0x1;
	s4 =	sadd.s32 s21, s2  }
0x9d: {  	[timem:s6], [sflag:s22] =	dma.local [hbm:s4], s20  }
0x9e: {  	_ =	swait.ge [sflag:s22], s20  }
0x9f: {  	s3 =	ssub.s32 $0x0, s20;
	[sflag:s22] =	ssyncset.done $0x0  }
0xa0: {  	[sflag:s22] =	ssyncadd.s32 s3;
	_ =	sdelay $0x1  }
0xa1: {  	s23 =	simm.s32 $0x1B8B  }
0xa2: {  	_ =	swait.ge [sflag:s23], $0x1  }
0xa3: {  	[sflag:s23] =	ssyncset.done $0x0  }
0xa4: {  	s25 =	simm.s32 $0x1B8E;
	s24 =	sld [smem:$0x3FFE];
	[sflag:s23] =	ssyncadd.s32 $0xFFFFFFFF  }
0xa5: {  	s26 =	simm.s32 $execute0_lowered;
	[smem:$0x3FD2] =	sst s25  }
0xa6: {  	s4 =	sshll.u32 s26, $0x1;
	_ =	strace $0x8000004C;
	[dreg:$0x1] =	wrdreg $0xFFFFFFFF  }
0xa7: {  	s28 =	simm.s32 $_size_execute0_lowered;
	s2 =	sadd.s32 s2, s4;
	[dreg:$0x0] =	wrdreg $0x0  }
0xa8: {  	s4 =	sshll.u32 s28, $0x1;
	[dreg:$0x2] =	wrdreg s2  }
0xa9: {  	[dreg:$0x3] =	wrdreg s4  }
0xaa: {  	[dreg:$0x4] =	wrdreg $0xC0  }
0xab: {  	_ =	task [dreg:s6], $0x5FFFF  }
0xac: {  	[dreg:$0x1] =	wrdreg $0xFFFFFFFF  }
0xad: {  	[dreg:$0x0] =	wrdreg $0x60  }
0xae: {  	[dreg:$0x2] =	wrdreg s24  }
0xaf: {  	[dreg:$0x3] =	wrdreg $0x110000  }
0xb0: {  	[dreg:$0x4] =	wrdreg $0x9  }
0xb1: {  	_ =	task.clear_ibuf [dreg:s6], $0x5FFFF;
	_ =	strace $0x9000004C  }
0xb2: {  	s29 =	simm.s32 $0x9;
	_ =	strace $0x8000004E  }
0xb3: {  	_ =	swait.ge [sflag:s29], $0x1  }
0xb4: {  	[sflag:s29] =	ssyncadd.s32 $0xFFFFFFFF  }
0xb5: {  	_ =	strace $0x9000004E  }
0xb6: {  	_ =	sfence  }
0xb7: {  	s30 =	sld [smem:$0x0];
	_ =	sdelay $0x2  }
0xb8: {  	s31 =	sshll.u32 s1, $0xD;
	s1 =	sshrl.u32 s1, $0x2  }
0xb9: {  	s3 =	sand.u32 $0x4000, s31;
	s1 =	sadd.s32 s1, s30  }
0xba: {  	s0 =	sor.u32 s3, s0;
	s1 =	sshll.u32 s1, $0x11  }
0xbb: {  	s0 =	sor.u32 s1, s0  }
0xbc: {  	s0 =	sadd.s32 $0x8F2B, s0  }
0xbd: {  	[sflag:s0] =	ssyncadd.remote.s32 $0x1  }
0xbe: {  	_ =	sfence.sel $0xFFFF  }
0xbf: {  	[dreg:$0x0] =	wrdreg $0xFFFFFFFF;
	(pc) =	sbr.abs _section_cstart, $3  }
0xc0: {  	[dreg:$0x1] =	wrdreg $0xFFFFFFFF  }
0xc1: {  	_ =	task.clear_ibuf [dreg:s6], $0x2FFFF;
	_ =	strace $0x9FFFFFFF  }
0xc2: {  	(tm) =	ssettm $0x7FFFFFFF  }
0xc3: {  	_ =	shalt  }
tec
execute0_lowered:
.L_overlay_start_1:
0x0: {  	(tag) =	ssettag $0x1  }
0x1: {  	s0 =	srdreg.scid;
	s3 =	rddreg [dreg:$0x0]  }
0x2: {  	s7 =	stileid.u32;
	s2 =	rddreg [dreg:$0x1];
	s4 =	simm.s32 $0x0  }
0x3: {  	s15 =	simm.s32 $0x5000;
	s16 =	simm.s32 $0xA;
	s17 =	simm.s32 $0x9  }
0x4: {  	s18 =	simm.s32 $0x80;
	s21 =	simm.s32 $0x8000;
	s30 =	simm.s32 $0xE000  }
0x5: {  	s14 =	simm.s32 $0x3;
	s19 =	simm.s32 $0x5;
	s20 =	simm.s32 $0x7  }
0x6: {  	s22 =	simm.s32 $0x8;
	s23 =	simm.s32 $0x0;
	s0 =	sand.u32 $0x1, s0  }
0x7: {  	s1 =	sshll.u32 s7, $0x1;
	s5 =	smul.u32 $0x7800, s7;
	[smem:$0x7FF] =	sst s4  }
0x8: {  	s4 =	sadd.s32 $0x16000, s3;
	s7 =	smul.u32 $0x1E000, s7;
	s1 =	sor.u32 s0, s1  }
0x9: {  	s6 =	smul.u32 $0x78000, s0;
	_ =	strace $0x8000004D;
	s0 =	ssub.s32 $0x2, s0  }
0xa: {  	s1 =	smul.u32 $0x2800, s1;
	s24 =	sshrl.u32 s0, $0x1;
	s26 =	sshrl.u32 s7, $0x2  }
0xb: {  	s7 =	sadd.s32 s5, s2;
	s6 =	sadd.s32 s5, s6;
	s0 =	ssub.s32 s0, s24  }
0xc: {  	s28 =	sadd.s32 s26, s2;
	s1 =	sshrl.u32 s1, $0x3;
	s6 =	sshrl.u32 s6, $0x3  }
0xd: {  	s29 =	sadd.s32 $0x1800, s28;
	s31 =	sadd.s32 $0x3000, s28;
	s10 =	sadd.s32 $0x4800, s28  }
.Ltmp0:
0xe: {  	s11 =	sadd.s32 $0x6000, s28;
	s13 =	smax.u32 s0, $0x1;
	(pc) =	sbr.rel .LBB2_1-.Ltmp0, $4  }
0xf: {  	s0 =	simm.s32 $0x1;
	s1 =	sadd.s32 s1, s3;
	[dreg:$0x5] =	wrdreg s29  }
0x10: {  	s3 =	sadd.s32 s6, s3;
	[dreg:$0x6] =	wrdreg s31;
	s25 =	sadd.s32 $0x2000, s1  }
0x11: {  	s1 =	sadd.s32 $0xC000, s1;
	s12 =	sadd.s32 $0x25000, s3;
	[dreg:$0x3] =	wrdreg s25  }
0x12: {  	v0 =	vimm.f32 $0.0e+00;
	[dreg:$0x4] =	wrdreg s1;
	s25 =	simm.s32 $0xB000;
	s1 =	simm.s32 $0xF800  }
.LBB2_6:
0x13: {  	_ =	swait.ge [sflag:s22], $0x1800  }
0x14: {  	[sflag:s22] =	ssyncset.done $0x0  }
0x15: {  	[sflag:s22] =	ssyncadd.s32 $0xFFFFE800  }
0x16: {  	[spmem:s2] =	stream.indirect.scatter.add.f32 [tilespmem:s1], [sflag:$0xA], $0x30, s3, s18, $0xb8;
	[tilespmem:$0x18800] =	vst v63  }
0x17: {  	s31 =	stileid.u32;
	_ =	swait.ge [sflag:s16], $0x1800  }
0x18: {  	s5 =	sshrl.u32 s7, $0x3;
	s23 =	sadd.s32 $0x1, s23;
	[sflag:s16] =	ssyncset.done $0x0  }
0x19: {  	p0 =	sne.s32 s23, s13;
	s3 =	sshll.u32 s31, $0x6;
	[sflag:s16] =	ssyncadd.s32 $0xFFFFE800  }
.Ltmp1:
0x1a: {  	s3 =	sor.u32 $0x1C0A, s3;
	[bflag:$0x0] =	sbarrier.arrive $0xFFFF;
	(pc) =	sbr.rel @!p0 .LBB2_7-.Ltmp1, $4  }
0x1b: {  	[hbm:s12], [sflag:s3] =	dma.local [spmem:s5], $0xF00  }
0x1c: {  	_ =	swait.ge [sflag:s16], $0xF00  }
0x1d: {  	[sflag:s16] =	ssyncset.done $0x0  }
0x1e: {  	[sflag:s16] =	ssyncadd.s32 $0xFFFFF100  }
.LBB2_1:
0x1f: {  	s3 =	simm.s32 $0x0;
	s5 =	rddreg [dreg:$0x3]  }
0x20: {  	[tilespmem:s3], [sflag:$0x9] =	stream.linear.gather [hbm4b:s5+s3], $0x2800, $0x38;
	[tilespmem:$0x18800] =	vst v63  }
0x21: {  	s31 =	rddreg [dreg:$0x4];
	s6 =	simm.s32 $0x2800  }
0x22: {  	[tilespmem:s6], [sflag:$0x9] =	stream.linear.gather [hbm4b:s31+s3], $0x2800, $0x38;
	[tilespmem:$0x18800] =	vst v63  }
0x23: {  	s5 =	simm.s32 $0x0;
	s3 =	simm.s32 $0xC0  }
.LBB2_2:
0x24: {  	p0 =	sne.s32 s3, $0x5F40;
	[tilespmem:s5+$0x5020] =	vst v0;
	s6 =	smov.u32 s3;
	s3 =	sadd.s32 $0xC0, s3  }
.Ltmp2:
0x25: {  	[tilespmem:s5+$0x5000] =	vst v0;
	(pc) =	sbr.rel @p0 .LBB2_2-.Ltmp2, $2  }
0x26: {  	[tilespmem:s5+$0x5010] =	vst v0;
	_ =	sdelay $0x2  }
0x27: {  	s5 =	sshra.s32 s6, $0x2  }
0x28: {  	[tilespmem:s5+$0x5020] =	vst v0  }
0x29: {  	[tilespmem:s5+$0x5000] =	vst v0  }
0x2a: {  	[tilespmem:s5+$0x5010] =	vst v0  }
0x2b: {  	[spmem:s7] =	stream.linear.scatter [tilespmem:s15], [sflag:$0xA], $0x1800, $0x38;
	[tilespmem:$0x18800] =	vst v63  }
0x2c: {  	_ =	swait.ge [sflag:s16], $0x1800  }
0x2d: {  	[sflag:s16] =	ssyncset.done $0x0  }
0x2e: {  	s3 =	rddreg [dreg:$0x5];
	[sflag:s16] =	ssyncadd.s32 $0xFFFFE800  }
0x2f: {  	[spmem:s3] =	stream.linear.scatter [tilespmem:s15], [sflag:$0xA], $0x1800, $0x38;
	[tilespmem:$0x18800] =	vst v63  }
0x30: {  	_ =	swait.ge [sflag:s16], $0x1800  }
0x31: {  	[sflag:s16] =	ssyncset.done $0x0  }
0x32: {  	s29 =	rddreg [dreg:$0x6];
	[sflag:s16] =	ssyncadd.s32 $0xFFFFE800  }
0x33: {  	[spmem:s29] =	stream.linear.scatter [tilespmem:s15], [sflag:$0xA], $0x1800, $0x38;
	[tilespmem:$0x18800] =	vst v63  }
0x34: {  	_ =	swait.ge [sflag:s16], $0x1800  }
0x35: {  	[sflag:s16] =	ssyncset.done $0x0  }
0x36: {  	[sflag:s16] =	ssyncadd.s32 $0xFFFFE800  }
0x37: {  	[spmem:s10] =	stream.linear.scatter [tilespmem:s15], [sflag:$0xA], $0x1800, $0x38;
	[tilespmem:$0x18800] =	vst v63  }
0x38: {  	_ =	swait.ge [sflag:s16], $0x1800  }
0x39: {  	[sflag:s16] =	ssyncset.done $0x0  }
0x3a: {  	[sflag:s16] =	ssyncadd.s32 $0xFFFFE800  }
0x3b: {  	[spmem:s11] =	stream.linear.scatter [tilespmem:s15], [sflag:$0xA], $0x1800, $0x38;
	[tilespmem:$0x18800] =	vst v63  }
0x3c: {  	_ =	swait.ge [sflag:s16], $0x1800  }
0x3d: {  	[sflag:s16] =	ssyncset.done $0x0  }
0x3e: {  	[sflag:s16] =	ssyncadd.s32 $0xFFFFE800  }
0x3f: {  	_ =	swait.ge [sflag:s17], $0x2800  }
0x40: {  	[sflag:s17] =	ssyncset.done $0x0  }
0x41: {  	[sflag:s17] =	ssyncadd.s32 $0xFFFFD800  }
0x42: {  	_ =	swait.ge [sflag:s17], $0x2800  }
0x43: {  	[sflag:s17] =	ssyncset.done $0x0  }
0x44: {  	[sflag:s17] =	ssyncadd.s32 $0xFFFFD800  }
0x45: {  	s24 =	simm.s32 $0x0;
	[bflag:$0x0] =	sbarrier.arrive $0xFFFF  }
0x46: {  	[tilespmem:s15], [sflag:$0x1] =	stream.indirect.gather [hbm4b:s4+s18], $0x30, s24, s18, $0xb8;
	[tilespmem:$0x18800] =	vst v63  }
0x47: {  	s31 =	simm.s32 $0x6800  }
0x48: {  	[tilespmem:s31], [sflag:$0x2] =	stream.indirect.gather [hbm4b:s4+s18], $0x30, s18, s18, $0xb8;
	[tilespmem:$0x18800] =	vst v63  }
0x49: {  	s5 =	simm.s32 $0x100  }
0x4a: {  	[tilespmem:s21], [sflag:$0x3] =	stream.indirect.gather [hbm4b:s4+s18], $0x30, s5, s18, $0xb8;
	[tilespmem:$0x18800] =	vst v63  }
0x4b: {  	s6 =	simm.s32 $0x180;
	s8 =	simm.s32 $0x9800  }
0x4c: {  	[tilespmem:s8], [sflag:$0x4] =	stream.indirect.gather [hbm4b:s4+s18], $0x30, s6, s18, $0xb8;
	[tilespmem:$0x18800] =	vst v63  }
0x4d: {  	s9 =	simm.s32 $0x200  }
0x4e: {  	[tilespmem:s25], [sflag:$0x5] =	stream.indirect.gather [hbm4b:s4+s18], $0x30, s9, s18, $0xb8;
	[tilespmem:$0x18800] =	vst v63  }
0x4f: {  	s26 =	simm.s32 $0x280;
	s28 =	simm.s32 $0xC800  }
0x50: {  	[tilespmem:s28], [sflag:$0x6] =	stream.indirect.gather [hbm4b:s4+s18], $0x30, s26, s18, $0xb8;
	[tilespmem:$0x18800] =	vst v63  }
0x51: {  	s29 =	simm.s32 $0x300  }
0x52: {  	[tilespmem:s30], [sflag:$0x7] =	stream.indirect.gather [hbm4b:s4+s18], $0x30, s29, s18, $0xb8;
	[tilespmem:$0x18800] =	vst v63  }
0x53: {  	s31 =	simm.s32 $0x380  }
0x54: {  	[tilespmem:s1], [sflag:$0x8] =	stream.indirect.gather [hbm4b:s4+s18], $0x30, s31, s18, $0xb8;
	[tilespmem:$0x18800] =	vst v63  }
.LBB2_4:
0x55: {  	_ =	swait.ge [sflag:s0], $0x1800  }
0x56: {  	s26 =	sshra.s32 s24, $0x2;
	[sflag:s0] =	ssyncset.done $0x0  }
0x57: {  	s3 =	sadd.s32 $0x2800, s26;
	[sflag:s0] =	ssyncadd.s32 $0xFFFFE800  }
0x58: {  	[spmem:s2] =	stream.indirect.scatter.add.f32 [tilespmem:s15], [sflag:$0xA], $0x30, s3, s18, $0xb8;
	[tilespmem:$0x18800] =	vst v63  }
0x59: {  	_ =	swait.ge [sflag:s16], $0x1800  }
0x5a: {  	p0 =	seq.s32 s24, $0x9000;
	[sflag:s16] =	ssyncset.done $0x0  }
0x5b: {  	s3 =	simm.s32 @p0 $0x2;
	[sflag:s16] =	ssyncadd.s32 $0xFFFFE800  }
0x5c: {  	_ =	swait.ge @p0 [sflag:s3], $0x1800  }
0x5d: {  	s31 =	sshra.s32 @p0 s24, $0x2;
	s6 =	simm.s32 @p0 $0x6800;
	[sflag:s3] =	ssyncset.done @p0 $0x0  }
0x5e: {  	s5 =	sadd.s32 @p0 $0x2880, s31;
	[sflag:s3] =	ssyncadd.s32 @p0 $0xFFFFE800;
	s3 =	simm.s32 @p0 $0x80  }
0x5f: {  	[spmem:s2] =	stream.indirect.scatter.add.f32 @p0 [tilespmem:s6], [sflag:$0xA], $0x30, s5, s3, $0xb8;
	[tilespmem:$0x18800] =	vst v63  }
0x60: {  	s5 =	simm.s32 @p0 $0xA  }
0x61: {  	_ =	swait.ge @p0 [sflag:s5], $0x1800  }
0x62: {  	s28 =	sshra.s32 @!p0 s24, $0x2;
	s29 =	simm.s32 @!p0 $0x80;
	[sflag:s5] =	ssyncset.done @p0 $0x0  }
0x63: {  	s8 =	simm.s32 @!p0 $0x5000;
	s6 =	sadd.s32 @!p0 $0x400, s28;
	[sflag:s5] =	ssyncadd.s32 @p0 $0xFFFFE800  }
0x64: {  	[tilespmem:s8], [sflag:$0x1] =	stream.indirect.gather @!p0 [hbm4b:s4+s29], $0x30, s6, s29, $0xb8;
	[tilespmem:$0x18800] =	vst v63  }
0x65: {  	s6 =	simm.s32 @!p0 $0x2  }
0x66: {  	_ =	swait.ge @!p0 [sflag:s6], $0x1800  }
0x67: {  	[sflag:s6] =	ssyncset.done @!p0 $0x0  }
0x68: {  	s8 =	simm.s32 @!p0 $0x6800;
	[sflag:s6] =	ssyncadd.s32 @!p0 $0xFFFFE800;
	s6 =	sadd.s32 @!p0 $0x2880, s28  }
0x69: {  	[spmem:s2] =	stream.indirect.scatter.add.f32 @!p0 [tilespmem:s8], [sflag:$0xA], $0x30, s6, s29, $0xb8;
	[tilespmem:$0x18800] =	vst v63  }
0x6a: {  	s6 =	simm.s32 @!p0 $0xA  }
0x6b: {  	_ =	swait.ge @!p0 [sflag:s6], $0x1800  }
0x6c: {  	[sflag:s6] =	ssyncset.done @!p0 $0x0  }
0x6d: {  	s9 =	sadd.s32 @!p0 $0x480, s28;
	[sflag:s6] =	ssyncadd.s32 @!p0 $0xFFFFE800  }
0x6e: {  	[tilespmem:s8], [sflag:$0x2] =	stream.indirect.gather @!p0 [hbm4b:s4+s29], $0x30, s9, s29, $0xb8;
	[tilespmem:$0x18800] =	vst v63  }
0x6f: {  	_ =	swait.ge [sflag:s14], $0x1800  }
0x70: {  	[sflag:s14] =	ssyncset.done $0x0  }
0x71: {  	s9 =	sadd.s32 $0x2900, s26;
	[sflag:s14] =	ssyncadd.s32 $0xFFFFE800  }
0x72: {  	[spmem:s2] =	stream.indirect.scatter.add.f32 [tilespmem:s21], [sflag:$0xA], $0x30, s9, s18, $0xb8;
	[tilespmem:$0x18800] =	vst v63  }
0x73: {  	_ =	swait.ge [sflag:s16], $0x1800  }
0x74: {  	[sflag:s16] =	ssyncset.done $0x0  }
0x75: {  	s8 =	simm.s32 @p0 $0x4;
	[sflag:s16] =	ssyncadd.s32 $0xFFFFE800  }
0x76: {  	_ =	swait.ge @p0 [sflag:s8], $0x1800  }
0x77: {  	[sflag:s8] =	ssyncset.done @p0 $0x0  }
0x78: {  	s9 =	simm.s32 @p0 $0x9800;
	[sflag:s8] =	ssyncadd.s32 @p0 $0xFFFFE800;
	s8 =	sadd.s32 @p0 $0x2980, s31  }
0x79: {  	[spmem:s2] =	stream.indirect.scatter.add.f32 @p0 [tilespmem:s9], [sflag:$0xA], $0x30, s8, s3, $0xb8;
	[tilespmem:$0x18800] =	vst v63  }
0x7a: {  	_ =	swait.ge @p0 [sflag:s5], $0x1800  }
0x7b: {  	[sflag:s5] =	ssyncset.done @p0 $0x0  }
0x7c: {  	s8 =	sadd.s32 @!p0 $0x500, s28;
	s9 =	simm.s32 @!p0 $0x8000;
	[sflag:s5] =	ssyncadd.s32 @p0 $0xFFFFE800  }
0x7d: {  	[tilespmem:s9], [sflag:$0x3] =	stream.indirect.gather @!p0 [hbm4b:s4+s29], $0x30, s8, s29, $0xb8;
	[tilespmem:$0x18800] =	vst v63  }
0x7e: {  	s8 =	simm.s32 @!p0 $0x4  }
0x7f: {  	_ =	swait.ge @!p0 [sflag:s8], $0x1800  }
0x80: {  	[sflag:s8] =	ssyncset.done @!p0 $0x0  }
0x81: {  	s9 =	simm.s32 @!p0 $0x9800;
	[sflag:s8] =	ssyncadd.s32 @!p0 $0xFFFFE800;
	s8 =	sadd.s32 @!p0 $0x2980, s28  }
0x82: {  	[spmem:s2] =	stream.indirect.scatter.add.f32 @!p0 [tilespmem:s9], [sflag:$0xA], $0x30, s8, s29, $0xb8;
	[tilespmem:$0x18800] =	vst v63  }
0x83: {  	_ =	swait.ge @!p0 [sflag:s6], $0x1800  }
0x84: {  	[sflag:s6] =	ssyncset.done @!p0 $0x0  }
0x85: {  	s8 =	sadd.s32 @!p0 $0x580, s28;
	[sflag:s6] =	ssyncadd.s32 @!p0 $0xFFFFE800  }
0x86: {  	[tilespmem:s9], [sflag:$0x4] =	stream.indirect.gather @!p0 [hbm4b:s4+s29], $0x30, s8, s29, $0xb8;
	[tilespmem:$0x18800] =	vst v63  }
0x87: {  	_ =	swait.ge [sflag:s19], $0x1800  }
0x88: {  	[sflag:s19] =	ssyncset.done $0x0  }
0x89: {  	s9 =	sadd.s32 $0x2A00, s26;
	[sflag:s19] =	ssyncadd.s32 $0xFFFFE800  }
0x8a: {  	[spmem:s2] =	stream.indirect.scatter.add.f32 [tilespmem:s25], [sflag:$0xA], $0x30, s9, s18, $0xb8;
	[tilespmem:$0x18800] =	vst v63  }
0x8b: {  	_ =	swait.ge [sflag:s16], $0x1800  }
0x8c: {  	[sflag:s16] =	ssyncset.done $0x0  }
0x8d: {  	s8 =	simm.s32 @p0 $0x6;
	[sflag:s16] =	ssyncadd.s32 $0xFFFFE800  }
0x8e: {  	_ =	swait.ge @p0 [sflag:s8], $0x1800  }
0x8f: {  	[sflag:s8] =	ssyncset.done @p0 $0x0  }
0x90: {  	s9 =	simm.s32 @p0 $0xC800;
	[sflag:s8] =	ssyncadd.s32 @p0 $0xFFFFE800;
	s8 =	sadd.s32 @p0 $0x2A80, s31  }
0x91: {  	[spmem:s2] =	stream.indirect.scatter.add.f32 @p0 [tilespmem:s9], [sflag:$0xA], $0x30, s8, s3, $0xb8;
	[tilespmem:$0x18800] =	vst v63  }
0x92: {  	_ =	swait.ge @p0 [sflag:s5], $0x1800  }
0x93: {  	[sflag:s5] =	ssyncset.done @p0 $0x0  }
0x94: {  	s3 =	sadd.s32 @!p0 $0x600, s28;
	[sflag:s5] =	ssyncadd.s32 @p0 $0xFFFFE800;
	s5 =	simm.s32 @!p0 $0xB000  }
0x95: {  	[tilespmem:s5], [sflag:$0x5] =	stream.indirect.gather @!p0 [hbm4b:s4+s29], $0x30, s3, s29, $0xb8;
	[tilespmem:$0x18800] =	vst v63  }
0x96: {  	s3 =	simm.s32 @!p0 $0x6  }
0x97: {  	_ =	swait.ge @!p0 [sflag:s3], $0x1800  }
0x98: {  	[sflag:s3] =	ssyncset.done @!p0 $0x0  }
0x99: {  	s5 =	simm.s32 @!p0 $0xC800;
	[sflag:s3] =	ssyncadd.s32 @!p0 $0xFFFFE800;
	s3 =	sadd.s32 @!p0 $0x2A80, s28  }
0x9a: {  	[spmem:s2] =	stream.indirect.scatter.add.f32 @!p0 [tilespmem:s5], [sflag:$0xA], $0x30, s3, s29, $0xb8;
	[tilespmem:$0x18800] =	vst v63  }
0x9b: {  	_ =	swait.ge @!p0 [sflag:s6], $0x1800  }
0x9c: {  	[sflag:s6] =	ssyncset.done @!p0 $0x0  }
0x9d: {  	s3 =	sadd.s32 @!p0 $0x680, s28;
	[sflag:s6] =	ssyncadd.s32 @!p0 $0xFFFFE800  }
0x9e: {  	[tilespmem:s5], [sflag:$0x6] =	stream.indirect.gather @!p0 [hbm4b:s4+s29], $0x30, s3, s29, $0xb8;
	[tilespmem:$0x18800] =	vst v63  }
0x9f: {  	_ =	swait.ge [sflag:s20], $0x1800  }
0xa0: {  	[sflag:s20] =	ssyncset.done $0x0  }
.Ltmp3:
0xa1: {  	s31 =	sadd.s32 $0x2B00, s26;
	[sflag:s20] =	ssyncadd.s32 $0xFFFFE800;
	(pc) =	sbr.rel @p0 .LBB2_6-.Ltmp3, $4  }
0xa2: {  	[spmem:s2] =	stream.indirect.scatter.add.f32 [tilespmem:s30], [sflag:$0xA], $0x30, s31, s18, $0xb8;
	[tilespmem:$0x18800] =	vst v63  }
0xa3: {  	_ =	swait.ge [sflag:s16], $0x1800  }
0xa4: {  	[sflag:s16] =	ssyncset.done $0x0  }
0xa5: {  	s3 =	sadd.s32 $0x2B80, s26;
	[sflag:s16] =	ssyncadd.s32 $0xFFFFE800  }
0xa6: {  	s5 =	sadd.s32 $0x700, s26  }
0xa7: {  	[tilespmem:s30], [sflag:$0x7] =	stream.indirect.gather [hbm4b:s4+s18], $0x30, s5, s18, $0xb8;
	[tilespmem:$0x18800] =	vst v63  }
0xa8: {  	_ =	swait.ge [sflag:s22], $0x1800  }
0xa9: {  	[sflag:s22] =	ssyncset.done $0x0  }
0xaa: {  	[sflag:s22] =	ssyncadd.s32 $0xFFFFE800  }
0xab: {  	[spmem:s2] =	stream.indirect.scatter.add.f32 [tilespmem:s1], [sflag:$0xA], $0x30, s3, s18, $0xb8;
	[tilespmem:$0x18800] =	vst v63  }
.Ltmp4:
0xac: {  	_ = 	snop;
	(pc) =	sbr.rel .LBB2_4-.Ltmp4, $4  }
0xad: {  	_ =	swait.ge [sflag:s16], $0x1800  }
0xae: {  	[sflag:s16] =	ssyncset.done $0x0  }
0xaf: {  	s31 =	sadd.s32 $0x780, s26;
	s24 =	sadd.s32 $0x1000, s24;
	[sflag:s16] =	ssyncadd.s32 $0xFFFFE800  }
0xb0: {  	[tilespmem:s1], [sflag:$0x8] =	stream.indirect.gather [hbm4b:s4+s18], $0x30, s31, s18, $0xb8;
	[tilespmem:$0x18800] =	vst v63  }
.LBB2_7:
0xb1: {  	_ =	sfence.sel $0x180000  }
0xb2: {  	[bflag:$0x0] =	sbarrier.arrive $0xFFFF  }
0xb3: {  	_ =	strace $0x9000004D  }
0xb4: {  	s0 =	stileid.u32;
	[bflag:$0x2] =	sbarrier.arrive $0xFFFF  }
0xb5: {  	p0 =	sne.s32 s0, $0x0;
	s0 =	rddreg [dreg:$0x2]  }
0xb6: {  	s0 =	sadd.s32 @!p0 $0x100000, s0  }
0xb7: {  	[sflag:s0] =	ssyncadd.tile.s32 @!p0 $0x1;
	_ =	shalt  }
.Lfunc_end2:
_tile_overlayer_lowered:
.L_overlay_start_2:
0xb8: {  	(tag) =	ssettag $0x2  }
0xb9: {  	s0 =	rddreg [dreg:$0x0];
	s2 =	stileid.u32  }
0xba: {  	s1 =	rddreg [dreg:$0x1];
	p0 =	sne.s32 s2, $0x0  }
0xbb: {  	s3 =	rddreg [dreg:$0x2];
	[bflag:$0x3] =	sbarrier.arrive $0xFFFF;
	s2 =	simm.s32 @!p0 $0x1C0A  }
0xbc: {  	[timem:s3], [sflag:s2] =	dma.local @!p0 [hbm:s0], s1  }
0xbd: {  	s0 =	simm.s32 @!p0 $0xA  }
0xbe: {  	_ =	swait.ge @!p0 [sflag:s0], s1  }
0xbf: {  	s1 =	ssub.s32 @!p0 $0x0, s1;
	[sflag:s0] =	ssyncset.done @!p0 $0x0  }
0xc0: {  	[sflag:s0] =	ssyncadd.s32 @!p0 s1  }
0xc1: {  	[bflag:$0x3] =	sbarrier.arrive $0xFFFF  }
0xc2: {  	_ =	shalt  }

// kernel: kernel.9.cloned.1.call-start
scs
__scs_entry_jumppad:
0x0: {  	(pc) =	sbr.rel $0x88, $3  }
0x1: {  	(tag) =	ssettag $0x0;
	lr =	simm.s32 $0x1  }
0x2: {  	[smem:$0x3F9B] =	sst lr;
	_ =	strace $0xD0000000  }
0x3: {  	_ = 	snop  }
0x4: {  	_ = 	snop  }
0x5: {  	_ = 	snop  }
0x6: {  	_ = 	snop  }
0x7: {  	_ = 	snop  }
__scs_overlays_trampoline_lowered:
0x8: {  	[smem:$0x3FAA] =	sst s0  }
0x9: {  	[smem:$0x3FAB] =	sst s1  }
0xa: {  	[smem:$0x3FAC] =	sst s2  }
0xb: {  	[smem:$0x3FAD] =	sst s3  }
0xc: {  	[smem:$0x3FAE] =	sst s4  }
0xd: {  	[smem:$0x3FAF] =	sst s5  }
0xe: {  	[smem:$0x3FB0] =	sst s6  }
0xf: {  	[smem:$0x3FB1] =	sst s7  }
0x10: {  	[smem:$0x3FB2] =	sst s8  }
0x11: {  	[smem:$0x3FB3] =	sst s9;
	s0 =	simm.s32 @!p0 $0x0  }
0x12: {  	s1 =	sld [smem:$0x3F99];
	s0 =	simm.s32 @p0 $0x1  }
0x13: {  	[smem:$0x3FB4] =	sst s0;
	s0 =	simm.s32 @!p1 $0x0  }
0x14: {  	s2 =	sld [smem:$0x3F98];
	s0 =	simm.s32 @p1 $0x1  }
0x15: {  	[smem:$0x3FB5] =	sst s0;
	s0 =	simm.s32 @!p2 $0x0  }
0x16: {  	s3 =	sld [smem:$0x3FDB];
	s0 =	simm.s32 @p2 $0x1  }
0x17: {  	s4 =	simm.s32 $0x1BF5;
	[smem:$0x3FB7] =	sst s0  }
0x18: {  	s0 =	sld [smem:$0x3F9A];
	_ =	swait.ge [sflag:s4], $0x0  }
0x19: {  	s7 =	sld [smem:$0x3F9B]  }
0x1a: {  	s8 =	sadd.s32 $0xFFFFE003, lr  }
0x1b: {  	s9 =	sadd.s32 $0xFFFFFEF7, lr;
	s5 =	simm.s32 $0xFFFFFFFF;
	p2 =	slt.u32 s8, $0xFFFFF086  }
0x1c: {  	p1 =	slt.u32 s9, $0xF7A;
	s5 =	simm.s32 @!p2 $0x0  }
0x1d: {  	s5 =	simm.s32 @p1 $0x1;
	p0 =	seq.s32 s7, s2  }
0x1e: {  	s7 =	smul.u32 @!p0 $0xF7A, s2;
	p2 =	seq.s32 @!p0 s5, $0x0  }
0x1f: {  	s9 =	smul.u32 $0xF7A, s1;
	s8 =	simm.s32 @!p0 $0x1BF5;
	p2 =	por !p2, p0  }
0x20: {  	[sflag:s8] =	ssyncset.s32 @!p0 $0xFFFFF086;
	s6 =	sadd.s32 @!p0 s3, s7;
	s7 =	simm.s32 @!p0 $0x108  }
0x21: {  	s3 =	sadd.s32 s3, s9;
	s6 =	sadd.s32 @!p0 $0x88, s6;
	s7 =	simm.s32 @p2 $0x1082  }
0x22: {  	[simem:s7], [sflag:s8] =	dma.local @!p0 [hbm:s6], $0xF7A  }
0x23: {  	s9 =	sor.u32 $0xD0000000, s2;
	s6 =	simm.s32 $0x108;
	_ =	swait.ge @!p0 [sflag:s8], $0x0  }
0x24: {  	s3 =	sadd.s32 $0x88, s3;
	s6 =	simm.s32 @!p1 $0x1082;
	[sflag:s4] =	ssyncset.s32 $0xFFFFF086  }
0x25: {  	[simem:s6], [sflag:s4] =	dma.local [hbm:s3], $0xF7A  }
0x26: {  	[smem:$0x3F9B] =	sst s1;
	(tag) =	ssettag s2;
	_ =	strace s9  }
0x27: {  	s1 =	sld [smem:$0x3FAB]  }
0x28: {  	s2 =	sld [smem:$0x3FAC]  }
0x29: {  	s4 =	sld [smem:$0x3FAE]  }
0x2a: {  	p0 =	seq.s32 s5, $0x0;
	s5 =	sld [smem:$0x3FAF]  }
0x2b: {  	s6 =	sld [smem:$0x3FB0]  }
0x2c: {  	s7 =	sld [smem:$0x3FB1]  }
0x2d: {  	s3 =	simm.s32 $0x108;
	s8 =	sld [smem:$0x3FB2]  }
0x2e: {  	s3 =	simm.s32 @!p0 $0x1082;
	s9 =	sld [smem:$0x3FB3]  }
0x2f: {  	lr =	sadd.s32 s0, s3;
	s0 =	sld [smem:$0x3FAA]  }
0x30: {  	s3 =	sld [smem:$0x3FAD]  }
0x31: {  	[smem:$0x3FB6] =	sst s10  }
0x32: {  	s10 =	sld [smem:$0x3FB4];
	_ =	sdelay $0x3  }
0x33: {  	p0 =	seq.s32 s10, $0x1;
	s10 =	sld [smem:$0x3FB6];
	_ =	sdelay $0x3  }
0x34: {  	[smem:$0x3FB6] =	sst s10  }
0x35: {  	s10 =	sld [smem:$0x3FB5];
	_ =	sdelay $0x3  }
0x36: {  	p1 =	seq.s32 s10, $0x1;
	s10 =	sld [smem:$0x3FB6];
	_ =	sdelay $0x3  }
0x37: {  	[smem:$0x3FB6] =	sst s10  }
0x38: {  	s10 =	sld [smem:$0x3FB7]  }
0x39: {  	_ = 	snop;
	(pc) =	sbr.ind lr, $3  }
0x3a: {  	_ = 	snop  }
0x3b: {  	_ = 	snop  }
0x3c: {  	p2 =	seq.s32 s10, $0x1;
	s10 =	sld [smem:$0x3FB6]  }
0x3d: {  	_ =	shalt  }
0x3e: {  	_ =	shalt  }
0x3f: {  	_ =	shalt  }
0x40: {  	_ =	shalt  }
0x41: {  	_ =	shalt  }
0x42: {  	_ =	shalt  }
0x43: {  	_ =	shalt  }
0x44: {  	_ =	shalt  }
0x45: {  	_ =	shalt  }
0x46: {  	_ =	shalt  }
0x47: {  	_ =	shalt  }
0x48: {  	_ =	shalt  }
0x49: {  	_ =	shalt  }
0x4a: {  	_ =	shalt  }
0x4b: {  	_ =	shalt  }
0x4c: {  	_ =	shalt  }
0x4d: {  	_ =	shalt  }
0x4e: {  	_ =	shalt  }
0x4f: {  	_ =	shalt  }
0x50: {  	_ =	shalt  }
0x51: {  	_ =	shalt  }
0x52: {  	_ =	shalt  }
0x53: {  	_ =	shalt  }
0x54: {  	_ =	shalt  }
0x55: {  	_ =	shalt  }
0x56: {  	_ =	shalt  }
0x57: {  	_ =	shalt  }
0x58: {  	_ =	shalt  }
0x59: {  	_ =	shalt  }
0x5a: {  	_ =	shalt  }
0x5b: {  	_ =	shalt  }
0x5c: {  	_ =	shalt  }
0x5d: {  	_ =	shalt  }
0x5e: {  	_ =	shalt  }
0x5f: {  	_ =	shalt  }
0x60: {  	_ =	shalt  }
0x61: {  	_ =	shalt  }
0x62: {  	_ =	shalt  }
0x63: {  	_ =	shalt  }
0x64: {  	_ =	shalt  }
0x65: {  	_ =	shalt  }
0x66: {  	_ =	shalt  }
0x67: {  	_ =	shalt  }
0x68: {  	_ =	shalt  }
0x69: {  	_ =	shalt  }
0x6a: {  	_ =	shalt  }
0x6b: {  	_ =	shalt  }
0x6c: {  	_ =	shalt  }
0x6d: {  	_ =	shalt  }
0x6e: {  	_ =	shalt  }
0x6f: {  	_ =	shalt  }
0x70: {  	_ =	shalt  }
0x71: {  	_ =	shalt  }
0x72: {  	_ =	shalt  }
0x73: {  	_ =	shalt  }
0x74: {  	_ =	shalt  }
0x75: {  	_ =	shalt  }
0x76: {  	_ =	shalt  }
0x77: {  	_ =	shalt  }
0x78: {  	_ =	shalt  }
0x79: {  	_ =	shalt  }
0x7a: {  	_ =	shalt  }
0x7b: {  	_ =	shalt  }
0x7c: {  	_ =	shalt  }
0x7d: {  	_ =	shalt  }
0x7e: {  	_ =	shalt  }
0x7f: {  	_ =	shalt  }
0x80: {  	_ =	shalt  }
0x81: {  	_ =	shalt  }
0x82: {  	_ =	shalt  }
0x83: {  	_ =	shalt  }
0x84: {  	_ =	shalt  }
0x85: {  	_ =	shalt  }
0x86: {  	_ =	shalt  }
0x87: {  	_ =	shalt  }
.Lfunc_end0:
.L_simem_size_0:
called_computation_lowered:
.L_overlay_start_0:
0x88: {  	s2 =	sld [smem:$0x3FD9]  }
0x89: {  	s3 =	sld [smem:$0x3FFE];
	_ =	sdelay $0x1  }
0x8a: {  	s1 =	srdreg.scid  }
0x8b: {  	s0 =	sand.u32 $0x1, s1  }
0x8c: {  	s18 =	sshll.u32 s0, $0xA;
	s2 =	sadd.s32 s3, s2  }
0x8d: {  	s2 =	sadd.s32 s2, s18  }
0x8e: {  	[smem:$0x3FC2] =	sst s2  }
0x8f: {  	_ = 	snop  }
0x90: {  	s2 =	sld [smem:$0x3FC8]  }
0x91: {  	s19 =	sld [smem:$0x3FD0];
	(tm) =	ssettm $0x1  }
0x92: {  	s4 =	sld [smem:$0x3FFB];
	_ =	sdelay $0x3  }
0x93: {  	_ =	strace s4  }
0x94: {  	s4 =	sld [smem:$0x3FFC];
	_ =	sdelay $0x3  }
0x95: {  	_ =	strace s4  }
0x96: {  	s4 =	sld [smem:$0x3FFD];
	_ =	sdelay $0x3  }
0x97: {  	_ =	strace s4  }
0x98: {  	_ =	strace $0x8FFFFFFF  }
0x99: {  	s20 =	sld [smem:$0x3FDB];
	_ =	sdelay $0x1  }
0x9a: {  	s5 =	simm.s32 $_scs_section_size  }
0x9b: {  	s6 =	simm.s32 $_size__tile_overlayer_lowered;
	s7 =	simm.s32 $_tile_overlayer_lowered  }
0x9c: {  	s23 =	simm.s32 $0x1BFF;
	s22 =	sshll.u32 s7, $0x1;
	s4 =	sadd.s32 s5, s20  }
0x9d: {  	s8 =	simm.s32 $0x0;
	s21 =	sshll.u32 s6, $0x1;
	s6 =	sadd.s32 s22, s4  }
0x9e: {  	[timem:s8], [sflag:s23] =	dma.local [hbm:s6], s21  }
0x9f: {  	_ =	swait.ge [sflag:s23], s21  }
0xa0: {  	s5 =	ssub.s32 $0x0, s21;
	[sflag:s23] =	ssyncset.done $0x0  }
0xa1: {  	[sflag:s23] =	ssyncadd.s32 s5;
	_ =	sdelay $0x1  }
0xa2: {  	s24 =	simm.s32 $0x1B8B  }
0xa3: {  	_ =	swait.ge [sflag:s24], $0x1  }
0xa4: {  	[sflag:s24] =	ssyncset.done $0x0  }
0xa5: {  	s25 =	simm.s32 $0x1B8E;
	[sflag:s24] =	ssyncadd.s32 $0xFFFFFFFF  }
0xa6: {  	s26 =	simm.s32 $execute0_lowered;
	[smem:$0x3FD2] =	sst s25  }
0xa7: {  	s5 =	sshll.u32 s26, $0x1;
	_ =	strace $0x80000046;
	[dreg:$0x1] =	wrdreg $0xFFFFFFFF  }
0xa8: {  	s28 =	simm.s32 $_size_execute0_lowered;
	s4 =	sadd.s32 s4, s5;
	[dreg:$0x0] =	wrdreg $0x0  }
0xa9: {  	s5 =	sshll.u32 s28, $0x1;
	[dreg:$0x2] =	wrdreg s4  }
0xaa: {  	[dreg:$0x3] =	wrdreg s5  }
0xab: {  	[dreg:$0x4] =	wrdreg $0xC0  }
0xac: {  	_ =	task [dreg:s8], $0x5FFFF  }
0xad: {  	[dreg:$0x1] =	wrdreg $0xFFFFFFFF  }
0xae: {  	[dreg:$0x0] =	wrdreg $0x60  }
0xaf: {  	[dreg:$0x2] =	wrdreg s2  }
0xb0: {  	[dreg:$0x3] =	wrdreg s19  }
0xb1: {  	[dreg:$0x4] =	wrdreg $0x53000  }
0xb2: {  	[dreg:$0x5] =	wrdreg $0x55800  }
0xb3: {  	[dreg:$0x6] =	wrdreg $0x9  }
0xb4: {  	_ =	task.clear_ibuf [dreg:s8], $0x7FFFF;
	_ =	strace $0x90000046  }
0xb5: {  	s29 =	simm.s32 $0x9;
	_ =	strace $0x80000048  }
0xb6: {  	_ =	swait.ge [sflag:s29], $0x1  }
0xb7: {  	[sflag:s29] =	ssyncadd.s32 $0xFFFFFFFF  }
0xb8: {  	_ =	strace $0x90000048  }
0xb9: {  	_ =	sfence  }
0xba: {  	s30 =	sld [smem:$0x0];
	_ =	sdelay $0x2  }
0xbb: {  	s31 =	sshll.u32 s1, $0xD;
	s1 =	sshrl.u32 s1, $0x2  }
0xbc: {  	s3 =	sand.u32 $0x4000, s31;
	s1 =	sadd.s32 s1, s30  }
0xbd: {  	s0 =	sor.u32 s3, s0;
	s1 =	sshll.u32 s1, $0x11  }
0xbe: {  	s0 =	sor.u32 s1, s0  }
0xbf: {  	s0 =	sadd.s32 $0x8F2B, s0  }
0xc0: {  	[sflag:s0] =	ssyncadd.remote.s32 $0x1  }
0xc1: {  	_ =	sfence.sel $0xFFFF  }
0xc2: {  	[dreg:$0x0] =	wrdreg $0xFFFFFFFF;
	(pc) =	sbr.abs _section_cstart, $3  }
0xc3: {  	[dreg:$0x1] =	wrdreg $0xFFFFFFFF  }
0xc4: {  	_ =	task.clear_ibuf [dreg:s8], $0x2FFFF;
	_ =	strace $0x9FFFFFFF  }
0xc5: {  	(tm) =	ssettm $0x7FFFFFFF  }
tec
execute0_lowered:
.L_overlay_start_1:
0x0: {  	(tag) =	ssettag $0x1  }
0x1: {  	s10 =	rddreg [dreg:$0x0]  }
0x2: {  	s9 =	rddreg [dreg:$0x1]  }
0x3: {  	s1 =	rddreg [dreg:$0x2]  }
0x4: {  	s2 =	rddreg [dreg:$0x3]  }
0x5: {  	s4 =	srdreg.scid;
	s0 =	rddreg [dreg:$0x4];
	s3 =	simm.s32 $0x0  }
0x6: {  	s16 =	simm.s32 $0x1;
	s17 =	simm.s32 $0x2;
	s18 =	simm.s32 $0x20  }
0x7: {  	s19 =	simm.s32 $0x10;
	s6 =	sand.u32 $0x1, s4;
	s4 =	stileid.u32  }
0x8: {  	s20 =	simm.s32 $0x0;
	[smem:$0x7FF] =	sst s3;
	s8 =	smul.u32 $0x280, s4  }
0x9: {  	s5 =	ssub.s32 $0x2, s6;
	_ =	strace $0x80000047;
	s12 =	smul.u32 $0x500, s4  }
0xa: {  	s28 =	sshll.u32 s4, $0x1;
	p0 =	slt.u32 s4, $0x2;
	s13 =	smul.u32 $0x9C, s4  }
0xb: {  	s14 =	sshll.u32 s6, $0x7;
	s15 =	smul.u32 $0x4E, s6;
	s7 =	sshrl.u32 s5, $0x1  }
0xc: {  	s11 =	ssub.s32 s5, s7;
	s5 =	simm.s32 $0x4F;
	s7 =	sor.u32 s6, s28  }
0xd: {  	s6 =	sadd.s32 s8, s1;
	s12 =	sor.u32 s14, s12;
	s14 =	simm.s32 $0x5000  }
0xe: {  	s5 =	simm.s32 @!p0 $0x4E;
	s7 =	smin.u32 s7, $0x4;
	s29 =	sadd.s32 $0x5000, s12  }
0xf: {  	s12 =	sshrl.u32 s12, $0x3;
	p0 =	sgt.u32 s4, $0x1;
	s13 =	sadd.s32 s13, s7  }
0x10: {  	s7 =	sadd.s32 s8, s2;
	s30 =	sshrl.u32 s29, $0x3;
	s13 =	sadd.s32 s15, s13  }
0x11: {  	s8 =	sadd.s32 s9, s12;
	s12 =	simm.s32 $0x5080;
	s13 =	sshll.u32 s13, $0x5  }
0x12: {  	s9 =	sadd.s32 s9, s30;
	s15 =	simm.s32 $0x2800;
	s31 =	sadd.s32 s13, s10  }
0x13: {  	v0 =	vimm.f32 $1.000000000e+00;
	v1 =	vimm.f32 $0.0e+00;
	s10 =	smax.u32 s11, $0x1;
	s13 =	simm.s32 $0x3;
	s11 =	sadd.s32 $0x10, s31  }
.LBB2_1:
0x14: {  	p1 =	sle.u32 s5, $0x0;
	s22 =	sadd.s32 $0x20, s11;
	s23 =	simm.s32 $0x80  }
0x15: {  	s24 =	simm.s32 $0x2880;
	s21 =	sadd.s32 @!p1 $0xFFFFFFF0, s11;
	s25 =	simm.s32 @!p1 $0x0  }
0x16: {  	[tilespmem:s3], [sflag:$0x1] =	stream.linear.gather @!p1 [hbm4b:s21+s25], $0x80, $0x38;
	[tilespmem:$0x5800] =	vst v63  }
0x17: {  	s28 =	simm.s32 $0x2800;
	s26 =	smov.u32 s11;
	s21 =	simm.s32 $0x1  }
.LBB2_2:
0x18: {  	[tilespmem:s28], [sflag:$0x2] =	stream.linear.gather @!p1 [hbm4b:s26+s25], $0x80, $0x38;
	[tilespmem:$0x5800] =	vst v63  }
0x19: {  	s25 =	smov.u32 s21;
	s21 =	sadd.s32 $0x1, s21  }
0x1a: {  	p2 =	sne.s32 s21, $0x4F  }
.Ltmp0:
0x1b: {  	(pc) =	sbr.rel @p2 .LBB2_2-.Ltmp0, $4  }
0x1c: {  	s26 =	smov.u32 s22;
	p1 =	sge.u32 s25, s5  }
0x1d: {  	s28 =	smov.u32 s24;
	s29 =	sadd.s32 @!p1 $0xFFFFFFF0, s22;
	s25 =	simm.s32 @!p1 $0x0  }
0x1e: {  	[tilespmem:s23], [sflag:$0x1] =	stream.linear.gather @!p1 [hbm4b:s29+s25], $0x80, $0x38;
	[tilespmem:$0x5800] =	vst v63  }
0x1f: {  	s24 =	sadd.s32 $0x80, s24;
	s22 =	sadd.s32 $0x20, s22;
	s23 =	sadd.s32 $0x80, s23  }
0x20: {  	[tilespmem:s28], [sflag:$0x2] =	stream.linear.gather @!p1 [hbm4b:s26+s25], $0x80, $0x38;
	[tilespmem:$0x5800] =	vst v63  }
0x21: {  	[tilespmem:$0x5000] =	vst v0  }
0x22: {  	[tilespmem:$0x5010] =	vst v0  }
0x23: {  	[tilespmem:$0x5020] =	vst v0  }
0x24: {  	[tilespmem:$0x5030] =	vst v0  }
0x25: {  	[tilespmem:$0x5040] =	vst v0  }
0x26: {  	[tilespmem:$0x5050] =	vst v0  }
0x27: {  	[tilespmem:$0x5060] =	vst v0  }
0x28: {  	[tilespmem:$0x5070] =	vst v0  }
0x29: {  	[tilespmem:$0x5080] =	vst v1  }
0x2a: {  	[tilespmem:$0x5090] =	vst v1  }
0x2b: {  	[tilespmem:$0x50A0] =	vst v1  }
0x2c: {  	[tilespmem:$0x50B0] =	vst v1  }
0x2d: {  	[tilespmem:$0x50C0] =	vst v1  }
0x2e: {  	[tilespmem:$0x50D0] =	vst v1  }
0x2f: {  	[tilespmem:$0x50E0] =	vst v1  }
0x30: {  	[tilespmem:$0x50F0] =	vst v1  }
0x31: {  	[tilespmem:$0x5100] =	vst v1  }
0x32: {  	[tilespmem:$0x5110] =	vst v1  }
0x33: {  	[tilespmem:$0x5120] =	vst v1  }
0x34: {  	[tilespmem:$0x5130] =	vst v1  }
0x35: {  	[tilespmem:$0x5140] =	vst v1  }
0x36: {  	[tilespmem:$0x5150] =	vst v1  }
0x37: {  	[tilespmem:$0x5160] =	vst v1  }
0x38: {  	[tilespmem:$0x5170] =	vst v1  }
0x39: {  	[tilespmem:$0x5180] =	vst v1  }
0x3a: {  	[tilespmem:$0x5190] =	vst v1  }
0x3b: {  	[tilespmem:$0x51A0] =	vst v1  }
0x3c: {  	[tilespmem:$0x51B0] =	vst v1  }
0x3d: {  	[tilespmem:$0x51C0] =	vst v1  }
0x3e: {  	[tilespmem:$0x51D0] =	vst v1  }
0x3f: {  	[tilespmem:$0x51E0] =	vst v1  }
0x40: {  	[tilespmem:$0x51F0] =	vst v1  }
0x41: {  	[tilespmem:$0x5200] =	vst v1  }
0x42: {  	[tilespmem:$0x5210] =	vst v1  }
0x43: {  	[tilespmem:$0x5220] =	vst v1  }
0x44: {  	[tilespmem:$0x5230] =	vst v1  }
0x45: {  	[tilespmem:$0x5240] =	vst v1  }
0x46: {  	[tilespmem:$0x5250] =	vst v1  }
0x47: {  	[tilespmem:$0x5260] =	vst v1  }
0x48: {  	[tilespmem:$0x5270] =	vst v1  }
0x49: {  	[tilespmem:$0x5280] =	vst v1  }
0x4a: {  	[tilespmem:$0x5290] =	vst v1  }
0x4b: {  	[tilespmem:$0x52A0] =	vst v1  }
0x4c: {  	[tilespmem:$0x52B0] =	vst v1  }
0x4d: {  	[tilespmem:$0x52C0] =	vst v1  }
0x4e: {  	[tilespmem:$0x52D0] =	vst v1  }
0x4f: {  	[tilespmem:$0x52E0] =	vst v1  }
0x50: {  	[tilespmem:$0x52F0] =	vst v1  }
0x51: {  	[spmem:s6] =	stream.linear.scatter [tilespmem:s12], [sflag:$0x3], $0x280, $0x38;
	[tilespmem:$0x5800] =	vst v63  }
0x52: {  	_ =	swait.ge [sflag:s13], $0x280  }
0x53: {  	[sflag:s13] =	ssyncset.done $0x0  }
0x54: {  	[sflag:s13] =	ssyncadd.s32 $0xFFFFFD80  }
0x55: {  	[spmem:s7] =	stream.linear.scatter [tilespmem:s12], [sflag:$0x3], $0x280, $0x38;
	[tilespmem:$0x5800] =	vst v63  }
0x56: {  	_ =	swait.ge [sflag:s13], $0x280  }
0x57: {  	p1 =	sle.u32 s5, $0x0;
	[sflag:s13] =	ssyncset.done $0x0  }
0x58: {  	s21 =	simm.s32 @!p1 $0x1;
	p1 =	por p1, p1;
	[sflag:s13] =	ssyncadd.s32 $0xFFFFFD80  }
0x59: {  	_ =	swait.ge @!p1 [sflag:s21], $0x80  }
0x5a: {  	[sflag:s21] =	ssyncset.done @!p1 $0x0  }
0x5b: {  	s22 =	simm.s32 @!p1 $0x2;
	[sflag:s21] =	ssyncadd.s32 @!p1 $0xFFFFFF80  }
0x5c: {  	_ =	swait.ge @!p1 [sflag:s22], $0x80  }
0x5d: {  	p2 =	sle.u32 s5, $0x1;
	s21 =	simm.s32 $0x2;
	[sflag:s22] =	ssyncset.done @!p1 $0x0  }
.LBB2_4:
0x5e: {  	s23 =	simm.s32 @!p2 $0x1;
	s24 =	smov.u32 s21;
	s21 =	sadd.s32 $0x1, s21  }
0x5f: {  	[sflag:s22] =	ssyncadd.s32 @!p1 $0xFFFFFF80;
	p1 =	por p2, p2;
	p3 =	sne.s32 s21, $0x4F  }
.Ltmp1:
0x60: {  	_ =	swait.ge @!p1 [sflag:s23], $0x80;
	(pc) =	sbr.rel @p3 .LBB2_4-.Ltmp1, $4  }
0x61: {  	[sflag:s23] =	ssyncset.done @!p1 $0x0  }
0x62: {  	s22 =	simm.s32 @!p1 $0x2;
	[sflag:s23] =	ssyncadd.s32 @!p1 $0xFFFFFF80  }
0x63: {  	_ =	swait.ge @!p1 [sflag:s22], $0x80  }
0x64: {  	p2 =	sge.u32 s24, s5;
	[sflag:s22] =	ssyncset.done @!p1 $0x0  }
0x65: {  	s21 =	simm.s32 @!p2 $0x1;
	[sflag:s22] =	ssyncadd.s32 @!p1 $0xFFFFFF80;
	p1 =	por p2, p2  }
0x66: {  	_ =	swait.ge @!p1 [sflag:s21], $0x80  }
0x67: {  	[sflag:s21] =	ssyncset.done @!p1 $0x0  }
0x68: {  	[sflag:s21] =	ssyncadd.s32 @!p1 $0xFFFFFF80;
	s21 =	simm.s32 @!p1 $0x2  }
0x69: {  	_ =	swait.ge @!p1 [sflag:s21], $0x80  }
0x6a: {  	[sflag:s21] =	ssyncset.done @!p1 $0x0  }
0x6b: {  	[sflag:s21] =	ssyncadd.s32 @!p1 $0xFFFFFF80  }
0x6c: {  	s21 =	simm.s32 $0x80;
	[bflag:$0x0] =	sbarrier.arrive $0xFFFF  }
0x6d: {  	[spmem:s1] =	stream.indirect.scatter.add.f32 [tilespmem:s14], [sflag:$0x1], $0x1, s3, s21, $0xb8;
	[tilespmem:$0x5800] =	vst v63  }
0x6e: {  	p1 =	sle.u32 s5, $0x1  }
0x6f: {  	[spmem:s2] =	stream.indirect.scatter.add.f32 [tilespmem:s14], [sflag:$0x2], $0x1, s15, s21, $0xb8;
	[tilespmem:$0x5800] =	vst v63  }
0x70: {  	s22 =	simm.s32 @!p1 $0x80;
	s23 =	simm.s32 @!p1 $0x5000  }
0x71: {  	[spmem:s1] =	stream.indirect.scatter.add.f32 @!p1 [tilespmem:s23], [sflag:$0x1], $0x1, s21, s22, $0xb8;
	[tilespmem:$0x5800] =	vst v63  }
0x72: {  	s21 =	simm.s32 $0x2880  }
0x73: {  	[spmem:s2] =	stream.indirect.scatter.add.f32 @!p1 [tilespmem:s23], [sflag:$0x2], $0x1, s21, s22, $0xb8;
	[tilespmem:$0x5800] =	vst v63  }
0x74: {  	_ =	swait.ge [sflag:s16], $0x80  }
0x75: {  	[sflag:s16] =	ssyncset.done $0x0  }
0x76: {  	[sflag:s16] =	ssyncadd.s32 $0xFFFFFF80  }
0x77: {  	s22 =	simm.s32 $0x3;
	s21 =	simm.s32 $0x2900;
	_ =	swait.ge [sflag:s17], $0x80  }
0x78: {  	p1 =	sle.u32 s5, $0x2;
	s23 =	simm.s32 $0x100;
	[sflag:s17] =	ssyncset.done $0x0  }
.LBB2_6:
0x79: {  	s24 =	simm.s32 @!p1 $0x80;
	s25 =	simm.s32 @!p1 $0x5000  }
0x7a: {  	[sflag:s17] =	ssyncadd.s32 $0xFFFFFF80;
	s26 =	smov.u32 s22;
	s22 =	sadd.s32 $0x1, s22  }
0x7b: {  	[spmem:s1] =	stream.indirect.scatter.add.f32 @!p1 [tilespmem:s25], [sflag:$0x1], $0x1, s23, s24, $0xb8;
	[tilespmem:$0x5800] =	vst v63  }
0x7c: {  	p2 =	sne.s32 s22, $0x4F  }
0x7d: {  	[spmem:s2] =	stream.indirect.scatter.add.f32 @!p1 [tilespmem:s25], [sflag:$0x2], $0x1, s21, s24, $0xb8;
	[tilespmem:$0x5800] =	vst v63  }
.Ltmp2:
0x7e: {  	_ =	swait.ge [sflag:s16], $0x80;
	(pc) =	sbr.rel @p2 .LBB2_6-.Ltmp2, $4  }
0x7f: {  	[sflag:s16] =	ssyncset.done $0x0  }
0x80: {  	[sflag:s16] =	ssyncadd.s32 $0xFFFFFF80  }
0x81: {  	s21 =	sadd.s32 $0x80, s21;
	_ =	swait.ge [sflag:s17], $0x80  }
0x82: {  	s23 =	sadd.s32 $0x80, s23;
	p1 =	sge.u32 s26, s5;
	[sflag:s17] =	ssyncset.done $0x0  }
0x83: {  	s22 =	simm.s32 @!p1 $0x80;
	s24 =	simm.s32 @!p1 $0x5000;
	[sflag:s17] =	ssyncadd.s32 $0xFFFFFF80  }
0x84: {  	[spmem:s1] =	stream.indirect.scatter.add.f32 @!p1 [tilespmem:s24], [sflag:$0x1], $0x1, s23, s22, $0xb8;
	[tilespmem:$0x5800] =	vst v63  }
0x85: {  	_ = 	snop  }
0x86: {  	[spmem:s2] =	stream.indirect.scatter.add.f32 @!p1 [tilespmem:s24], [sflag:$0x2], $0x1, s21, s22, $0xb8;
	[tilespmem:$0x5800] =	vst v63  }
0x87: {  	_ =	swait.ge [sflag:s16], $0x80  }
0x88: {  	[sflag:s16] =	ssyncset.done $0x0  }
0x89: {  	[sflag:s16] =	ssyncadd.s32 $0xFFFFFF80  }
0x8a: {  	_ =	swait.ge [sflag:s17], $0x80  }
0x8b: {  	[sflag:s17] =	ssyncset.done $0x0  }
0x8c: {  	s21 =	simm.s32 @!p0 $0x1;
	[sflag:s17] =	ssyncadd.s32 $0xFFFFFF80  }
0x8d: {  	_ =	swait.ge @!p0 [sflag:s21], $0x80  }
0x8e: {  	[sflag:s21] =	ssyncset.done @!p0 $0x0  }
0x8f: {  	[sflag:s21] =	ssyncadd.s32 @!p0 $0xFFFFFF80;
	s21 =	simm.s32 @!p0 $0x2  }
0x90: {  	_ =	swait.ge @!p0 [sflag:s21], $0x80  }
0x91: {  	[sflag:s21] =	ssyncset.done @!p0 $0x0  }
0x92: {  	s29 =	sshll.u32 s4, $0x6;
	[sflag:s21] =	ssyncadd.s32 @!p0 $0xFFFFFF80  }
0x93: {  	s30 =	sshrl.u32 s6, $0x3;
	s21 =	sor.u32 $0x1C03, s29;
	[bflag:$0x0] =	sbarrier.arrive $0xFFFF  }
0x94: {  	[hbm:s8@s18], [sflag:s21] =	dma.strided [spmem:s30@s19], $0x50, s16, $0x10   }
0x95: {  	s20 =	sadd.s32 $0x1, s20;
	_ =	swait.ge [sflag:s13], $0x50  }
0x96: {  	p1 =	sne.s32 s20, s10;
	[sflag:s13] =	ssyncset.done $0x0  }
.Ltmp3:
0x97: {  	s31 =	sshrl.u32 s7, $0x3;
	[sflag:s13] =	ssyncadd.s32 $0xFFFFFFB0;
	(pc) =	sbr.rel @p1 .LBB2_1-.Ltmp3, $4  }
0x98: {  	[hbm:s9@s18], [sflag:s21] =	dma.strided [spmem:s31@s19], $0x50, s16, $0x10   }
0x99: {  	_ =	swait.ge [sflag:s13], $0x50  }
0x9a: {  	[sflag:s13] =	ssyncset.done $0x0  }
0x9b: {  	[sflag:s13] =	ssyncadd.s32 $0xFFFFFFB0  }
0x9c: {  	_ =	sfence.sel $0x180000  }
0x9d: {  	[bflag:$0x0] =	sbarrier.arrive $0xFFFF  }
0x9e: {  	p0 =	sne.s32 s4, $0x0;
	_ =	strace $0x90000047  }
0x9f: {  	s0 =	sadd.s32 @!p0 $0x100000, s0;
	[bflag:$0x2] =	sbarrier.arrive $0xFFFF  }
0xa0: {  	[sflag:s0] =	ssyncadd.tile.s32 @!p0 $0x1;
	_ =	shalt  }
.Lfunc_end2:
_tile_overlayer_lowered:
.L_overlay_start_2:
0xa1: {  	(tag) =	ssettag $0x2  }
0xa2: {  	s0 =	rddreg [dreg:$0x0];
	s2 =	stileid.u32  }
0xa3: {  	s1 =	rddreg [dreg:$0x1];
	p0 =	sne.s32 s2, $0x0  }
0xa4: {  	s3 =	rddreg [dreg:$0x2];
	[bflag:$0x3] =	sbarrier.arrive $0xFFFF;
	s2 =	simm.s32 @!p0 $0x1C03  }
0xa5: {  	[timem:s3], [sflag:s2] =	dma.local @!p0 [hbm:s0], s1  }
0xa6: {  	s0 =	simm.s32 @!p0 $0x3  }
0xa7: {  	_ =	swait.ge @!p0 [sflag:s0], s1  }
0xa8: {  	s1 =	ssub.s32 @!p0 $0x0, s1;
	[sflag:s0] =	ssyncset.done @!p0 $0x0  }
0xa9: {  	[sflag:s0] =	ssyncadd.s32 @!p0 s1  }
0xaa: {  	[bflag:$0x3] =	sbarrier.arrive $0xFFFF  }
0xab: {  	_ =	shalt  }

</sc_bundles>
